<compile_context>
chip_gen: v7x
topology: tpu7x:2x2x1
jax: 0.10.2.dev20260603
libtpu: 0.0.44.dev20260713+nightly
codegen_flags: <defaults>
</compile_context>

<pallas_src>
import functools

import jax
import jax.numpy as jnp
import numpy as np
from jax.experimental import pallas as pl
from jax.experimental.pallas import tpu as pltpu

B, N, DIM = 1, 2048, 1024
H, KVH, D = 16, 4, 64
REP = H // KVH
BLOCK, STRIDE, SELBLK, NSEL, WINDOW = 64, 32, 64, 16, 16
NEG = -1e9
SCALE = D ** -0.5
W_BLK = (N - BLOCK) // STRIDE + 1
S_BLK = N // SELBLK
NCHUNK = N // STRIDE

NB1 = 256
NB3 = 256
QB = 128


def _dotf(a, b, dims):
    return jax.lax.dot_general(a, b, dims, preferred_element_type=jnp.float32)


def _proj_kernel(x_ref, nw_ref, wq_ref, wk_ref, wv_ref, wg_ref, cos_ref, sin_ref,
                 q_ref, kr_ref, k_ref, v_ref, g_ref):
    xr = x_ref[...]
    ms = jnp.mean(xr * xr, axis=1, keepdims=True)
    xn = xr * jax.lax.rsqrt(ms + 1e-6) * nw_ref[...]
    c = cos_ref[...]
    s = sin_ref[...]

    qm = _dotf(xn, wq_ref[...], (((1,), (0,)), ((), ())))
    for h in range(H):
        t = qm[:, h * D:(h + 1) * D]
        t1 = t[:, :D // 2]
        t2 = t[:, D // 2:]
        q_ref[h, :, :D // 2] = t1 * c - t2 * s
        q_ref[h, :, D // 2:] = t1 * s + t2 * c

    km = _dotf(xn, wk_ref[...], (((1,), (0,)), ((), ())))
    for g in range(KVH):
        t = km[:, g * D:(g + 1) * D]
        k_ref[g, :, :] = t
        t1 = t[:, :D // 2]
        t2 = t[:, D // 2:]
        kr_ref[g, :, :D // 2] = t1 * c - t2 * s
        kr_ref[g, :, D // 2:] = t1 * s + t2 * c

    vm = _dotf(xn, wv_ref[...], (((1,), (0,)), ((), ())))
    for g in range(KVH):
        v_ref[g, :, :] = vm[:, g * D:(g + 1) * D]

    gm = _dotf(xn, wg_ref[...], (((1,), (0,)), ((), ())))
    g_ref[...] = jax.nn.sigmoid(gm)


def _summary_kernel(kf_ref, vf_ref, wkc_ref, wvc_ref, kp_ref, vp_ref,
                    mck_ref, mcv_ref, ck_ref, cv_ref):
    half = STRIDE * D
    ka = kf_ref[0, :, :]
    va = vf_ref[0, :, :]
    dims = (((1,), (0,)), ((), ()))
    pk = _dotf(ka, wkc_ref[:half, :], dims)
    qk = _dotf(ka, wkc_ref[half:, :], dims)
    pv = _dotf(va, wvc_ref[:half, :], dims)
    qv = _dotf(va, wvc_ref[half:, :], dims)
    bk = _dotf(kp_ref[0, :, :], wkc_ref[...], (((1,), (0,)), ((), ())))
    bv = _dotf(vp_ref[0, :, :], wvc_ref[...], (((1,), (0,)), ((), ())))
    ck_ref[0, 0:1, :] = mck_ref[0, :, :]
    cv_ref[0, 0:1, :] = mcv_ref[0, :, :]
    ck_ref[0, 1:, :] = pk[:W_BLK, :] + qk[1:, :] + bk
    cv_ref[0, 1:, :] = pv[:W_BLK, :] + qv[1:, :] + bv


def _attn_kernel(q_ref, kr_ref, v_ref, ck_ref, cv_ref, ov_ref, g_ref, wo_ref,
                 out_ref, acc_ref, comb_ref):
    KC = 512
    BPC = KC // SELBLK
    qb = pl.program_id(0)
    gv = g_ref[...]
    r_id = jax.lax.broadcasted_iota(jnp.int32, (QB, KC), 0)
    c_id = jax.lax.broadcasted_iota(jnp.int32, (QB, KC), 1)
    et = jax.lax.broadcasted_iota(jnp.int32, (S_BLK, KC), 0)
    ec = jax.lax.broadcasted_iota(jnp.int32, (S_BLK, KC), 1) // SELBLK
    trips = qb * QB // KC + 1

    for g in range(KVH):
        qv = q_ref[REP * g:REP * (g + 1), :, :]
        ck = ck_ref[g, :, :]
        cv = cv_ref[g, :, :]
        s = _dotf(qv, ck, (((2,), (1,)), ((), ()))) * SCALE
        n_id = qb * QB + jax.lax.broadcasted_iota(jnp.int32, s.shape, 1)
        w_id = jax.lax.broadcasted_iota(jnp.int32, s.shape, 2)
        mask = (w_id == 0) | (w_id * STRIDE + BLOCK - STRIDE - 1 <= n_id)
        s = jnp.where(mask, s, NEG)
        m = jnp.max(s, axis=2, keepdims=True)
        e = jnp.exp(s - m)
        attn = e / jnp.sum(e, axis=2, keepdims=True)
        c_g = _dotf(attn, cv, (((2,), (0,)), ((), ())))

        imp = jnp.mean(attn, axis=0)
        sel = _dotf(imp, ov_ref[...], (((1,), (0,)), ((), ())))
        n1 = qb * QB + jax.lax.broadcasted_iota(jnp.int32, sel.shape, 0)
        t1 = jax.lax.broadcasted_iota(jnp.int32, sel.shape, 1)
        sel = jnp.where(t1 * SELBLK > n1, NEG, sel)
        sel = sel + jnp.where(t1 == n1 // SELBLK, 1e4, 0.0)
        vk = sel[:, :, None]
        vj = sel[:, None, :]
        kk = jax.lax.broadcasted_iota(jnp.int32, (QB, S_BLK, S_BLK), 1)
        jj = jax.lax.broadcasted_iota(jnp.int32, (QB, S_BLK, S_BLK), 2)
        beats = (vk > vj) | ((vk == vj) & (kk < jj))
        rank = jnp.sum(beats.astype(jnp.float32), axis=1)
        bmv = (rank < NSEL).astype(jnp.float32)

        acc_ref[...] = jnp.zeros((REP, QB, D), jnp.float32)

        def body(j, carry):
            m_old, den_old = carry
            kc = kr_ref[g, pl.ds(j * KC, KC), :]
            sc = _dotf(qv, kc, (((2,), (1,)), ((), ()))) * SCALE
            ef = (et == BPC * j + ec).astype(jnp.float32)
            keymask = _dotf(bmv, ef, (((1,), (0,)), ((), ())))
            causal = (j * KC + c_id) <= (qb * QB + r_id)
            full = (keymask > 0.5) & causal
            sc = jnp.where(full[None], sc, NEG)
            m_new = jnp.maximum(m_old, jnp.max(sc, axis=2, keepdims=True))
            alpha = jnp.exp(m_old - m_new)
            p = jnp.exp(sc - m_new)
            den = den_old * alpha + jnp.sum(p, axis=2, keepdims=True)
            vc = v_ref[g, pl.ds(j * KC, KC), :]
            pv = _dotf(p, vc, (((2,), (0,)), ((), ())))
            acc_ref[...] = acc_ref[...] * alpha + pv
            return m_new, den

        m0 = jnp.full((REP, QB, 1), -1e30, jnp.float32)
        d0 = jnp.zeros((REP, QB, 1), jnp.float32)
        _, den = jax.lax.fori_loop(0, trips, body, (m0, d0))
        f_g = acc_ref[...] / den

        base = jnp.maximum(qb - 1, 0) * QB
        kw = kr_ref[g, pl.ds(base, 2 * QB), :]
        vw = v_ref[g, pl.ds(base, 2 * QB), :]
        sw = _dotf(qv, kw, (((2,), (1,)), ((), ()))) * SCALE
        nw_id = qb * QB + jax.lax.broadcasted_iota(jnp.int32, sw.shape, 1)
        mw_id = base + jax.lax.broadcasted_iota(jnp.int32, sw.shape, 2)
        dlt = nw_id - mw_id
        sw = jnp.where((dlt >= 0) & (dlt < WINDOW), sw, NEG)
        mw = jnp.max(sw, axis=2, keepdims=True)
        ew = jnp.exp(sw - mw)
        pw = ew / jnp.sum(ew, axis=2, keepdims=True)
        s_g = _dotf(pw, vw, (((2,), (0,)), ((), ())))

        for r in range(REP):
            h = REP * g + r
            comb_ref[:, h * D:(h + 1) * D] = (
                gv[:, h:h + 1] * c_g[r]
                + gv[:, H + h:H + h + 1] * f_g[r]
                + gv[:, 2 * H + h:2 * H + h + 1] * s_g[r])

    out_ref[...] = _dotf(comb_ref[...], wo_ref[...], (((1,), (0,)), ((), ())))


def _perm_maps():
    p = np.concatenate([np.arange(0, D, 2), np.arange(1, D, 2)])
    return p


@jax.jit
def kernel(x, freqs_cis, norm_w, Wq, Wk, Wv, k_pos, v_pos, Wkc, Wvc,
           mem_ck, mem_cv, Wg, Wo):
    del freqs_cis
    f32 = jnp.float32
    P = _perm_maps()
    colq = (np.arange(H * D) // D) * D + P[np.arange(H * D) % D]
    colk = (np.arange(KVH * D) // D) * D + P[np.arange(KVH * D) % D]
    rowc = (np.arange(BLOCK * D) // D) * D + P[np.arange(BLOCK * D) % D]

    Wq_p = Wq[:, colq]
    Wk_p = Wk[:, colk]
    Wv_p = Wv[:, colk]
    Wkc_p = Wkc[rowc][:, P]
    Wvc_p = Wvc[rowc][:, P]
    k_pos_p = k_pos[..., P].reshape(KVH, 1, BLOCK * D)
    v_pos_p = v_pos[..., P].reshape(KVH, 1, BLOCK * D)
    mem_ck_p = mem_ck[..., P].reshape(KVH, 1, D)
    mem_cv_p = mem_cv[..., P].reshape(KVH, 1, D)
    Wo_p = Wo[colq, :]

    inv = 1.0 / (10000.0 ** (jnp.arange(0, D, 2, dtype=f32) / D))
    ang = jnp.arange(N, dtype=f32)[:, None] * inv[None, :]
    cos, sin = jnp.cos(ang), jnp.sin(ang)

    xr = x.reshape(N, DIM)

    q, kr, k, v, gates = pl.pallas_call(
        _proj_kernel,
        grid=(N // NB1,),
        in_specs=[
            pl.BlockSpec((NB1, DIM), lambda i: (i, 0)),
            pl.BlockSpec((1, DIM), lambda i: (0, 0)),
            pl.BlockSpec((DIM, H * D), lambda i: (0, 0)),
            pl.BlockSpec((DIM, KVH * D), lambda i: (0, 0)),
            pl.BlockSpec((DIM, KVH * D), lambda i: (0, 0)),
            pl.BlockSpec((DIM, 3 * H), lambda i: (0, 0)),
            pl.BlockSpec((NB1, D // 2), lambda i: (i, 0)),
            pl.BlockSpec((NB1, D // 2), lambda i: (i, 0)),
        ],
        out_specs=[
            pl.BlockSpec((H, NB1, D), lambda i: (0, i, 0)),
            pl.BlockSpec((KVH, NB1, D), lambda i: (0, i, 0)),
            pl.BlockSpec((KVH, NB1, D), lambda i: (0, i, 0)),
            pl.BlockSpec((KVH, NB1, D), lambda i: (0, i, 0)),
            pl.BlockSpec((NB1, 3 * H), lambda i: (i, 0)),
        ],
        out_shape=[
            jax.ShapeDtypeStruct((H, N, D), f32),
            jax.ShapeDtypeStruct((KVH, N, D), f32),
            jax.ShapeDtypeStruct((KVH, N, D), f32),
            jax.ShapeDtypeStruct((KVH, N, D), f32),
            jax.ShapeDtypeStruct((N, 3 * H), f32),
        ],
    )(xr, norm_w.reshape(1, DIM), Wq_p, Wk_p, Wv_p, Wg, cos, sin)

    kflat = k.reshape(KVH, NCHUNK, STRIDE * D)
    vflat = v.reshape(KVH, NCHUNK, STRIDE * D)

    ck, cv = pl.pallas_call(
        _summary_kernel,
        grid=(KVH,),
        in_specs=[
            pl.BlockSpec((1, NCHUNK, STRIDE * D), lambda g: (g, 0, 0)),
            pl.BlockSpec((1, NCHUNK, STRIDE * D), lambda g: (g, 0, 0)),
            pl.BlockSpec((BLOCK * D, D), lambda g: (0, 0)),
            pl.BlockSpec((BLOCK * D, D), lambda g: (0, 0)),
            pl.BlockSpec((1, 1, BLOCK * D), lambda g: (g, 0, 0)),
            pl.BlockSpec((1, 1, BLOCK * D), lambda g: (g, 0, 0)),
            pl.BlockSpec((1, 1, D), lambda g: (g, 0, 0)),
            pl.BlockSpec((1, 1, D), lambda g: (g, 0, 0)),
        ],
        out_specs=[
            pl.BlockSpec((1, W_BLK + 1, D), lambda g: (g, 0, 0)),
            pl.BlockSpec((1, W_BLK + 1, D), lambda g: (g, 0, 0)),
        ],
        out_shape=[
            jax.ShapeDtypeStruct((KVH, W_BLK + 1, D), f32),
            jax.ShapeDtypeStruct((KVH, W_BLK + 1, D), f32),
        ],
    )(kflat, vflat, Wkc_p, Wvc_p, k_pos_p, v_pos_p, mem_ck_p, mem_cv_p)

    ovl = np.zeros((W_BLK + 1, S_BLK), np.float32)
    for j in range(W_BLK):
        st, en = j * STRIDE, j * STRIDE + BLOCK
        for t in range(S_BLK):
            if st < (t + 1) * SELBLK and en > t * SELBLK:
                ovl[j + 1, t] = 1.0
    ovl = jnp.asarray(ovl)

    out = pl.pallas_call(
        _attn_kernel,
        grid=(N // QB,),
        in_specs=[
            pl.BlockSpec((H, QB, D), lambda i: (0, i, 0)),
            pl.BlockSpec((KVH, N, D), lambda i: (0, 0, 0)),
            pl.BlockSpec((KVH, N, D), lambda i: (0, 0, 0)),
            pl.BlockSpec((KVH, W_BLK + 1, D), lambda i: (0, 0, 0)),
            pl.BlockSpec((KVH, W_BLK + 1, D), lambda i: (0, 0, 0)),
            pl.BlockSpec((W_BLK + 1, S_BLK), lambda i: (0, 0)),
            pl.BlockSpec((QB, 3 * H), lambda i: (i, 0)),
            pl.BlockSpec((H * D, DIM), lambda i: (0, 0)),
        ],
        out_specs=pl.BlockSpec((QB, DIM), lambda i: (i, 0)),
        out_shape=jax.ShapeDtypeStruct((N, DIM), f32),
        scratch_shapes=[pltpu.VMEM((REP, QB, D), f32),
                        pltpu.VMEM((QB, H * D), f32)],
    )(q, kr, v, ck, cv, ovl, gates, Wo_p)

    return out.reshape(B, N, DIM)

# --- scband reference (transcript-rebuilt; emitter-appended) ---
"""Pipeline reference for scband-nsaattention-17549236371863 (READ-ONLY COPY).

The authoritative reference and input builder live on the scoring server;
editing this copy changes nothing except your own understanding.
"""

import jax, jax.numpy as jnp
import numpy as np

B, N, DIM = 1, 2048, 1024
H, KVH, D = 16, 4, 64
BLOCK, STRIDE, SELBLK, NSEL, WINDOW = 64, 32, 64, 16, 16
NEG = -1e9

def _rmsnorm(x, w):
    return x * jax.lax.rsqrt(jnp.mean(x * x, axis=-1, keepdims=True) + 1e-6) * w

def _rope(t):
    n, d = t.shape[-2], t.shape[-1]
    inv = 1.0 / (10000.0 ** (jnp.arange(0, d, 2, dtype=jnp.float32) / d))
    ang = jnp.arange(n, dtype=jnp.float32)[:, None] * inv[None, :]
    cos, sin = jnp.cos(ang), jnp.sin(ang)
    t1, t2 = t[..., 0::2], t[..., 1::2]
    return jnp.stack([t1 * cos - t2 * sin, t1 * sin + t2 * cos], axis=-1).reshape(t.shape)

def _sel_overlap():
    w_blk = (N - BLOCK) // STRIDE + 1
    s_blk = N // SELBLK
    M = np.zeros((w_blk, s_blk), np.float32)
    for j in range(w_blk):
        st, en = j * STRIDE, j * STRIDE + BLOCK
        for t in range(s_blk):
            if st < (t + 1) * SELBLK and en > t * SELBLK:
                M[j, t] = 1.0
    return jnp.asarray(M)

def _nsa_forward(x, norm_w, Wq, Wk, Wv, k_pos, v_pos, Wkc, Wvc, mem_ck, mem_cv, Wg, Wo):
    b, n, dim = x.shape
    rep = H // KVH
    scale = D ** -0.5
    pos = jnp.arange(n)
    xn = _rmsnorm(x, norm_w)
    q = (xn @ Wq).reshape(b, n, H, D).transpose(0, 2, 1, 3)
    k = (xn @ Wk).reshape(b, n, KVH, D).transpose(0, 2, 1, 3)
    v = (xn @ Wv).reshape(b, n, KVH, D).transpose(0, 2, 1, 3)
    qg = _rope(q).reshape(b, KVH, rep, n, D)
    kr = _rope(k)
    # --- compressed coarse branch: overlapping blocks -> per-block MLP summary kv ---
    w_blk = (n - BLOCK) // STRIDE + 1
    bidx = STRIDE * jnp.arange(w_blk)[:, None] + jnp.arange(BLOCK)[None, :]
    kb = k[:, :, bidx] + k_pos[None, :, None]
    vb = v[:, :, bidx] + v_pos[None, :, None]
    ck = kb.reshape(b, KVH, w_blk, BLOCK * D) @ Wkc
    cv = vb.reshape(b, KVH, w_blk, BLOCK * D) @ Wvc
    ck = jnp.concatenate([jnp.broadcast_to(mem_ck[None], (b, KVH, 1, D)), ck], axis=2)
    cv = jnp.concatenate([jnp.broadcast_to(mem_cv[None], (b, KVH, 1, D)), cv], axis=2)
    csim = jnp.einsum('bghnd,bgwd->bghnw', qg, ck) * scale
    blk_end = jnp.arange(w_blk) * STRIDE + BLOCK - 1
    cmask = jnp.concatenate([jnp.ones((n, 1), bool), blk_end[None, :] <= pos[:, None]], axis=1)
    csim = jnp.where(cmask[None, None, None], csim, NEG)
    cattn = jax.nn.softmax(csim, axis=-1)
    c_out = jnp.einsum('bghnw,bgwd->bghnd', cattn, cv)
    # --- fine branch: top-k block selection driven by compressed attention importance ---
    s_blk = n // SELBLK
    imp = cattn[..., 1:].mean(axis=2)
    sel_imp = jnp.einsum('bgnw,ws->bgns', imp, _sel_overlap())
    future = (jnp.arange(s_blk) * SELBLK)[None, :] > pos[:, None]
    sel_imp = jnp.where(future[None, None], NEG, sel_imp)
    sel_imp = sel_imp + (jax.nn.one_hot(pos // SELBLK, s_blk, dtype=jnp.float32) * 1e4)[None, None]
    _, sel_idx = jax.lax.top_k(sel_imp, NSEL)
    blk_mask = jnp.sum(jax.nn.one_hot(sel_idx, s_blk, dtype=jnp.float32), axis=3) > 0
    fmask = jnp.repeat(blk_mask, SELBLK, axis=-1) & (pos[None, :] <= pos[:, None])[None, None]
    fsim = jnp.einsum('bghnd,bgmd->bghnm', qg, kr) * scale
    fsim = jnp.where(fmask[:, :, None], fsim, NEG)
    fattn = jax.nn.softmax(fsim, axis=-1)
    f_out = jnp.einsum('bghnm,bgmd->bghnd', fattn, v)
    # --- sliding window branch ---
    widx = pos[:, None] - (WINDOW - 1 - jnp.arange(WINDOW))[None, :]
    wvalid = widx >= 0
    widxc = jnp.clip(widx, 0, n - 1)
    kw = kr[:, :, widxc]
    vw = v[:, :, widxc]
    ssim = jnp.einsum('bghnd,bgnwd->bghnw', qg, kw) * scale
    ssim = jnp.where(wvalid[None, None, None], ssim, NEG)
    sattn = jax.nn.softmax(ssim, axis=-1)
    s_out = jnp.einsum('bghnw,bgnwd->bghnd', sattn, vw)
    # --- learned sigmoid gate combine of the three strategies ---
    gates = jax.nn.sigmoid(xn @ Wg).reshape(b, n, 3, H).transpose(2, 0, 3, 1).reshape(3, b, KVH, H // KVH, n)
    out = gates[0][..., None] * c_out + gates[1][..., None] * f_out + gates[2][..., None] * s_out
    out = out.reshape(b, H, n, D).transpose(0, 2, 1, 3).reshape(b, n, H * D)
    return out @ Wo

def setup_inputs(seed: int = 0):
    key = jax.random.key(seed)
    ks = jax.random.split(key, 14)
    def nrm(k, shape, s=0.02):
        return jax.random.normal(k, shape, jnp.float32) * s
    return {
        'x': jax.random.normal(ks[0], (B, N, DIM), jnp.float32),
        'freqs_cis': jax.random.normal(ks[1], (N, D // 2), jnp.float32),
        'norm_w': jnp.ones((DIM,), jnp.float32),
        'Wq': nrm(ks[2], (DIM, H * D)),
        'Wk': nrm(ks[3], (DIM, KVH * D)),
        'Wv': nrm(ks[4], (DIM, KVH * D)),
        'k_pos': nrm(ks[5], (KVH, BLOCK, D)),
        'v_pos': nrm(ks[6], (KVH, BLOCK, D)),
        'Wkc': nrm(ks[7], (BLOCK * D, D)),
        'Wvc': nrm(ks[8], (BLOCK * D, D)),
        'mem_ck': nrm(ks[9], (KVH, 1, D)),
        'mem_cv': nrm(ks[10], (KVH, 1, D)),
        'Wg': nrm(ks[11], (DIM, 3 * H)),
        'Wo': nrm(ks[12], (H * D, DIM)),
    }

def reference(x, freqs_cis, norm_w, Wq, Wk, Wv, k_pos, v_pos, Wkc, Wvc, mem_ck, mem_cv, Wg, Wo):
    # freqs_cis is accepted but unused, matching the torch module (SparseAttention applies its own rotary)
    return _nsa_forward(x, norm_w, Wq, Wk, Wv, k_pos, v_pos, Wkc, Wvc, mem_ck, mem_cv, Wg, Wo)

if __name__ == "__main__":
    import jax
    _d = setup_inputs()
    print(jax.jit(kernel)(*tuple(_d.values())))

</pallas_src>

<mosaic_0001>
module attributes {stable_mosaic.version = 14 : i64} {
  func.func @_proj_kernel(%arg0: i32, %arg1: memref<256x1024xf32, #tpu.memory_space<vmem>>, %arg2: memref<1x1024xf32, #tpu.memory_space<vmem>>, %arg3: memref<1024x1024xf32, #tpu.memory_space<vmem>>, %arg4: memref<1024x256xf32, #tpu.memory_space<vmem>>, %arg5: memref<1024x256xf32, #tpu.memory_space<vmem>>, %arg6: memref<1024x48xf32, #tpu.memory_space<vmem>>, %arg7: memref<256x32xf32, #tpu.memory_space<vmem>>, %arg8: memref<256x32xf32, #tpu.memory_space<vmem>>, %arg9: memref<16x256x64xf32, #tpu.memory_space<vmem>>, %arg10: memref<4x256x64xf32, #tpu.memory_space<vmem>>, %arg11: memref<4x256x64xf32, #tpu.memory_space<vmem>>, %arg12: memref<4x256x64xf32, #tpu.memory_space<vmem>>, %arg13: memref<256x48xf32, #tpu.memory_space<vmem>>) attributes {dimension_semantics = [#tpu.dimension_semantics<arbitrary>], iteration_bounds = array<i64: 8>, scalar_prefetch = 0 : i64, scratch_operands = 0 : i64, tpu.core_type = #tpu.core_type<tc>, window_params = [{transform_indices = @transform_0, window_bounds = array<i64: 256, 1024>}, {pipeline_mode = #tpu.pipeline_mode<synchronous>, transform_indices = @transform_1, window_bounds = array<i64: 1, 1024>}, {pipeline_mode = #tpu.pipeline_mode<synchronous>, transform_indices = @transform_2, window_bounds = array<i64: 1024, 1024>}, {pipeline_mode = #tpu.pipeline_mode<synchronous>, transform_indices = @transform_3, window_bounds = array<i64: 1024, 256>}, {pipeline_mode = #tpu.pipeline_mode<synchronous>, transform_indices = @transform_4, window_bounds = array<i64: 1024, 256>}, {pipeline_mode = #tpu.pipeline_mode<synchronous>, transform_indices = @transform_5, window_bounds = array<i64: 1024, 48>}, {transform_indices = @transform_6, window_bounds = array<i64: 256, 32>}, {transform_indices = @transform_7, window_bounds = array<i64: 256, 32>}, {transform_indices = @transform_8, window_bounds = array<i64: 16, 256, 64>}, {transform_indices = @transform_9, window_bounds = array<i64: 4, 256, 64>}, {transform_indices = @transform_10, window_bounds = array<i64: 4, 256, 64>}, {transform_indices = @transform_11, window_bounds = array<i64: 4, 256, 64>}, {transform_indices = @transform_12, window_bounds = array<i64: 256, 48>}]} {
    %get3A = arith.constant 0 : index
    %get3A_0 = arith.constant 0 : index
    %get3A_1 = vector.load %arg1[%get3A, %get3A_0] : memref<256x1024xf32, #tpu.memory_space<vmem>>, vector<256x1024xf32>
    %mul3A = arith.mulf %get3A_1, %get3A_1 : vector<256x1024xf32>
    %reduce_sum3A = arith.constant dense<0.000000e+00> : vector<256xf32>
    %reduce_sum3A_2 = vector.multi_reduction <add>, %mul3A, %reduce_sum3A [1] : vector<256x1024xf32> to vector<256xf32>
    %broadcast_in_dim3A = vector.shape_cast %reduce_sum3A_2 : vector<256xf32> to vector<256x1xf32>
    %div3A = arith.constant 1.024000e+03 : f32
    %div3A_3 = vector.broadcast %div3A : f32 to vector<256x1xf32>
    %div3A_4 = arith.divf %broadcast_in_dim3A, %div3A_3 : vector<256x1xf32>
    %add3A = arith.constant 9.99999997E-7 : f32
    %add3A_5 = vector.broadcast %add3A : f32 to vector<256x1xf32>
    %add3A_6 = arith.addf %div3A_4, %add3A_5 : vector<256x1xf32>
    %rsqrt3A = math.rsqrt %add3A_6 : vector<256x1xf32>
    %mul3A_7 = vector.broadcast %rsqrt3A : vector<256x1xf32> to vector<256x1024xf32>
    %mul3A_8 = arith.mulf %get3A_1, %mul3A_7 : vector<256x1024xf32>
    %get3A_9 = arith.constant 0 : index
    %get3A_10 = arith.constant 0 : index
    %get3A_11 = vector.load %arg2[%get3A_9, %get3A_10] : memref<1x1024xf32, #tpu.memory_space<vmem>>, vector<1x1024xf32>
    %mul3A_12 = vector.broadcast %get3A_11 : vector<1x1024xf32> to vector<256x1024xf32>
    %mul3A_13 = arith.mulf %mul3A_8, %mul3A_12 : vector<256x1024xf32>
    %get3A_14 = arith.constant 0 : index
    %get3A_15 = arith.constant 0 : index
    %get3A_16 = vector.load %arg7[%get3A_14, %get3A_15] : memref<256x32xf32, #tpu.memory_space<vmem>>, vector<256x32xf32>
    %get3A_17 = arith.constant 0 : index
    %get3A_18 = arith.constant 0 : index
    %get3A_19 = vector.load %arg8[%get3A_17, %get3A_18] : memref<256x32xf32, #tpu.memory_space<vmem>>, vector<256x32xf32>
    %get3A_20 = arith.constant 0 : index
    %get3A_21 = arith.constant 0 : index
    %get3A_22 = vector.load %arg3[%get3A_20, %get3A_21] : memref<1024x1024xf32, #tpu.memory_space<vmem>>, vector<1024x1024xf32>
    %dot_general3A = arith.constant dense<0.000000e+00> : vector<256x1024xf32>
    %dot_general3A_23 = tpu.matmul %mul3A_13, %get3A_22, %dot_general3A {dimension_numbers = #tpu.dot_dimension_numbers<[1], [0], [0], [1], [0, 0, 1, 1], [], []>, transpose_lhs_hint = false} : vector<256x1024xf32>, vector<1024x1024xf32>, vector<256x1024xf32> -> vector<256x1024xf32>
    %slice3A = vector.extract_strided_slice %dot_general3A_23 {offsets = [0, 0], sizes = [256, 64], strides = [1, 1]} : vector<256x1024xf32> to vector<256x64xf32>
    %slice3A_24 = vector.extract_strided_slice %slice3A {offsets = [0, 0], sizes = [256, 32], strides = [1, 1]} : vector<256x64xf32> to vector<256x32xf32>
    %slice3A_25 = vector.extract_strided_slice %slice3A {offsets = [0, 32], sizes = [256, 32], strides = [1, 1]} : vector<256x64xf32> to vector<256x32xf32>
    %mul3A_26 = arith.mulf %slice3A_24, %get3A_16 : vector<256x32xf32>
    %mul3A_27 = arith.mulf %slice3A_25, %get3A_19 : vector<256x32xf32>
    %sub3A = arith.subf %mul3A_26, %mul3A_27 : vector<256x32xf32>
    %swap3A = arith.constant 0 : index
    %swap3A_28 = arith.constant 0 : index
    %swap3A_29 = arith.constant 0 : index
    %swap3A_30 = vector.load %arg9[%swap3A, %swap3A_28, %swap3A_29] : memref<16x256x64xf32, #tpu.memory_space<vmem>>, vector<1x256x32xf32>
    %swap3A_31 = vector.shape_cast %swap3A_30 : vector<1x256x32xf32> to vector<256x32xf32>
    %swap3A_32 = vector.shape_cast %sub3A : vector<256x32xf32> to vector<1x256x32xf32>
    tpu.vector_store %arg9[%swap3A, %swap3A_28, %swap3A_29], %swap3A_32 {strides = array<i32>} : memref<16x256x64xf32, #tpu.memory_space<vmem>>, vector<1x256x32xf32>,
    %mul3A_33 = arith.mulf %slice3A_24, %get3A_19 : vector<256x32xf32>
    %mul3A_34 = arith.mulf %slice3A_25, %get3A_16 : vector<256x32xf32>
    %add3A_35 = arith.addf %mul3A_33, %mul3A_34 : vector<256x32xf32>
    %swap3A_36 = arith.constant 0 : index
    %swap3A_37 = arith.constant 0 : index
    %swap3A_38 = arith.constant 32 : index
    %swap3A_39 = vector.load %arg9[%swap3A_36, %swap3A_37, %swap3A_38] : memref<16x256x64xf32, #tpu.memory_space<vmem>>, vector<1x256x32xf32>
    %swap3A_40 = vector.shape_cast %swap3A_39 : vector<1x256x32xf32> to vector<256x32xf32>
    %swap3A_41 = vector.shape_cast %add3A_35 : vector<256x32xf32> to vector<1x256x32xf32>
    tpu.vector_store %arg9[%swap3A_36, %swap3A_37, %swap3A_38], %swap3A_41 {strides = array<i32>} : memref<16x256x64xf32, #tpu.memory_space<vmem>>, vector<1x256x32xf32>,
    %slice3A_42 = vector.extract_strided_slice %dot_general3A_23 {offsets = [0, 64], sizes = [256, 64], strides = [1, 1]} : vector<256x1024xf32> to vector<256x64xf32>
    %slice3A_43 = vector.extract_strided_slice %slice3A_42 {offsets = [0, 0], sizes = [256, 32], strides = [1, 1]} : vector<256x64xf32> to vector<256x32xf32>
    %slice3A_44 = vector.extract_strided_slice %slice3A_42 {offsets = [0, 32], sizes = [256, 32], strides = [1, 1]} : vector<256x64xf32> to vector<256x32xf32>
    %mul3A_45 = arith.mulf %slice3A_43, %get3A_16 : vector<256x32xf32>
    %mul3A_46 = arith.mulf %slice3A_44, %get3A_19 : vector<256x32xf32>
    %sub3A_47 = arith.subf %mul3A_45, %mul3A_46 : vector<256x32xf32>
    %swap3A_48 = arith.constant 1 : index
    %swap3A_49 = arith.constant 0 : index
    %swap3A_50 = arith.constant 0 : index
    %swap3A_51 = vector.load %arg9[%swap3A_48, %swap3A_49, %swap3A_50] : memref<16x256x64xf32, #tpu.memory_space<vmem>>, vector<1x256x32xf32>
    %swap3A_52 = vector.shape_cast %swap3A_51 : vector<1x256x32xf32> to vector<256x32xf32>
    %swap3A_53 = vector.shape_cast %sub3A_47 : vector<256x32xf32> to vector<1x256x32xf32>
    tpu.vector_store %arg9[%swap3A_48, %swap3A_49, %swap3A_50], %swap3A_53 {strides = array<i32>} : memref<16x256x64xf32, #tpu.memory_space<vmem>>, vector<1x256x32xf32>,
    %mul3A_54 = arith.mulf %slice3A_43, %get3A_19 : vector<256x32xf32>
    %mul3A_55 = arith.mulf %slice3A_44, %get3A_16 : vector<256x32xf32>
    %add3A_56 = arith.addf %mul3A_54, %mul3A_55 : vector<256x32xf32>
    %swap3A_57 = arith.constant 1 : index
    %swap3A_58 = arith.constant 0 : index
    %swap3A_59 = arith.constant 32 : index
    %swap3A_60 = vector.load %arg9[%swap3A_57, %swap3A_58, %swap3A_59] : memref<16x256x64xf32, #tpu.memory_space<vmem>>, vector<1x256x32xf32>
    %swap3A_61 = vector.shape_cast %swap3A_60 : vector<1x256x32xf32> to vector<256x32xf32>
    %swap3A_62 = vector.shape_cast %add3A_56 : vector<256x32xf32> to vector<1x256x32xf32>
    tpu.vector_store %arg9[%swap3A_57, %swap3A_58, %swap3A_59], %swap3A_62 {strides = array<i32>} : memref<16x256x64xf32, #tpu.memory_space<vmem>>, vector<1x256x32xf32>,
    %slice3A_63 = vector.extract_strided_slice %dot_general3A_23 {offsets = [0, 128], sizes = [256, 64], strides = [1, 1]} : vector<256x1024xf32> to vector<256x64xf32>
    %slice3A_64 = vector.extract_strided_slice %slice3A_63 {offsets = [0, 0], sizes = [256, 32], strides = [1, 1]} : vector<256x64xf32> to vector<256x32xf32>
    %slice3A_65 = vector.extract_strided_slice %slice3A_63 {offsets = [0, 32], sizes = [256, 32], strides = [1, 1]} : vector<256x64xf32> to vector<256x32xf32>
    %mul3A_66 = arith.mulf %slice3A_64, %get3A_16 : vector<256x32xf32>
    %mul3A_67 = arith.mulf %slice3A_65, %get3A_19 : vector<256x32xf32>
    %sub3A_68 = arith.subf %mul3A_66, %mul3A_67 : vector<256x32xf32>
    %swap3A_69 = arith.constant 2 : index
    %swap3A_70 = arith.constant 0 : index
    %swap3A_71 = arith.constant 0 : index
    %swap3A_72 = vector.load %arg9[%swap3A_69, %swap3A_70, %swap3A_71] : memref<16x256x64xf32, #tpu.memory_space<vmem>>, vector<1x256x32xf32>
    %swap3A_73 = vector.shape_cast %swap3A_72 : vector<1x256x32xf32> to vector<256x32xf32>
    %swap3A_74 = vector.shape_cast %sub3A_68 : vector<256x32xf32> to vector<1x256x32xf32>
    tpu.vector_store %arg9[%swap3A_69, %swap3A_70, %swap3A_71], %swap3A_74 {strides = array<i32>} : memref<16x256x64xf32, #tpu.memory_space<vmem>>, vector<1x256x32xf32>,
    %mul3A_75 = arith.mulf %slice3A_64, %get3A_19 : vector<256x32xf32>
    %mul3A_76 = arith.mulf %slice3A_65, %get3A_16 : vector<256x32xf32>
    %add3A_77 = arith.addf %mul3A_75, %mul3A_76 : vector<256x32xf32>
    %swap3A_78 = arith.constant 2 : index
    %swap3A_79 = arith.constant 0 : index
    %swap3A_80 = arith.constant 32 : index
    %swap3A_81 = vector.load %arg9[%swap3A_78, %swap3A_79, %swap3A_80] : memref<16x256x64xf32, #tpu.memory_space<vmem>>, vector<1x256x32xf32>
    %swap3A_82 = vector.shape_cast %swap3A_81 : vector<1x256x32xf32> to vector<256x32xf32>
    %swap3A_83 = vector.shape_cast %add3A_77 : vector<256x32xf32> to vector<1x256x32xf32>
    tpu.vector_store %arg9[%swap3A_78, %swap3A_79, %swap3A_80], %swap3A_83 {strides = array<i32>} : memref<16x256x64xf32, #tpu.memory_space<vmem>>, vector<1x256x32xf32>,
    %slice3A_84 = vector.extract_strided_slice %dot_general3A_23 {offsets = [0, 192], sizes = [256, 64], strides = [1, 1]} : vector<256x1024xf32> to vector<256x64xf32>
    %slice3A_85 = vector.extract_strided_slice %slice3A_84 {offsets = [0, 0], sizes = [256, 32], strides = [1, 1]} : vector<256x64xf32> to vector<256x32xf32>
    %slice3A_86 = vector.extract_strided_slice %slice3A_84 {offsets = [0, 32], sizes = [256, 32], strides = [1, 1]} : vector<256x64xf32> to vector<256x32xf32>
    %mul3A_87 = arith.mulf %slice3A_85, %get3A_16 : vector<256x32xf32>
    %mul3A_88 = arith.mulf %slice3A_86, %get3A_19 : vector<256x32xf32>
    %sub3A_89 = arith.subf %mul3A_87, %mul3A_88 : vector<256x32xf32>
    %swap3A_90 = arith.constant 3 : index
    %swap3A_91 = arith.constant 0 : index
    %swap3A_92 = arith.constant 0 : index
    %swap3A_93 = vector.load %arg9[%swap3A_90, %swap3A_91, %swap3A_92] : memref<16x256x64xf32, #tpu.memory_space<vmem>>, vector<1x256x32xf32>
    %swap3A_94 = vector.shape_cast %swap3A_93 : vector<1x256x32xf32> to vector<256x32xf32>
    %swap3A_95 = vector.shape_cast %sub3A_89 : vector<256x32xf32> to vector<1x256x32xf32>
    tpu.vector_store %arg9[%swap3A_90, %swap3A_91, %swap3A_92], %swap3A_95 {strides = array<i32>} : memref<16x256x64xf32, #tpu.memory_space<vmem>>, vector<1x256x32xf32>,
    %mul3A_96 = arith.mulf %slice3A_85, %get3A_19 : vector<256x32xf32>
    %mul3A_97 = arith.mulf %slice3A_86, %get3A_16 : vector<256x32xf32>
    %add3A_98 = arith.addf %mul3A_96, %mul3A_97 : vector<256x32xf32>
    %swap3A_99 = arith.constant 3 : index
    %swap3A_100 = arith.constant 0 : index
    %swap3A_101 = arith.constant 32 : index
    %swap3A_102 = vector.load %arg9[%swap3A_99, %swap3A_100, %swap3A_101] : memref<16x256x64xf32, #tpu.memory_space<vmem>>, vector<1x256x32xf32>
    %swap3A_103 = vector.shape_cast %swap3A_102 : vector<1x256x32xf32> to vector<256x32xf32>
    %swap3A_104 = vector.shape_cast %add3A_98 : vector<256x32xf32> to vector<1x256x32xf32>
    tpu.vector_store %arg9[%swap3A_99, %swap3A_100, %swap3A_101], %swap3A_104 {strides = array<i32>} : memref<16x256x64xf32, #tpu.memory_space<vmem>>, vector<1x256x32xf32>,
    %slice3A_105 = vector.extract_strided_slice %dot_general3A_23 {offsets = [0, 256], sizes = [256, 64], strides = [1, 1]} : vector<256x1024xf32> to vector<256x64xf32>
    %slice3A_106 = vector.extract_strided_slice %slice3A_105 {offsets = [0, 0], sizes = [256, 32], strides = [1, 1]} : vector<256x64xf32> to vector<256x32xf32>
    %slice3A_107 = vector.extract_strided_slice %slice3A_105 {offsets = [0, 32], sizes = [256, 32], strides = [1, 1]} : vector<256x64xf32> to vector<256x32xf32>
    %mul3A_108 = arith.mulf %slice3A_106, %get3A_16 : vector<256x32xf32>
    %mul3A_109 = arith.mulf %slice3A_107, %get3A_19 : vector<256x32xf32>
    %sub3A_110 = arith.subf %mul3A_108, %mul3A_109 : vector<256x32xf32>
    %swap3A_111 = arith.constant 4 : index
    %swap3A_112 = arith.constant 0 : index
    %swap3A_113 = arith.constant 0 : index
    %swap3A_114 = vector.load %arg9[%swap3A_111, %swap3A_112, %swap3A_113] : memref<16x256x64xf32, #tpu.memory_space<vmem>>, vector<1x256x32xf32>
    %swap3A_115 = vector.shape_cast %swap3A_114 : vector<1x256x32xf32> to vector<256x32xf32>
    %swap3A_116 = vector.shape_cast %sub3A_110 : vector<256x32xf32> to vector<1x256x32xf32>
    tpu.vector_store %arg9[%swap3A_111, %swap3A_112, %swap3A_113], %swap3A_116 {strides = array<i32>} : memref<16x256x64xf32, #tpu.memory_space<vmem>>, vector<1x256x32xf32>,
    %mul3A_117 = arith.mulf %slice3A_106, %get3A_19 : vector<256x32xf32>
    %mul3A_118 = arith.mulf %slice3A_107, %get3A_16 : vector<256x32xf32>
    %add3A_119 = arith.addf %mul3A_117, %mul3A_118 : vector<256x32xf32>
    %swap3A_120 = arith.constant 4 : index
    %swap3A_121 = arith.constant 0 : index
    %swap3A_122 = arith.constant 32 : index
    %swap3A_123 = vector.load %arg9[%swap3A_120, %swap3A_121, %swap3A_122] : memref<16x256x64xf32, #tpu.memory_space<vmem>>, vector<1x256x32xf32>
    %swap3A_124 = vector.shape_cast %swap3A_123 : vector<1x256x32xf32> to vector<256x32xf32>
    %swap3A_125 = vector.shape_cast %add3A_119 : vector<256x32xf32> to vector<1x256x32xf32>
    tpu.vector_store %arg9[%swap3A_120, %swap3A_121, %swap3A_122], %swap3A_125 {strides = array<i32>} : memref<16x256x64xf32, #tpu.memory_space<vmem>>, vector<1x256x32xf32>,
    %slice3A_126 = vector.extract_strided_slice %dot_general3A_23 {offsets = [0, 320], sizes = [256, 64], strides = [1, 1]} : vector<256x1024xf32> to vector<256x64xf32>
    %slice3A_127 = vector.extract_strided_slice %slice3A_126 {offsets = [0, 0], sizes = [256, 32], strides = [1, 1]} : vector<256x64xf32> to vector<256x32xf32>
    %slice3A_128 = vector.extract_strided_slice %slice3A_126 {offsets = [0, 32], sizes = [256, 32], strides = [1, 1]} : vector<256x64xf32> to vector<256x32xf32>
    %mul3A_129 = arith.mulf %slice3A_127, %get3A_16 : vector<256x32xf32>
    %mul3A_130 = arith.mulf %slice3A_128, %get3A_19 : vector<256x32xf32>
    %sub3A_131 = arith.subf %mul3A_129, %mul3A_130 : vector<256x32xf32>
    %swap3A_132 = arith.constant 5 : index
    %swap3A_133 = arith.constant 0 : index
    %swap3A_134 = arith.constant 0 : index
    %swap3A_135 = vector.load %arg9[%swap3A_132, %swap3A_133, %swap3A_134] : memref<16x256x64xf32, #tpu.memory_space<vmem>>, vector<1x256x32xf32>
    %swap3A_136 = vector.shape_cast %swap3A_135 : vector<1x256x32xf32> to vector<256x32xf32>
    %swap3A_137 = vector.shape_cast %sub3A_131 : vector<256x32xf32> to vector<1x256x32xf32>
    tpu.vector_store %arg9[%swap3A_132, %swap3A_133, %swap3A_134], %swap3A_137 {strides = array<i32>} : memref<16x256x64xf32, #tpu.memory_space<vmem>>, vector<1x256x32xf32>,
    %mul3A_138 = arith.mulf %slice3A_127, %get3A_19 : vector<256x32xf32>
    %mul3A_139 = arith.mulf %slice3A_128, %get3A_16 : vector<256x32xf32>
    %add3A_140 = arith.addf %mul3A_138, %mul3A_139 : vector<256x32xf32>
    %swap3A_141 = arith.constant 5 : index
    %swap3A_142 = arith.constant 0 : index
    %swap3A_143 = arith.constant 32 : index
    %swap3A_144 = vector.load %arg9[%swap3A_141, %swap3A_142, %swap3A_143] : memref<16x256x64xf32, #tpu.memory_space<vmem>>, vector<1x256x32xf32>
    %swap3A_145 = vector.shape_cast %swap3A_144 : vector<1x256x32xf32> to vector<256x32xf32>
    %swap3A_146 = vector.shape_cast %add3A_140 : vector<256x32xf32> to vector<1x256x32xf32>
    tpu.vector_store %arg9[%swap3A_141, %swap3A_142, %swap3A_143], %swap3A_146 {strides = array<i32>} : memref<16x256x64xf32, #tpu.memory_space<vmem>>, vector<1x256x32xf32>,
    %slice3A_147 = vector.extract_strided_slice %dot_general3A_23 {offsets = [0, 384], sizes = [256, 64], strides = [1, 1]} : vector<256x1024xf32> to vector<256x64xf32>
    %slice3A_148 = vector.extract_strided_slice %slice3A_147 {offsets = [0, 0], sizes = [256, 32], strides = [1, 1]} : vector<256x64xf32> to vector<256x32xf32>
    %slice3A_149 = vector.extract_strided_slice %slice3A_147 {offsets = [0, 32], sizes = [256, 32], strides = [1, 1]} : vector<256x64xf32> to vector<256x32xf32>
    %mul3A_150 = arith.mulf %slice3A_148, %get3A_16 : vector<256x32xf32>
    %mul3A_151 = arith.mulf %slice3A_149, %get3A_19 : vector<256x32xf32>
    %sub3A_152 = arith.subf %mul3A_150, %mul3A_151 : vector<256x32xf32>
    %swap3A_153 = arith.constant 6 : index
    %swap3A_154 = arith.constant 0 : index
    %swap3A_155 = arith.constant 0 : index
    %swap3A_156 = vector.load %arg9[%swap3A_153, %swap3A_154, %swap3A_155] : memref<16x256x64xf32, #tpu.memory_space<vmem>>, vector<1x256x32xf32>
    %swap3A_157 = vector.shape_cast %swap3A_156 : vector<1x256x32xf32> to vector<256x32xf32>
    %swap3A_158 = vector.shape_cast %sub3A_152 : vector<256x32xf32> to vector<1x256x32xf32>
    tpu.vector_store %arg9[%swap3A_153, %swap3A_154, %swap3A_155], %swap3A_158 {strides = array<i32>} : memref<16x256x64xf32, #tpu.memory_space<vmem>>, vector<1x256x32xf32>,
    %mul3A_159 = arith.mulf %slice3A_148, %get3A_19 : vector<256x32xf32>
    %mul3A_160 = arith.mulf %slice3A_149, %get3A_16 : vector<256x32xf32>
    %add3A_161 = arith.addf %mul3A_159, %mul3A_160 : vector<256x32xf32>
    %swap3A_162 = arith.constant 6 : index
    %swap3A_163 = arith.constant 0 : index
    %swap3A_164 = arith.constant 32 : index
    %swap3A_165 = vector.load %arg9[%swap3A_162, %swap3A_163, %swap3A_164] : memref<16x256x64xf32, #tpu.memory_space<vmem>>, vector<1x256x32xf32>
    %swap3A_166 = vector.shape_cast %swap3A_165 : vector<1x256x32xf32> to vector<256x32xf32>
    %swap3A_167 = vector.shape_cast %add3A_161 : vector<256x32xf32> to vector<1x256x32xf32>
    tpu.vector_store %arg9[%swap3A_162, %swap3A_163, %swap3A_164], %swap3A_167 {strides = array<i32>} : memref<16x256x64xf32, #tpu.memory_space<vmem>>, vector<1x256x32xf32>,
    %slice3A_168 = vector.extract_strided_slice %dot_general3A_23 {offsets = [0, 448], sizes = [256, 64], strides = [1, 1]} : vector<256x1024xf32> to vector<256x64xf32>
    %slice3A_169 = vector.extract_strided_slice %slice3A_168 {offsets = [0, 0], sizes = [256, 32], strides = [1, 1]} : vector<256x64xf32> to vector<256x32xf32>
    %slice3A_170 = vector.extract_strided_slice %slice3A_168 {offsets = [0, 32], sizes = [256, 32], strides = [1, 1]} : vector<256x64xf32> to vector<256x32xf32>
    %mul3A_171 = arith.mulf %slice3A_169, %get3A_16 : vector<256x32xf32>
    %mul3A_172 = arith.mulf %slice3A_170, %get3A_19 : vector<256x32xf32>
    %sub3A_173 = arith.subf %mul3A_171, %mul3A_172 : vector<256x32xf32>
    %swap3A_174 = arith.constant 7 : index
    %swap3A_175 = arith.constant 0 : index
    %swap3A_176 = arith.constant 0 : index
    %swap3A_177 = vector.load %arg9[%swap3A_174, %swap3A_175, %swap3A_176] : memref<16x256x64xf32, #tpu.memory_space<vmem>>, vector<1x256x32xf32>
    %swap3A_178 = vector.shape_cast %swap3A_177 : vector<1x256x32xf32> to vector<256x32xf32>
    %swap3A_179 = vector.shape_cast %sub3A_173 : vector<256x32xf32> to vector<1x256x32xf32>
    tpu.vector_store %arg9[%swap3A_174, %swap3A_175, %swap3A_176], %swap3A_179 {strides = array<i32>} : memref<16x256x64xf32, #tpu.memory_space<vmem>>, vector<1x256x32xf32>,
    %mul3A_180 = arith.mulf %slice3A_169, %get3A_19 : vector<256x32xf32>
    %mul3A_181 = arith.mulf %slice3A_170, %get3A_16 : vector<256x32xf32>
    %add3A_182 = arith.addf %mul3A_180, %mul3A_181 : vector<256x32xf32>
    %swap3A_183 = arith.constant 7 : index
    %swap3A_184 = arith.constant 0 : index
    %swap3A_185 = arith.constant 32 : index
    %swap3A_186 = vector.load %arg9[%swap3A_183, %swap3A_184, %swap3A_185] : memref<16x256x64xf32, #tpu.memory_space<vmem>>, vector<1x256x32xf32>
    %swap3A_187 = vector.shape_cast %swap3A_186 : vector<1x256x32xf32> to vector<256x32xf32>
    %swap3A_188 = vector.shape_cast %add3A_182 : vector<256x32xf32> to vector<1x256x32xf32>
    tpu.vector_store %arg9[%swap3A_183, %swap3A_184, %swap3A_185], %swap3A_188 {strides = array<i32>} : memref<16x256x64xf32, #tpu.memory_space<vmem>>, vector<1x256x32xf32>,
    %slice3A_189 = vector.extract_strided_slice %dot_general3A_23 {offsets = [0, 512], sizes = [256, 64], strides = [1, 1]} : vector<256x1024xf32> to vector<256x64xf32>
    %slice3A_190 = vector.extract_strided_slice %slice3A_189 {offsets = [0, 0], sizes = [256, 32], strides = [1, 1]} : vector<256x64xf32> to vector<256x32xf32>
    %slice3A_191 = vector.extract_strided_slice %slice3A_189 {offsets = [0, 32], sizes = [256, 32], strides = [1, 1]} : vector<256x64xf32> to vector<256x32xf32>
    %mul3A_192 = arith.mulf %slice3A_190, %get3A_16 : vector<256x32xf32>
    %mul3A_193 = arith.mulf %slice3A_191, %get3A_19 : vector<256x32xf32>
    %sub3A_194 = arith.subf %mul3A_192, %mul3A_193 : vector<256x32xf32>
    %swap3A_195 = arith.constant 8 : index
    %swap3A_196 = arith.constant 0 : index
    %swap3A_197 = arith.constant 0 : index
    %swap3A_198 = vector.load %arg9[%swap3A_195, %swap3A_196, %swap3A_197] : memref<16x256x64xf32, #tpu.memory_space<vmem>>, vector<1x256x32xf32>
    %swap3A_199 = vector.shape_cast %swap3A_198 : vector<1x256x32xf32> to vector<256x32xf32>
    %swap3A_200 = vector.shape_cast %sub3A_194 : vector<256x32xf32> to vector<1x256x32xf32>
    tpu.vector_store %arg9[%swap3A_195, %swap3A_196, %swap3A_197], %swap3A_200 {strides = array<i32>} : memref<16x256x64xf32, #tpu.memory_space<vmem>>, vector<1x256x32xf32>,
    %mul3A_201 = arith.mulf %slice3A_190, %get3A_19 : vector<256x32xf32>
    %mul3A_202 = arith.mulf %slice3A_191, %get3A_16 : vector<256x32xf32>
    %add3A_203 = arith.addf %mul3A_201, %mul3A_202 : vector<256x32xf32>
    %swap3A_204 = arith.constant 8 : index
    %swap3A_205 = arith.constant 0 : index
    %swap3A_206 = arith.constant 32 : index
    %swap3A_207 = vector.load %arg9[%swap3A_204, %swap3A_205, %swap3A_206] : memref<16x256x64xf32, #tpu.memory_space<vmem>>, vector<1x256x32xf32>
    %swap3A_208 = vector.shape_cast %swap3A_207 : vector<1x256x32xf32> to vector<256x32xf32>
    %swap3A_209 = vector.shape_cast %add3A_203 : vector<256x32xf32> to vector<1x256x32xf32>
    tpu.vector_store %arg9[%swap3A_204, %swap3A_205, %swap3A_206], %swap3A_209 {strides = array<i32>} : memref<16x256x64xf32, #tpu.memory_space<vmem>>, vector<1x256x32xf32>,
    %slice3A_210 = vector.extract_strided_slice %dot_general3A_23 {offsets = [0, 576], sizes = [256, 64], strides = [1, 1]} : vector<256x1024xf32> to vector<256x64xf32>
    %slice3A_211 = vector.extract_strided_slice %slice3A_210 {offsets = [0, 0], sizes = [256, 32], strides = [1, 1]} : vector<256x64xf32> to vector<256x32xf32>
    %slice3A_212 = vector.extract_strided_slice %slice3A_210 {offsets = [0, 32], sizes = [256, 32], strides = [1, 1]} : vector<256x64xf32> to vector<256x32xf32>
    %mul3A_213 = arith.mulf %slice3A_211, %get3A_16 : vector<256x32xf32>
    %mul3A_214 = arith.mulf %slice3A_212, %get3A_19 : vector<256x32xf32>
    %sub3A_215 = arith.subf %mul3A_213, %mul3A_214 : vector<256x32xf32>
    %swap3A_216 = arith.constant 9 : index
    %swap3A_217 = arith.constant 0 : index
    %swap3A_218 = arith.constant 0 : index
    %swap3A_219 = vector.load %arg9[%swap3A_216, %swap3A_217, %swap3A_218] : memref<16x256x64xf32, #tpu.memory_space<vmem>>, vector<1x256x32xf32>
    %swap3A_220 = vector.shape_cast %swap3A_219 : vector<1x256x32xf32> to vector<256x32xf32>
    %swap3A_221 = vector.shape_cast %sub3A_215 : vector<256x32xf32> to vector<1x256x32xf32>
    tpu.vector_store %arg9[%swap3A_216, %swap3A_217, %swap3A_218], %swap3A_221 {strides = array<i32>} : memref<16x256x64xf32, #tpu.memory_space<vmem>>, vector<1x256x32xf32>,
    %mul3A_222 = arith.mulf %slice3A_211, %get3A_19 : vector<256x32xf32>
    %mul3A_223 = arith.mulf %slice3A_212, %get3A_16 : vector<256x32xf32>
    %add3A_224 = arith.addf %mul3A_222, %mul3A_223 : vector<256x32xf32>
    %swap3A_225 = arith.constant 9 : index
    %swap3A_226 = arith.constant 0 : index
    %swap3A_227 = arith.constant 32 : index
    %swap3A_228 = vector.load %arg9[%swap3A_225, %swap3A_226, %swap3A_227] : memref<16x256x64xf32, #tpu.memory_space<vmem>>, vector<1x256x32xf32>
    %swap3A_229 = vector.shape_cast %swap3A_228 : vector<1x256x32xf32> to vector<256x32xf32>
    %swap3A_230 = vector.shape_cast %add3A_224 : vector<256x32xf32> to vector<1x256x32xf32>
    tpu.vector_store %arg9[%swap3A_225, %swap3A_226, %swap3A_227], %swap3A_230 {strides = array<i32>} : memref<16x256x64xf32, #tpu.memory_space<vmem>>, vector<1x256x32xf32>,
    %slice3A_231 = vector.extract_strided_slice %dot_general3A_23 {offsets = [0, 640], sizes = [256, 64], strides = [1, 1]} : vector<256x1024xf32> to vector<256x64xf32>
    %slice3A_232 = vector.extract_strided_slice %slice3A_231 {offsets = [0, 0], sizes = [256, 32], strides = [1, 1]} : vector<256x64xf32> to vector<256x32xf32>
    %slice3A_233 = vector.extract_strided_slice %slice3A_231 {offsets = [0, 32], sizes = [256, 32], strides = [1, 1]} : vector<256x64xf32> to vector<256x32xf32>
    %mul3A_234 = arith.mulf %slice3A_232, %get3A_16 : vector<256x32xf32>
    %mul3A_235 = arith.mulf %slice3A_233, %get3A_19 : vector<256x32xf32>
    %sub3A_236 = arith.subf %mul3A_234, %mul3A_235 : vector<256x32xf32>
    %swap3A_237 = arith.constant 10 : index
    %swap3A_238 = arith.constant 0 : index
    %swap3A_239 = arith.constant 0 : index
    %swap3A_240 = vector.load %arg9[%swap3A_237, %swap3A_238, %swap3A_239] : memref<16x256x64xf32, #tpu.memory_space<vmem>>, vector<1x256x32xf32>
    %swap3A_241 = vector.shape_cast %swap3A_240 : vector<1x256x32xf32> to vector<256x32xf32>
    %swap3A_242 = vector.shape_cast %sub3A_236 : vector<256x32xf32> to vector<1x256x32xf32>
    tpu.vector_store %arg9[%swap3A_237, %swap3A_238, %swap3A_239], %swap3A_242 {strides = array<i32>} : memref<16x256x64xf32, #tpu.memory_space<vmem>>, vector<1x256x32xf32>,
    %mul3A_243 = arith.mulf %slice3A_232, %get3A_19 : vector<256x32xf32>
    %mul3A_244 = arith.mulf %slice3A_233, %get3A_16 : vector<256x32xf32>
    %add3A_245 = arith.addf %mul3A_243, %mul3A_244 : vector<256x32xf32>
    %swap3A_246 = arith.constant 10 : index
    %swap3A_247 = arith.constant 0 : index
    %swap3A_248 = arith.constant 32 : index
    %swap3A_249 = vector.load %arg9[%swap3A_246, %swap3A_247, %swap3A_248] : memref<16x256x64xf32, #tpu.memory_space<vmem>>, vector<1x256x32xf32>
    %swap3A_250 = vector.shape_cast %swap3A_249 : vector<1x256x32xf32> to vector<256x32xf32>
    %swap3A_251 = vector.shape_cast %add3A_245 : vector<256x32xf32> to vector<1x256x32xf32>
    tpu.vector_store %arg9[%swap3A_246, %swap3A_247, %swap3A_248], %swap3A_251 {strides = array<i32>} : memref<16x256x64xf32, #tpu.memory_space<vmem>>, vector<1x256x32xf32>,
    %slice3A_252 = vector.extract_strided_slice %dot_general3A_23 {offsets = [0, 704], sizes = [256, 64], strides = [1, 1]} : vector<256x1024xf32> to vector<256x64xf32>
    %slice3A_253 = vector.extract_strided_slice %slice3A_252 {offsets = [0, 0], sizes = [256, 32], strides = [1, 1]} : vector<256x64xf32> to vector<256x32xf32>
    %slice3A_254 = vector.extract_strided_slice %slice3A_252 {offsets = [0, 32], sizes = [256, 32], strides = [1, 1]} : vector<256x64xf32> to vector<256x32xf32>
    %mul3A_255 = arith.mulf %slice3A_253, %get3A_16 : vector<256x32xf32>
    %mul3A_256 = arith.mulf %slice3A_254, %get3A_19 : vector<256x32xf32>
    %sub3A_257 = arith.subf %mul3A_255, %mul3A_256 : vector<256x32xf32>
    %swap3A_258 = arith.constant 11 : index
    %swap3A_259 = arith.constant 0 : index
    %swap3A_260 = arith.constant 0 : index
    %swap3A_261 = vector.load %arg9[%swap3A_258, %swap3A_259, %swap3A_260] : memref<16x256x64xf32, #tpu.memory_space<vmem>>, vector<1x256x32xf32>
    %swap3A_262 = vector.shape_cast %swap3A_261 : vector<1x256x32xf32> to vector<256x32xf32>
    %swap3A_263 = vector.shape_cast %sub3A_257 : vector<256x32xf32> to vector<1x256x32xf32>
    tpu.vector_store %arg9[%swap3A_258, %swap3A_259, %swap3A_260], %swap3A_263 {strides = array<i32>} : memref<16x256x64xf32, #tpu.memory_space<vmem>>, vector<1x256x32xf32>,
    %mul3A_264 = arith.mulf %slice3A_253, %get3A_19 : vector<256x32xf32>
    %mul3A_265 = arith.mulf %slice3A_254, %get3A_16 : vector<256x32xf32>
    %add3A_266 = arith.addf %mul3A_264, %mul3A_265 : vector<256x32xf32>
    %swap3A_267 = arith.constant 11 : index
    %swap3A_268 = arith.constant 0 : index
    %swap3A_269 = arith.constant 32 : index
    %swap3A_270 = vector.load %arg9[%swap3A_267, %swap3A_268, %swap3A_269] : memref<16x256x64xf32, #tpu.memory_space<vmem>>, vector<1x256x32xf32>
    %swap3A_271 = vector.shape_cast %swap3A_270 : vector<1x256x32xf32> to vector<256x32xf32>
    %swap3A_272 = vector.shape_cast %add3A_266 : vector<256x32xf32> to vector<1x256x32xf32>
    tpu.vector_store %arg9[%swap3A_267, %swap3A_268, %swap3A_269], %swap3A_272 {strides = array<i32>} : memref<16x256x64xf32, #tpu.memory_space<vmem>>, vector<1x256x32xf32>,
    %slice3A_273 = vector.extract_strided_slice %dot_general3A_23 {offsets = [0, 768], sizes = [256, 64], strides = [1, 1]} : vector<256x1024xf32> to vector<256x64xf32>
    %slice3A_274 = vector.extract_strided_slice %slice3A_273 {offsets = [0, 0], sizes = [256, 32], strides = [1, 1]} : vector<256x64xf32> to vector<256x32xf32>
    %slice3A_275 = vector.extract_strided_slice %slice3A_273 {offsets = [0, 32], sizes = [256, 32], strides = [1, 1]} : vector<256x64xf32> to vector<256x32xf32>
    %mul3A_276 = arith.mulf %slice3A_274, %get3A_16 : vector<256x32xf32>
    %mul3A_277 = arith.mulf %slice3A_275, %get3A_19 : vector<256x32xf32>
    %sub3A_278 = arith.subf %mul3A_276, %mul3A_277 : vector<256x32xf32>
    %swap3A_279 = arith.constant 12 : index
    %swap3A_280 = arith.constant 0 : index
    %swap3A_281 = arith.constant 0 : index
    %swap3A_282 = vector.load %arg9[%swap3A_279, %swap3A_280, %swap3A_281] : memref<16x256x64xf32, #tpu.memory_space<vmem>>, vector<1x256x32xf32>
    %swap3A_283 = vector.shape_cast %swap3A_282 : vector<1x256x32xf32> to vector<256x32xf32>
    %swap3A_284 = vector.shape_cast %sub3A_278 : vector<256x32xf32> to vector<1x256x32xf32>
    tpu.vector_store %arg9[%swap3A_279, %swap3A_280, %swap3A_281], %swap3A_284 {strides = array<i32>} : memref<16x256x64xf32, #tpu.memory_space<vmem>>, vector<1x256x32xf32>,
    %mul3A_285 = arith.mulf %slice3A_274, %get3A_19 : vector<256x32xf32>
    %mul3A_286 = arith.mulf %slice3A_275, %get3A_16 : vector<256x32xf32>
    %add3A_287 = arith.addf %mul3A_285, %mul3A_286 : vector<256x32xf32>
    %swap3A_288 = arith.constant 12 : index
    %swap3A_289 = arith.constant 0 : index
    %swap3A_290 = arith.constant 32 : index
    %swap3A_291 = vector.load %arg9[%swap3A_288, %swap3A_289, %swap3A_290] : memref<16x256x64xf32, #tpu.memory_space<vmem>>, vector<1x256x32xf32>
    %swap3A_292 = vector.shape_cast %swap3A_291 : vector<1x256x32xf32> to vector<256x32xf32>
    %swap3A_293 = vector.shape_cast %add3A_287 : vector<256x32xf32> to vector<1x256x32xf32>
    tpu.vector_store %arg9[%swap3A_288, %swap3A_289, %swap3A_290], %swap3A_293 {strides = array<i32>} : memref<16x256x64xf32, #tpu.memory_space<vmem>>, vector<1x256x32xf32>,
    %slice3A_294 = vector.extract_strided_slice %dot_general3A_23 {offsets = [0, 832], sizes = [256, 64], strides = [1, 1]} : vector<256x1024xf32> to vector<256x64xf32>
    %slice3A_295 = vector.extract_strided_slice %slice3A_294 {offsets = [0, 0], sizes = [256, 32], strides = [1, 1]} : vector<256x64xf32> to vector<256x32xf32>
    %slice3A_296 = vector.extract_strided_slice %slice3A_294 {offsets = [0, 32], sizes = [256, 32], strides = [1, 1]} : vector<256x64xf32> to vector<256x32xf32>
    %mul3A_297 = arith.mulf %slice3A_295, %get3A_16 : vector<256x32xf32>
    %mul3A_298 = arith.mulf %slice3A_296, %get3A_19 : vector<256x32xf32>
    %sub3A_299 = arith.subf %mul3A_297, %mul3A_298 : vector<256x32xf32>
    %swap3A_300 = arith.constant 13 : index
    %swap3A_301 = arith.constant 0 : index
    %swap3A_302 = arith.constant 0 : index
    %swap3A_303 = vector.load %arg9[%swap3A_300, %swap3A_301, %swap3A_302] : memref<16x256x64xf32, #tpu.memory_space<vmem>>, vector<1x256x32xf32>
    %swap3A_304 = vector.shape_cast %swap3A_303 : vector<1x256x32xf32> to vector<256x32xf32>
    %swap3A_305 = vector.shape_cast %sub3A_299 : vector<256x32xf32> to vector<1x256x32xf32>
    tpu.vector_store %arg9[%swap3A_300, %swap3A_301, %swap3A_302], %swap3A_305 {strides = array<i32>} : memref<16x256x64xf32, #tpu.memory_space<vmem>>, vector<1x256x32xf32>,
    %mul3A_306 = arith.mulf %slice3A_295, %get3A_19 : vector<256x32xf32>
    %mul3A_307 = arith.mulf %slice3A_296, %get3A_16 : vector<256x32xf32>
    %add3A_308 = arith.addf %mul3A_306, %mul3A_307 : vector<256x32xf32>
    %swap3A_309 = arith.constant 13 : index
    %swap3A_310 = arith.constant 0 : index
    %swap3A_311 = arith.constant 32 : index
    %swap3A_312 = vector.load %arg9[%swap3A_309, %swap3A_310, %swap3A_311] : memref<16x256x64xf32, #tpu.memory_space<vmem>>, vector<1x256x32xf32>
    %swap3A_313 = vector.shape_cast %swap3A_312 : vector<1x256x32xf32> to vector<256x32xf32>
    %swap3A_314 = vector.shape_cast %add3A_308 : vector<256x32xf32> to vector<1x256x32xf32>
    tpu.vector_store %arg9[%swap3A_309, %swap3A_310, %swap3A_311], %swap3A_314 {strides = array<i32>} : memref<16x256x64xf32, #tpu.memory_space<vmem>>, vector<1x256x32xf32>,
    %slice3A_315 = vector.extract_strided_slice %dot_general3A_23 {offsets = [0, 896], sizes = [256, 64], strides = [1, 1]} : vector<256x1024xf32> to vector<256x64xf32>
    %slice3A_316 = vector.extract_strided_slice %slice3A_315 {offsets = [0, 0], sizes = [256, 32], strides = [1, 1]} : vector<256x64xf32> to vector<256x32xf32>
    %slice3A_317 = vector.extract_strided_slice %slice3A_315 {offsets = [0, 32], sizes = [256, 32], strides = [1, 1]} : vector<256x64xf32> to vector<256x32xf32>
    %mul3A_318 = arith.mulf %slice3A_316, %get3A_16 : vector<256x32xf32>
    %mul3A_319 = arith.mulf %slice3A_317, %get3A_19 : vector<256x32xf32>
    %sub3A_320 = arith.subf %mul3A_318, %mul3A_319 : vector<256x32xf32>
    %swap3A_321 = arith.constant 14 : index
    %swap3A_322 = arith.constant 0 : index
    %swap3A_323 = arith.constant 0 : index
    %swap3A_324 = vector.load %arg9[%swap3A_321, %swap3A_322, %swap3A_323] : memref<16x256x64xf32, #tpu.memory_space<vmem>>, vector<1x256x32xf32>
    %swap3A_325 = vector.shape_cast %swap3A_324 : vector<1x256x32xf32> to vector<256x32xf32>
    %swap3A_326 = vector.shape_cast %sub3A_320 : vector<256x32xf32> to vector<1x256x32xf32>
    tpu.vector_store %arg9[%swap3A_321, %swap3A_322, %swap3A_323], %swap3A_326 {strides = array<i32>} : memref<16x256x64xf32, #tpu.memory_space<vmem>>, vector<1x256x32xf32>,
    %mul3A_327 = arith.mulf %slice3A_316, %get3A_19 : vector<256x32xf32>
    %mul3A_328 = arith.mulf %slice3A_317, %get3A_16 : vector<256x32xf32>
    %add3A_329 = arith.addf %mul3A_327, %mul3A_328 : vector<256x32xf32>
    %swap3A_330 = arith.constant 14 : index
    %swap3A_331 = arith.constant 0 : index
    %swap3A_332 = arith.constant 32 : index
    %swap3A_333 = vector.load %arg9[%swap3A_330, %swap3A_331, %swap3A_332] : memref<16x256x64xf32, #tpu.memory_space<vmem>>, vector<1x256x32xf32>
    %swap3A_334 = vector.shape_cast %swap3A_333 : vector<1x256x32xf32> to vector<256x32xf32>
    %swap3A_335 = vector.shape_cast %add3A_329 : vector<256x32xf32> to vector<1x256x32xf32>
    tpu.vector_store %arg9[%swap3A_330, %swap3A_331, %swap3A_332], %swap3A_335 {strides = array<i32>} : memref<16x256x64xf32, #tpu.memory_space<vmem>>, vector<1x256x32xf32>,
    %slice3A_336 = vector.extract_strided_slice %dot_general3A_23 {offsets = [0, 960], sizes = [256, 64], strides = [1, 1]} : vector<256x1024xf32> to vector<256x64xf32>
    %slice3A_337 = vector.extract_strided_slice %slice3A_336 {offsets = [0, 0], sizes = [256, 32], strides = [1, 1]} : vector<256x64xf32> to vector<256x32xf32>
    %slice3A_338 = vector.extract_strided_slice %slice3A_336 {offsets = [0, 32], sizes = [256, 32], strides = [1, 1]} : vector<256x64xf32> to vector<256x32xf32>
    %mul3A_339 = arith.mulf %slice3A_337, %get3A_16 : vector<256x32xf32>
    %mul3A_340 = arith.mulf %slice3A_338, %get3A_19 : vector<256x32xf32>
    %sub3A_341 = arith.subf %mul3A_339, %mul3A_340 : vector<256x32xf32>
    %swap3A_342 = arith.constant 15 : index
    %swap3A_343 = arith.constant 0 : index
    %swap3A_344 = arith.constant 0 : index
    %swap3A_345 = vector.load %arg9[%swap3A_342, %swap3A_343, %swap3A_344] : memref<16x256x64xf32, #tpu.memory_space<vmem>>, vector<1x256x32xf32>
    %swap3A_346 = vector.shape_cast %swap3A_345 : vector<1x256x32xf32> to vector<256x32xf32>
    %swap3A_347 = vector.shape_cast %sub3A_341 : vector<256x32xf32> to vector<1x256x32xf32>
    tpu.vector_store %arg9[%swap3A_342, %swap3A_343, %swap3A_344], %swap3A_347 {strides = array<i32>} : memref<16x256x64xf32, #tpu.memory_space<vmem>>, vector<1x256x32xf32>,
    %mul3A_348 = arith.mulf %slice3A_337, %get3A_19 : vector<256x32xf32>
    %mul3A_349 = arith.mulf %slice3A_338, %get3A_16 : vector<256x32xf32>
    %add3A_350 = arith.addf %mul3A_348, %mul3A_349 : vector<256x32xf32>
    %swap3A_351 = arith.constant 15 : index
    %swap3A_352 = arith.constant 0 : index
    %swap3A_353 = arith.constant 32 : index
    %swap3A_354 = vector.load %arg9[%swap3A_351, %swap3A_352, %swap3A_353] : memref<16x256x64xf32, #tpu.memory_space<vmem>>, vector<1x256x32xf32>
    %swap3A_355 = vector.shape_cast %swap3A_354 : vector<1x256x32xf32> to vector<256x32xf32>
    %swap3A_356 = vector.shape_cast %add3A_350 : vector<256x32xf32> to vector<1x256x32xf32>
    tpu.vector_store %arg9[%swap3A_351, %swap3A_352, %swap3A_353], %swap3A_356 {strides = array<i32>} : memref<16x256x64xf32, #tpu.memory_space<vmem>>, vector<1x256x32xf32>,
    %get3A_357 = arith.constant 0 : index
    %get3A_358 = arith.constant 0 : index
    %get3A_359 = vector.load %arg4[%get3A_357, %get3A_358] : memref<1024x256xf32, #tpu.memory_space<vmem>>, vector<1024x256xf32>
    %dot_general3A_360 = arith.constant dense<0.000000e+00> : vector<256x256xf32>
    %dot_general3A_361 = tpu.matmul %mul3A_13, %get3A_359, %dot_general3A_360 {dimension_numbers = #tpu.dot_dimension_numbers<[1], [0], [0], [1], [0, 0, 1, 1], [], []>, transpose_lhs_hint = false} : vector<256x1024xf32>, vector<1024x256xf32>, vector<256x256xf32> -> vector<256x256xf32>
    %slice3A_362 = vector.extract_strided_slice %dot_general3A_361 {offsets = [0, 0], sizes = [256, 64], strides = [1, 1]} : vector<256x256xf32> to vector<256x64xf32>
    %swap3A_363 = arith.constant 0 : index
    %swap3A_364 = arith.constant 0 : index
    %swap3A_365 = arith.constant 0 : index
    %swap3A_366 = vector.load %arg11[%swap3A_363, %swap3A_364, %swap3A_365] : memref<4x256x64xf32, #tpu.memory_space<vmem>>, vector<1x256x64xf32>
    %swap3A_367 = vector.shape_cast %swap3A_366 : vector<1x256x64xf32> to vector<256x64xf32>
    %swap3A_368 = vector.shape_cast %slice3A_362 : vector<256x64xf32> to vector<1x256x64xf32>
    tpu.vector_store %arg11[%swap3A_363, %swap3A_364, %swap3A_365], %swap3A_368 {strides = array<i32>} : memref<4x256x64xf32, #tpu.memory_space<vmem>>, vector<1x256x64xf32>,
    %slice3A_369 = vector.extract_strided_slice %slice3A_362 {offsets = [0, 0], sizes = [256, 32], strides = [1, 1]} : vector<256x64xf32> to vector<256x32xf32>
    %slice3A_370 = vector.extract_strided_slice %slice3A_362 {offsets = [0, 32], sizes = [256, 32], strides = [1, 1]} : vector<256x64xf32> to vector<256x32xf32>
    %mul3A_371 = arith.mulf %slice3A_369, %get3A_16 : vector<256x32xf32>
    %mul3A_372 = arith.mulf %slice3A_370, %get3A_19 : vector<256x32xf32>
    %sub3A_373 = arith.subf %mul3A_371, %mul3A_372 : vector<256x32xf32>
    %swap3A_374 = arith.constant 0 : index
    %swap3A_375 = arith.constant 0 : index
    %swap3A_376 = arith.constant 0 : index
    %swap3A_377 = vector.load %arg10[%swap3A_374, %swap3A_375, %swap3A_376] : memref<4x256x64xf32, #tpu.memory_space<vmem>>, vector<1x256x32xf32>
    %swap3A_378 = vector.shape_cast %swap3A_377 : vector<1x256x32xf32> to vector<256x32xf32>
    %swap3A_379 = vector.shape_cast %sub3A_373 : vector<256x32xf32> to vector<1x256x32xf32>
    tpu.vector_store %arg10[%swap3A_374, %swap3A_375, %swap3A_376], %swap3A_379 {strides = array<i32>} : memref<4x256x64xf32, #tpu.memory_space<vmem>>, vector<1x256x32xf32>,
    %mul3A_380 = arith.mulf %slice3A_369, %get3A_19 : vector<256x32xf32>
    %mul3A_381 = arith.mulf %slice3A_370, %get3A_16 : vector<256x32xf32>
    %add3A_382 = arith.addf %mul3A_380, %mul3A_381 : vector<256x32xf32>
    %swap3A_383 = arith.constant 0 : index
    %swap3A_384 = arith.constant 0 : index
    %swap3A_385 = arith.constant 32 : index
    %swap3A_386 = vector.load %arg10[%swap3A_383, %swap3A_384, %swap3A_385] : memref<4x256x64xf32, #tpu.memory_space<vmem>>, vector<1x256x32xf32>
    %swap3A_387 = vector.shape_cast %swap3A_386 : vector<1x256x32xf32> to vector<256x32xf32>
    %swap3A_388 = vector.shape_cast %add3A_382 : vector<256x32xf32> to vector<1x256x32xf32>
    tpu.vector_store %arg10[%swap3A_383, %swap3A_384, %swap3A_385], %swap3A_388 {strides = array<i32>} : memref<4x256x64xf32, #tpu.memory_space<vmem>>, vector<1x256x32xf32>,
    %slice3A_389 = vector.extract_strided_slice %dot_general3A_361 {offsets = [0, 64], sizes = [256, 64], strides = [1, 1]} : vector<256x256xf32> to vector<256x64xf32>
    %swap3A_390 = arith.constant 1 : index
    %swap3A_391 = arith.constant 0 : index
    %swap3A_392 = arith.constant 0 : index
    %swap3A_393 = vector.load %arg11[%swap3A_390, %swap3A_391, %swap3A_392] : memref<4x256x64xf32, #tpu.memory_space<vmem>>, vector<1x256x64xf32>
    %swap3A_394 = vector.shape_cast %swap3A_393 : vector<1x256x64xf32> to vector<256x64xf32>
    %swap3A_395 = vector.shape_cast %slice3A_389 : vector<256x64xf32> to vector<1x256x64xf32>
    tpu.vector_store %arg11[%swap3A_390, %swap3A_391, %swap3A_392], %swap3A_395 {strides = array<i32>} : memref<4x256x64xf32, #tpu.memory_space<vmem>>, vector<1x256x64xf32>,
    %slice3A_396 = vector.extract_strided_slice %slice3A_389 {offsets = [0, 0], sizes = [256, 32], strides = [1, 1]} : vector<256x64xf32> to vector<256x32xf32>
    %slice3A_397 = vector.extract_strided_slice %slice3A_389 {offsets = [0, 32], sizes = [256, 32], strides = [1, 1]} : vector<256x64xf32> to vector<256x32xf32>
    %mul3A_398 = arith.mulf %slice3A_396, %get3A_16 : vector<256x32xf32>
    %mul3A_399 = arith.mulf %slice3A_397, %get3A_19 : vector<256x32xf32>
    %sub3A_400 = arith.subf %mul3A_398, %mul3A_399 : vector<256x32xf32>
    %swap3A_401 = arith.constant 1 : index
    %swap3A_402 = arith.constant 0 : index
    %swap3A_403 = arith.constant 0 : index
    %swap3A_404 = vector.load %arg10[%swap3A_401, %swap3A_402, %swap3A_403] : memref<4x256x64xf32, #tpu.memory_space<vmem>>, vector<1x256x32xf32>
    %swap3A_405 = vector.shape_cast %swap3A_404 : vector<1x256x32xf32> to vector<256x32xf32>
    %swap3A_406 = vector.shape_cast %sub3A_400 : vector<256x32xf32> to vector<1x256x32xf32>
    tpu.vector_store %arg10[%swap3A_401, %swap3A_402, %swap3A_403], %swap3A_406 {strides = array<i32>} : memref<4x256x64xf32, #tpu.memory_space<vmem>>, vector<1x256x32xf32>,
    %mul3A_407 = arith.mulf %slice3A_396, %get3A_19 : vector<256x32xf32>
    %mul3A_408 = arith.mulf %slice3A_397, %get3A_16 : vector<256x32xf32>
    %add3A_409 = arith.addf %mul3A_407, %mul3A_408 : vector<256x32xf32>
    %swap3A_410 = arith.constant 1 : index
    %swap3A_411 = arith.constant 0 : index
    %swap3A_412 = arith.constant 32 : index
    %swap3A_413 = vector.load %arg10[%swap3A_410, %swap3A_411, %swap3A_412] : memref<4x256x64xf32, #tpu.memory_space<vmem>>, vector<1x256x32xf32>
    %swap3A_414 = vector.shape_cast %swap3A_413 : vector<1x256x32xf32> to vector<256x32xf32>
    %swap3A_415 = vector.shape_cast %add3A_409 : vector<256x32xf32> to vector<1x256x32xf32>
    tpu.vector_store %arg10[%swap3A_410, %swap3A_411, %swap3A_412], %swap3A_415 {strides = array<i32>} : memref<4x256x64xf32, #tpu.memory_space<vmem>>, vector<1x256x32xf32>,
    %slice3A_416 = vector.extract_strided_slice %dot_general3A_361 {offsets = [0, 128], sizes = [256, 64], strides = [1, 1]} : vector<256x256xf32> to vector<256x64xf32>
    %swap3A_417 = arith.constant 2 : index
    %swap3A_418 = arith.constant 0 : index
    %swap3A_419 = arith.constant 0 : index
    %swap3A_420 = vector.load %arg11[%swap3A_417, %swap3A_418, %swap3A_419] : memref<4x256x64xf32, #tpu.memory_space<vmem>>, vector<1x256x64xf32>
    %swap3A_421 = vector.shape_cast %swap3A_420 : vector<1x256x64xf32> to vector<256x64xf32>
    %swap3A_422 = vector.shape_cast %slice3A_416 : vector<256x64xf32> to vector<1x256x64xf32>
    tpu.vector_store %arg11[%swap3A_417, %swap3A_418, %swap3A_419], %swap3A_422 {strides = array<i32>} : memref<4x256x64xf32, #tpu.memory_space<vmem>>, vector<1x256x64xf32>,
    %slice3A_423 = vector.extract_strided_slice %slice3A_416 {offsets = [0, 0], sizes = [256, 32], strides = [1, 1]} : vector<256x64xf32> to vector<256x32xf32>
    %slice3A_424 = vector.extract_strided_slice %slice3A_416 {offsets = [0, 32], sizes = [256, 32], strides = [1, 1]} : vector<256x64xf32> to vector<256x32xf32>
    %mul3A_425 = arith.mulf %slice3A_423, %get3A_16 : vector<256x32xf32>
    %mul3A_426 = arith.mulf %slice3A_424, %get3A_19 : vector<256x32xf32>
    %sub3A_427 = arith.subf %mul3A_425, %mul3A_426 : vector<256x32xf32>
    %swap3A_428 = arith.constant 2 : index
    %swap3A_429 = arith.constant 0 : index
    %swap3A_430 = arith.constant 0 : index
    %swap3A_431 = vector.load %arg10[%swap3A_428, %swap3A_429, %swap3A_430] : memref<4x256x64xf32, #tpu.memory_space<vmem>>, vector<1x256x32xf32>
    %swap3A_432 = vector.shape_cast %swap3A_431 : vector<1x256x32xf32> to vector<256x32xf32>
    %swap3A_433 = vector.shape_cast %sub3A_427 : vector<256x32xf32> to vector<1x256x32xf32>
    tpu.vector_store %arg10[%swap3A_428, %swap3A_429, %swap3A_430], %swap3A_433 {strides = array<i32>} : memref<4x256x64xf32, #tpu.memory_space<vmem>>, vector<1x256x32xf32>,
    %mul3A_434 = arith.mulf %slice3A_423, %get3A_19 : vector<256x32xf32>
    %mul3A_435 = arith.mulf %slice3A_424, %get3A_16 : vector<256x32xf32>
    %add3A_436 = arith.addf %mul3A_434, %mul3A_435 : vector<256x32xf32>
    %swap3A_437 = arith.constant 2 : index
    %swap3A_438 = arith.constant 0 : index
    %swap3A_439 = arith.constant 32 : index
    %swap3A_440 = vector.load %arg10[%swap3A_437, %swap3A_438, %swap3A_439] : memref<4x256x64xf32, #tpu.memory_space<vmem>>, vector<1x256x32xf32>
    %swap3A_441 = vector.shape_cast %swap3A_440 : vector<1x256x32xf32> to vector<256x32xf32>
    %swap3A_442 = vector.shape_cast %add3A_436 : vector<256x32xf32> to vector<1x256x32xf32>
    tpu.vector_store %arg10[%swap3A_437, %swap3A_438, %swap3A_439], %swap3A_442 {strides = array<i32>} : memref<4x256x64xf32, #tpu.memory_space<vmem>>, vector<1x256x32xf32>,
    %slice3A_443 = vector.extract_strided_slice %dot_general3A_361 {offsets = [0, 192], sizes = [256, 64], strides = [1, 1]} : vector<256x256xf32> to vector<256x64xf32>
    %swap3A_444 = arith.constant 3 : index
    %swap3A_445 = arith.constant 0 : index
    %swap3A_446 = arith.constant 0 : index
    %swap3A_447 = vector.load %arg11[%swap3A_444, %swap3A_445, %swap3A_446] : memref<4x256x64xf32, #tpu.memory_space<vmem>>, vector<1x256x64xf32>
    %swap3A_448 = vector.shape_cast %swap3A_447 : vector<1x256x64xf32> to vector<256x64xf32>
    %swap3A_449 = vector.shape_cast %slice3A_443 : vector<256x64xf32> to vector<1x256x64xf32>
    tpu.vector_store %arg11[%swap3A_444, %swap3A_445, %swap3A_446], %swap3A_449 {strides = array<i32>} : memref<4x256x64xf32, #tpu.memory_space<vmem>>, vector<1x256x64xf32>,
    %slice3A_450 = vector.extract_strided_slice %slice3A_443 {offsets = [0, 0], sizes = [256, 32], strides = [1, 1]} : vector<256x64xf32> to vector<256x32xf32>
    %slice3A_451 = vector.extract_strided_slice %slice3A_443 {offsets = [0, 32], sizes = [256, 32], strides = [1, 1]} : vector<256x64xf32> to vector<256x32xf32>
    %mul3A_452 = arith.mulf %slice3A_450, %get3A_16 : vector<256x32xf32>
    %mul3A_453 = arith.mulf %slice3A_451, %get3A_19 : vector<256x32xf32>
    %sub3A_454 = arith.subf %mul3A_452, %mul3A_453 : vector<256x32xf32>
    %swap3A_455 = arith.constant 3 : index
    %swap3A_456 = arith.constant 0 : index
    %swap3A_457 = arith.constant 0 : index
    %swap3A_458 = vector.load %arg10[%swap3A_455, %swap3A_456, %swap3A_457] : memref<4x256x64xf32, #tpu.memory_space<vmem>>, vector<1x256x32xf32>
    %swap3A_459 = vector.shape_cast %swap3A_458 : vector<1x256x32xf32> to vector<256x32xf32>
    %swap3A_460 = vector.shape_cast %sub3A_454 : vector<256x32xf32> to vector<1x256x32xf32>
    tpu.vector_store %arg10[%swap3A_455, %swap3A_456, %swap3A_457], %swap3A_460 {strides = array<i32>} : memref<4x256x64xf32, #tpu.memory_space<vmem>>, vector<1x256x32xf32>,
    %mul3A_461 = arith.mulf %slice3A_450, %get3A_19 : vector<256x32xf32>
    %mul3A_462 = arith.mulf %slice3A_451, %get3A_16 : vector<256x32xf32>
    %add3A_463 = arith.addf %mul3A_461, %mul3A_462 : vector<256x32xf32>
    %swap3A_464 = arith.constant 3 : index
    %swap3A_465 = arith.constant 0 : index
    %swap3A_466 = arith.constant 32 : index
    %swap3A_467 = vector.load %arg10[%swap3A_464, %swap3A_465, %swap3A_466] : memref<4x256x64xf32, #tpu.memory_space<vmem>>, vector<1x256x32xf32>
    %swap3A_468 = vector.shape_cast %swap3A_467 : vector<1x256x32xf32> to vector<256x32xf32>
    %swap3A_469 = vector.shape_cast %add3A_463 : vector<256x32xf32> to vector<1x256x32xf32>
    tpu.vector_store %arg10[%swap3A_464, %swap3A_465, %swap3A_466], %swap3A_469 {strides = array<i32>} : memref<4x256x64xf32, #tpu.memory_space<vmem>>, vector<1x256x32xf32>,
    %get3A_470 = arith.constant 0 : index
    %get3A_471 = arith.constant 0 : index
    %get3A_472 = vector.load %arg5[%get3A_470, %get3A_471] : memref<1024x256xf32, #tpu.memory_space<vmem>>, vector<1024x256xf32>
    %dot_general3A_473 = arith.constant dense<0.000000e+00> : vector<256x256xf32>
    %dot_general3A_474 = tpu.matmul %mul3A_13, %get3A_472, %dot_general3A_473 {dimension_numbers = #tpu.dot_dimension_numbers<[1], [0], [0], [1], [0, 0, 1, 1], [], []>, transpose_lhs_hint = false} : vector<256x1024xf32>, vector<1024x256xf32>, vector<256x256xf32> -> vector<256x256xf32>
    %slice3A_475 = vector.extract_strided_slice %dot_general3A_474 {offsets = [0, 0], sizes = [256, 64], strides = [1, 1]} : vector<256x256xf32> to vector<256x64xf32>
    %swap3A_476 = arith.constant 0 : index
    %swap3A_477 = arith.constant 0 : index
    %swap3A_478 = arith.constant 0 : index
    %swap3A_479 = vector.load %arg12[%swap3A_476, %swap3A_477, %swap3A_478] : memref<4x256x64xf32, #tpu.memory_space<vmem>>, vector<1x256x64xf32>
    %swap3A_480 = vector.shape_cast %swap3A_479 : vector<1x256x64xf32> to vector<256x64xf32>
    %swap3A_481 = vector.shape_cast %slice3A_475 : vector<256x64xf32> to vector<1x256x64xf32>
    tpu.vector_store %arg12[%swap3A_476, %swap3A_477, %swap3A_478], %swap3A_481 {strides = array<i32>} : memref<4x256x64xf32, #tpu.memory_space<vmem>>, vector<1x256x64xf32>,
    %slice3A_482 = vector.extract_strided_slice %dot_general3A_474 {offsets = [0, 64], sizes = [256, 64], strides = [1, 1]} : vector<256x256xf32> to vector<256x64xf32>
    %swap3A_483 = arith.constant 1 : index
    %swap3A_484 = arith.constant 0 : index
    %swap3A_485 = arith.constant 0 : index
    %swap3A_486 = vector.load %arg12[%swap3A_483, %swap3A_484, %swap3A_485] : memref<4x256x64xf32, #tpu.memory_space<vmem>>, vector<1x256x64xf32>
    %swap3A_487 = vector.shape_cast %swap3A_486 : vector<1x256x64xf32> to vector<256x64xf32>
    %swap3A_488 = vector.shape_cast %slice3A_482 : vector<256x64xf32> to vector<1x256x64xf32>
    tpu.vector_store %arg12[%swap3A_483, %swap3A_484, %swap3A_485], %swap3A_488 {strides = array<i32>} : memref<4x256x64xf32, #tpu.memory_space<vmem>>, vector<1x256x64xf32>,
    %slice3A_489 = vector.extract_strided_slice %dot_general3A_474 {offsets = [0, 128], sizes = [256, 64], strides = [1, 1]} : vector<256x256xf32> to vector<256x64xf32>
    %swap3A_490 = arith.constant 2 : index
    %swap3A_491 = arith.constant 0 : index
    %swap3A_492 = arith.constant 0 : index
    %swap3A_493 = vector.load %arg12[%swap3A_490, %swap3A_491, %swap3A_492] : memref<4x256x64xf32, #tpu.memory_space<vmem>>, vector<1x256x64xf32>
    %swap3A_494 = vector.shape_cast %swap3A_493 : vector<1x256x64xf32> to vector<256x64xf32>
    %swap3A_495 = vector.shape_cast %slice3A_489 : vector<256x64xf32> to vector<1x256x64xf32>
    tpu.vector_store %arg12[%swap3A_490, %swap3A_491, %swap3A_492], %swap3A_495 {strides = array<i32>} : memref<4x256x64xf32, #tpu.memory_space<vmem>>, vector<1x256x64xf32>,
    %slice3A_496 = vector.extract_strided_slice %dot_general3A_474 {offsets = [0, 192], sizes = [256, 64], strides = [1, 1]} : vector<256x256xf32> to vector<256x64xf32>
    %swap3A_497 = arith.constant 3 : index
    %swap3A_498 = arith.constant 0 : index
    %swap3A_499 = arith.constant 0 : index
    %swap3A_500 = vector.load %arg12[%swap3A_497, %swap3A_498, %swap3A_499] : memref<4x256x64xf32, #tpu.memory_space<vmem>>, vector<1x256x64xf32>
    %swap3A_501 = vector.shape_cast %swap3A_500 : vector<1x256x64xf32> to vector<256x64xf32>
    %swap3A_502 = vector.shape_cast %slice3A_496 : vector<256x64xf32> to vector<1x256x64xf32>
    tpu.vector_store %arg12[%swap3A_497, %swap3A_498, %swap3A_499], %swap3A_502 {strides = array<i32>} : memref<4x256x64xf32, #tpu.memory_space<vmem>>, vector<1x256x64xf32>,
    %get3A_503 = arith.constant 0 : index
    %get3A_504 = arith.constant 0 : index
    %get3A_505 = vector.load %arg6[%get3A_503, %get3A_504] : memref<1024x48xf32, #tpu.memory_space<vmem>>, vector<1024x48xf32>
    %dot_general3A_506 = arith.constant dense<0.000000e+00> : vector<256x48xf32>
    %dot_general3A_507 = tpu.matmul %mul3A_13, %get3A_505, %dot_general3A_506 {dimension_numbers = #tpu.dot_dimension_numbers<[1], [0], [0], [1], [0, 0, 1, 1], [], []>, transpose_lhs_hint = false} : vector<256x1024xf32>, vector<1024x48xf32>, vector<256x48xf32> -> vector<256x48xf32>
    %logistic3A = arith.negf %dot_general3A_507 : vector<256x48xf32>
    %logistic3A_508 = math.exp %logistic3A : vector<256x48xf32>
    %logistic3A_509 = arith.constant 1.000000e+00 : f32
    %logistic3A_510 = vector.broadcast %logistic3A_509 : f32 to vector<256x48xf32>
    %logistic3A_511 = arith.addf %logistic3A_510, %logistic3A_508 : vector<256x48xf32>
    %logistic3A_512 = arith.divf %logistic3A_510, %logistic3A_511 : vector<256x48xf32>
    %swap3A_513 = arith.constant 0 : index
    %swap3A_514 = arith.constant 0 : index
    %swap3A_515 = vector.load %arg13[%swap3A_513, %swap3A_514] : memref<256x48xf32, #tpu.memory_space<vmem>>, vector<256x48xf32>
    tpu.vector_store %arg13[%swap3A_513, %swap3A_514], %logistic3A_512 {strides = array<i32>} : memref<256x48xf32, #tpu.memory_space<vmem>>, vector<256x48xf32>,
    return
  }
  func.func @transform_0(%arg0: i32) -> (i32, i32) {
    %c0_i32 = arith.constant 0 : i32
    %c0_i32_0 = arith.constant 0 : i32
    return %arg0, %c0_i32 : i32, i32
  }
  func.func @transform_1(%arg0: i32) -> (i32, i32) {
    %c0_i32 = arith.constant 0 : i32
    %c0_i32_0 = arith.constant 0 : i32
    %c0_i32_1 = arith.constant 0 : i32
    return %c0_i32, %c0_i32_0 : i32, i32
  }
  func.func @transform_2(%arg0: i32) -> (i32, i32) {
    %c0_i32 = arith.constant 0 : i32
    %c0_i32_0 = arith.constant 0 : i32
    %c0_i32_1 = arith.constant 0 : i32
    return %c0_i32, %c0_i32_0 : i32, i32
  }
  func.func @transform_3(%arg0: i32) -> (i32, i32) {
    %c0_i32 = arith.constant 0 : i32
    %c0_i32_0 = arith.constant 0 : i32
    %c0_i32_1 = arith.constant 0 : i32
    return %c0_i32, %c0_i32_0 : i32, i32
  }
  func.func @transform_4(%arg0: i32) -> (i32, i32) {
    %c0_i32 = arith.constant 0 : i32
    %c0_i32_0 = arith.constant 0 : i32
    %c0_i32_1 = arith.constant 0 : i32
    return %c0_i32, %c0_i32_0 : i32, i32
  }
  func.func @transform_5(%arg0: i32) -> (i32, i32) {
    %c0_i32 = arith.constant 0 : i32
    %c0_i32_0 = arith.constant 0 : i32
    %c0_i32_1 = arith.constant 0 : i32
    return %c0_i32, %c0_i32_0 : i32, i32
  }
  func.func @transform_6(%arg0: i32) -> (i32, i32) {
    %c0_i32 = arith.constant 0 : i32
    %c0_i32_0 = arith.constant 0 : i32
    return %arg0, %c0_i32 : i32, i32
  }
  func.func @transform_7(%arg0: i32) -> (i32, i32) {
    %c0_i32 = arith.constant 0 : i32
    %c0_i32_0 = arith.constant 0 : i32
    return %arg0, %c0_i32 : i32, i32
  }
  func.func @transform_8(%arg0: i32) -> (i32, i32, i32) {
    %c0_i32 = arith.constant 0 : i32
    %c0_i32_0 = arith.constant 0 : i32
    %c0_i32_1 = arith.constant 0 : i32
    return %c0_i32, %arg0, %c0_i32_0 : i32, i32, i32
  }
  func.func @transform_9(%arg0: i32) -> (i32, i32, i32) {
    %c0_i32 = arith.constant 0 : i32
    %c0_i32_0 = arith.constant 0 : i32
    %c0_i32_1 = arith.constant 0 : i32
    return %c0_i32, %arg0, %c0_i32_0 : i32, i32, i32
  }
  func.func @transform_10(%arg0: i32) -> (i32, i32, i32) {
    %c0_i32 = arith.constant 0 : i32
    %c0_i32_0 = arith.constant 0 : i32
    %c0_i32_1 = arith.constant 0 : i32
    return %c0_i32, %arg0, %c0_i32_0 : i32, i32, i32
  }
  func.func @transform_11(%arg0: i32) -> (i32, i32, i32) {
    %c0_i32 = arith.constant 0 : i32
    %c0_i32_0 = arith.constant 0 : i32
    %c0_i32_1 = arith.constant 0 : i32
    return %c0_i32, %arg0, %c0_i32_0 : i32, i32, i32
  }
  func.func @transform_12(%arg0: i32) -> (i32, i32) {
    %c0_i32 = arith.constant 0 : i32
    %c0_i32_0 = arith.constant 0 : i32
    return %arg0, %c0_i32 : i32, i32
  }
}

module attributes {stable_mosaic.version = 14 : i64} {
  func.func @_summary_kernel(%arg0: i32, %arg1: memref<1x64x2048xf32, #tpu.memory_space<vmem>>, %arg2: memref<1x64x2048xf32, #tpu.memory_space<vmem>>, %arg3: memref<4096x64xf32, #tpu.memory_space<vmem>>, %arg4: memref<4096x64xf32, #tpu.memory_space<vmem>>, %arg5: memref<1x1x4096xf32, #tpu.memory_space<vmem>>, %arg6: memref<1x1x4096xf32, #tpu.memory_space<vmem>>, %arg7: memref<1x1x64xf32, #tpu.memory_space<vmem>>, %arg8: memref<1x1x64xf32, #tpu.memory_space<vmem>>, %arg9: memref<1x64x64xf32, #tpu.memory_space<vmem>>, %arg10: memref<1x64x64xf32, #tpu.memory_space<vmem>>) attributes {dimension_semantics = [#tpu.dimension_semantics<arbitrary>], iteration_bounds = array<i64: 4>, scalar_prefetch = 0 : i64, scratch_operands = 0 : i64, tpu.core_type = #tpu.core_type<tc>, window_params = [{transform_indices = @transform_0, window_bounds = array<i64: 1, 64, 2048>}, {transform_indices = @transform_1, window_bounds = array<i64: 1, 64, 2048>}, {pipeline_mode = #tpu.pipeline_mode<synchronous>, transform_indices = @transform_2, window_bounds = array<i64: 4096, 64>}, {pipeline_mode = #tpu.pipeline_mode<synchronous>, transform_indices = @transform_3, window_bounds = array<i64: 4096, 64>}, {transform_indices = @transform_4, window_bounds = array<i64: 1, 1, 4096>}, {transform_indices = @transform_5, window_bounds = array<i64: 1, 1, 4096>}, {transform_indices = @transform_6, window_bounds = array<i64: 1, 1, 64>}, {transform_indices = @transform_7, window_bounds = array<i64: 1, 1, 64>}, {transform_indices = @transform_8, window_bounds = array<i64: 1, 64, 64>}, {transform_indices = @transform_9, window_bounds = array<i64: 1, 64, 64>}]} {
    %get3A = arith.constant 0 : index
    %get3A_0 = arith.constant 0 : index
    %get3A_1 = arith.constant 0 : index
    %get3A_2 = vector.load %arg1[%get3A, %get3A_0, %get3A_1] : memref<1x64x2048xf32, #tpu.memory_space<vmem>>, vector<1x64x2048xf32>
    %get3A_3 = vector.shape_cast %get3A_2 : vector<1x64x2048xf32> to vector<64x2048xf32>
    %get3A_4 = arith.constant 0 : index
    %get3A_5 = arith.constant 0 : index
    %get3A_6 = arith.constant 0 : index
    %get3A_7 = vector.load %arg2[%get3A_4, %get3A_5, %get3A_6] : memref<1x64x2048xf32, #tpu.memory_space<vmem>>, vector<1x64x2048xf32>
    %get3A_8 = vector.shape_cast %get3A_7 : vector<1x64x2048xf32> to vector<64x2048xf32>
    %get3A_9 = arith.constant 0 : index
    %get3A_10 = arith.constant 0 : index
    %get3A_11 = vector.load %arg3[%get3A_9, %get3A_10] : memref<4096x64xf32, #tpu.memory_space<vmem>>, vector<2048x64xf32>
    %dot_general3A = arith.constant dense<0.000000e+00> : vector<64x64xf32>
    %dot_general3A_12 = tpu.matmul %get3A_3, %get3A_11, %dot_general3A {dimension_numbers = #tpu.dot_dimension_numbers<[1], [0], [0], [1], [0, 0, 1, 1], [], []>, transpose_lhs_hint = false} : vector<64x2048xf32>, vector<2048x64xf32>, vector<64x64xf32> -> vector<64x64xf32>
    %get3A_13 = arith.constant 2048 : index
    %get3A_14 = arith.constant 0 : index
    %get3A_15 = vector.load %arg3[%get3A_13, %get3A_14] : memref<4096x64xf32, #tpu.memory_space<vmem>>, vector<2048x64xf32>
    %dot_general3A_16 = arith.constant dense<0.000000e+00> : vector<64x64xf32>
    %dot_general3A_17 = tpu.matmul %get3A_3, %get3A_15, %dot_general3A_16 {dimension_numbers = #tpu.dot_dimension_numbers<[1], [0], [0], [1], [0, 0, 1, 1], [], []>, transpose_lhs_hint = false} : vector<64x2048xf32>, vector<2048x64xf32>, vector<64x64xf32> -> vector<64x64xf32>
    %get3A_18 = arith.constant 0 : index
    %get3A_19 = arith.constant 0 : index
    %get3A_20 = vector.load %arg4[%get3A_18, %get3A_19] : memref<4096x64xf32, #tpu.memory_space<vmem>>, vector<2048x64xf32>
    %dot_general3A_21 = arith.constant dense<0.000000e+00> : vector<64x64xf32>
    %dot_general3A_22 = tpu.matmul %get3A_8, %get3A_20, %dot_general3A_21 {dimension_numbers = #tpu.dot_dimension_numbers<[1], [0], [0], [1], [0, 0, 1, 1], [], []>, transpose_lhs_hint = false} : vector<64x2048xf32>, vector<2048x64xf32>, vector<64x64xf32> -> vector<64x64xf32>
    %get3A_23 = arith.constant 2048 : index
    %get3A_24 = arith.constant 0 : index
    %get3A_25 = vector.load %arg4[%get3A_23, %get3A_24] : memref<4096x64xf32, #tpu.memory_space<vmem>>, vector<2048x64xf32>
    %dot_general3A_26 = arith.constant dense<0.000000e+00> : vector<64x64xf32>
    %dot_general3A_27 = tpu.matmul %get3A_8, %get3A_25, %dot_general3A_26 {dimension_numbers = #tpu.dot_dimension_numbers<[1], [0], [0], [1], [0, 0, 1, 1], [], []>, transpose_lhs_hint = false} : vector<64x2048xf32>, vector<2048x64xf32>, vector<64x64xf32> -> vector<64x64xf32>
    %get3A_28 = arith.constant 0 : index
    %get3A_29 = arith.constant 0 : index
    %get3A_30 = arith.constant 0 : index
    %get3A_31 = vector.load %arg5[%get3A_28, %get3A_29, %get3A_30] : memref<1x1x4096xf32, #tpu.memory_space<vmem>>, vector<1x1x4096xf32>
    %get3A_32 = vector.shape_cast %get3A_31 : vector<1x1x4096xf32> to vector<1x4096xf32>
    %get3A_33 = arith.constant 0 : index
    %get3A_34 = arith.constant 0 : index
    %get3A_35 = vector.load %arg3[%get3A_33, %get3A_34] : memref<4096x64xf32, #tpu.memory_space<vmem>>, vector<4096x64xf32>
    %dot_general3A_36 = arith.constant dense<0.000000e+00> : vector<1x64xf32>
    %dot_general3A_37 = tpu.matmul %get3A_32, %get3A_35, %dot_general3A_36 {dimension_numbers = #tpu.dot_dimension_numbers<[1], [0], [0], [1], [0, 0, 1, 1], [], []>, transpose_lhs_hint = false} : vector<1x4096xf32>, vector<4096x64xf32>, vector<1x64xf32> -> vector<1x64xf32>
    %get3A_38 = arith.constant 0 : index
    %get3A_39 = arith.constant 0 : index
    %get3A_40 = arith.constant 0 : index
    %get3A_41 = vector.load %arg6[%get3A_38, %get3A_39, %get3A_40] : memref<1x1x4096xf32, #tpu.memory_space<vmem>>, vector<1x1x4096xf32>
    %get3A_42 = vector.shape_cast %get3A_41 : vector<1x1x4096xf32> to vector<1x4096xf32>
    %get3A_43 = arith.constant 0 : index
    %get3A_44 = arith.constant 0 : index
    %get3A_45 = vector.load %arg4[%get3A_43, %get3A_44] : memref<4096x64xf32, #tpu.memory_space<vmem>>, vector<4096x64xf32>
    %dot_general3A_46 = arith.constant dense<0.000000e+00> : vector<1x64xf32>
    %dot_general3A_47 = tpu.matmul %get3A_42, %get3A_45, %dot_general3A_46 {dimension_numbers = #tpu.dot_dimension_numbers<[1], [0], [0], [1], [0, 0, 1, 1], [], []>, transpose_lhs_hint = false} : vector<1x4096xf32>, vector<4096x64xf32>, vector<1x64xf32> -> vector<1x64xf32>
    %get3A_48 = arith.constant 0 : index
    %get3A_49 = arith.constant 0 : index
    %get3A_50 = arith.constant 0 : index
    %get3A_51 = vector.load %arg7[%get3A_48, %get3A_49, %get3A_50] : memref<1x1x64xf32, #tpu.memory_space<vmem>>, vector<1x1x64xf32>
    %get3A_52 = vector.shape_cast %get3A_51 : vector<1x1x64xf32> to vector<1x64xf32>
    %swap3A = arith.constant 0 : index
    %swap3A_53 = arith.constant 0 : index
    %swap3A_54 = arith.constant 0 : index
    %swap3A_55 = vector.load %arg9[%swap3A, %swap3A_53, %swap3A_54] : memref<1x64x64xf32, #tpu.memory_space<vmem>>, vector<1x1x64xf32>
    %swap3A_56 = vector.shape_cast %swap3A_55 : vector<1x1x64xf32> to vector<1x64xf32>
    %swap3A_57 = vector.shape_cast %get3A_52 : vector<1x64xf32> to vector<1x1x64xf32>
    tpu.vector_store %arg9[%swap3A, %swap3A_53, %swap3A_54], %swap3A_57 {strides = array<i32>} : memref<1x64x64xf32, #tpu.memory_space<vmem>>, vector<1x1x64xf32>,
    %get3A_58 = arith.constant 0 : index
    %get3A_59 = arith.constant 0 : index
    %get3A_60 = arith.constant 0 : index
    %get3A_61 = vector.load %arg8[%get3A_58, %get3A_59, %get3A_60] : memref<1x1x64xf32, #tpu.memory_space<vmem>>, vector<1x1x64xf32>
    %get3A_62 = vector.shape_cast %get3A_61 : vector<1x1x64xf32> to vector<1x64xf32>
    %swap3A_63 = arith.constant 0 : index
    %swap3A_64 = arith.constant 0 : index
    %swap3A_65 = arith.constant 0 : index
    %swap3A_66 = vector.load %arg10[%swap3A_63, %swap3A_64, %swap3A_65] : memref<1x64x64xf32, #tpu.memory_space<vmem>>, vector<1x1x64xf32>
    %swap3A_67 = vector.shape_cast %swap3A_66 : vector<1x1x64xf32> to vector<1x64xf32>
    %swap3A_68 = vector.shape_cast %get3A_62 : vector<1x64xf32> to vector<1x1x64xf32>
    tpu.vector_store %arg10[%swap3A_63, %swap3A_64, %swap3A_65], %swap3A_68 {strides = array<i32>} : memref<1x64x64xf32, #tpu.memory_space<vmem>>, vector<1x1x64xf32>,
    %slice3A = vector.extract_strided_slice %dot_general3A_12 {offsets = [0, 0], sizes = [63, 64], strides = [1, 1]} : vector<64x64xf32> to vector<63x64xf32>
    %slice3A_69 = vector.extract_strided_slice %dot_general3A_17 {offsets = [1, 0], sizes = [63, 64], strides = [1, 1]} : vector<64x64xf32> to vector<63x64xf32>
    %add3A = arith.addf %slice3A, %slice3A_69 : vector<63x64xf32>
    %add3A_70 = vector.broadcast %dot_general3A_37 : vector<1x64xf32> to vector<63x64xf32>
    %add3A_71 = arith.addf %add3A, %add3A_70 : vector<63x64xf32>
    %swap3A_72 = arith.constant 0 : index
    %swap3A_73 = arith.constant 1 : index
    %swap3A_74 = arith.constant 0 : index
    %swap3A_75 = vector.load %arg9[%swap3A_72, %swap3A_73, %swap3A_74] : memref<1x64x64xf32, #tpu.memory_space<vmem>>, vector<1x63x64xf32>
    %swap3A_76 = vector.shape_cast %swap3A_75 : vector<1x63x64xf32> to vector<63x64xf32>
    %swap3A_77 = vector.shape_cast %add3A_71 : vector<63x64xf32> to vector<1x63x64xf32>
    tpu.vector_store %arg9[%swap3A_72, %swap3A_73, %swap3A_74], %swap3A_77 {strides = array<i32>} : memref<1x64x64xf32, #tpu.memory_space<vmem>>, vector<1x63x64xf32>,
    %slice3A_78 = vector.extract_strided_slice %dot_general3A_22 {offsets = [0, 0], sizes = [63, 64], strides = [1, 1]} : vector<64x64xf32> to vector<63x64xf32>
    %slice3A_79 = vector.extract_strided_slice %dot_general3A_27 {offsets = [1, 0], sizes = [63, 64], strides = [1, 1]} : vector<64x64xf32> to vector<63x64xf32>
    %add3A_80 = arith.addf %slice3A_78, %slice3A_79 : vector<63x64xf32>
    %add3A_81 = vector.broadcast %dot_general3A_47 : vector<1x64xf32> to vector<63x64xf32>
    %add3A_82 = arith.addf %add3A_80, %add3A_81 : vector<63x64xf32>
    %swap3A_83 = arith.constant 0 : index
    %swap3A_84 = arith.constant 1 : index
    %swap3A_85 = arith.constant 0 : index
    %swap3A_86 = vector.load %arg10[%swap3A_83, %swap3A_84, %swap3A_85] : memref<1x64x64xf32, #tpu.memory_space<vmem>>, vector<1x63x64xf32>
    %swap3A_87 = vector.shape_cast %swap3A_86 : vector<1x63x64xf32> to vector<63x64xf32>
    %swap3A_88 = vector.shape_cast %add3A_82 : vector<63x64xf32> to vector<1x63x64xf32>
    tpu.vector_store %arg10[%swap3A_83, %swap3A_84, %swap3A_85], %swap3A_88 {strides = array<i32>} : memref<1x64x64xf32, #tpu.memory_space<vmem>>, vector<1x63x64xf32>,
    return
  }
  func.func @transform_0(%arg0: i32) -> (i32, i32, i32) {
    %c0_i32 = arith.constant 0 : i32
    %c0_i32_0 = arith.constant 0 : i32
    %c0_i32_1 = arith.constant 0 : i32
    return %arg0, %c0_i32, %c0_i32_0 : i32, i32, i32
  }
  func.func @transform_1(%arg0: i32) -> (i32, i32, i32) {
    %c0_i32 = arith.constant 0 : i32
    %c0_i32_0 = arith.constant 0 : i32
    %c0_i32_1 = arith.constant 0 : i32
    return %arg0, %c0_i32, %c0_i32_0 : i32, i32, i32
  }
  func.func @transform_2(%arg0: i32) -> (i32, i32) {
    %c0_i32 = arith.constant 0 : i32
    %c0_i32_0 = arith.constant 0 : i32
    %c0_i32_1 = arith.constant 0 : i32
    return %c0_i32, %c0_i32_0 : i32, i32
  }
  func.func @transform_3(%arg0: i32) -> (i32, i32) {
    %c0_i32 = arith.constant 0 : i32
    %c0_i32_0 = arith.constant 0 : i32
    %c0_i32_1 = arith.constant 0 : i32
    return %c0_i32, %c0_i32_0 : i32, i32
  }
  func.func @transform_4(%arg0: i32) -> (i32, i32, i32) {
    %c0_i32 = arith.constant 0 : i32
    %c0_i32_0 = arith.constant 0 : i32
    %c0_i32_1 = arith.constant 0 : i32
    return %arg0, %c0_i32, %c0_i32_0 : i32, i32, i32
  }
  func.func @transform_5(%arg0: i32) -> (i32, i32, i32) {
    %c0_i32 = arith.constant 0 : i32
    %c0_i32_0 = arith.constant 0 : i32
    %c0_i32_1 = arith.constant 0 : i32
    return %arg0, %c0_i32, %c0_i32_0 : i32, i32, i32
  }
  func.func @transform_6(%arg0: i32) -> (i32, i32, i32) {
    %c0_i32 = arith.constant 0 : i32
    %c0_i32_0 = arith.constant 0 : i32
    %c0_i32_1 = arith.constant 0 : i32
    return %arg0, %c0_i32, %c0_i32_0 : i32, i32, i32
  }
  func.func @transform_7(%arg0: i32) -> (i32, i32, i32) {
    %c0_i32 = arith.constant 0 : i32
    %c0_i32_0 = arith.constant 0 : i32
    %c0_i32_1 = arith.constant 0 : i32
    return %arg0, %c0_i32, %c0_i32_0 : i32, i32, i32
  }
  func.func @transform_8(%arg0: i32) -> (i32, i32, i32) {
    %c0_i32 = arith.constant 0 : i32
    %c0_i32_0 = arith.constant 0 : i32
    %c0_i32_1 = arith.constant 0 : i32
    return %arg0, %c0_i32, %c0_i32_0 : i32, i32, i32
  }
  func.func @transform_9(%arg0: i32) -> (i32, i32, i32) {
    %c0_i32 = arith.constant 0 : i32
    %c0_i32_0 = arith.constant 0 : i32
    %c0_i32_1 = arith.constant 0 : i32
    return %arg0, %c0_i32, %c0_i32_0 : i32, i32, i32
  }
}

module attributes {stable_mosaic.version = 14 : i64} {
  func.func @_attn_kernel(%arg0: i32, %arg1: memref<16x128x64xf32, #tpu.memory_space<vmem>>, %arg2: memref<4x2048x64xf32, #tpu.memory_space<vmem>>, %arg3: memref<4x2048x64xf32, #tpu.memory_space<vmem>>, %arg4: memref<4x64x64xf32, #tpu.memory_space<vmem>>, %arg5: memref<4x64x64xf32, #tpu.memory_space<vmem>>, %arg6: memref<64x32xf32, #tpu.memory_space<vmem>>, %arg7: memref<128x48xf32, #tpu.memory_space<vmem>>, %arg8: memref<1024x1024xf32, #tpu.memory_space<vmem>>, %arg9: memref<128x1024xf32, #tpu.memory_space<vmem>>, %arg10: memref<4x128x64xf32, #tpu.memory_space<vmem>>, %arg11: memref<128x1024xf32, #tpu.memory_space<vmem>>) attributes {dimension_semantics = [#tpu.dimension_semantics<arbitrary>], iteration_bounds = array<i64: 16>, scalar_prefetch = 0 : i64, scratch_operands = 2 : i64, tpu.core_type = #tpu.core_type<tc>, window_params = [{transform_indices = @transform_0, window_bounds = array<i64: 16, 128, 64>}, {pipeline_mode = #tpu.pipeline_mode<synchronous>, transform_indices = @transform_1, window_bounds = array<i64: 4, 2048, 64>}, {pipeline_mode = #tpu.pipeline_mode<synchronous>, transform_indices = @transform_2, window_bounds = array<i64: 4, 2048, 64>}, {pipeline_mode = #tpu.pipeline_mode<synchronous>, transform_indices = @transform_3, window_bounds = array<i64: 4, 64, 64>}, {pipeline_mode = #tpu.pipeline_mode<synchronous>, transform_indices = @transform_4, window_bounds = array<i64: 4, 64, 64>}, {pipeline_mode = #tpu.pipeline_mode<synchronous>, transform_indices = @transform_5, window_bounds = array<i64: 64, 32>}, {transform_indices = @transform_6, window_bounds = array<i64: 128, 48>}, {pipeline_mode = #tpu.pipeline_mode<synchronous>, transform_indices = @transform_7, window_bounds = array<i64: 1024, 1024>}, {transform_indices = @transform_8, window_bounds = array<i64: 128, 1024>}]} {
    %get3A = arith.constant 0 : index
    %get3A_0 = arith.constant 0 : index
    %get3A_1 = vector.load %arg7[%get3A, %get3A_0] : memref<128x48xf32, #tpu.memory_space<vmem>>, vector<128x48xf32>
    %iota3A = tpu.iota {dimensions = array<i32: 0>} : vector<128x512xi32>
    %iota3A_2 = tpu.iota {dimensions = array<i32: 1>} : vector<128x512xi32>
    %iota3A_3 = tpu.iota {dimensions = array<i32: 0>} : vector<32x512xi32>
    %iota3A_4 = tpu.iota {dimensions = array<i32: 1>} : vector<32x512xi32>
    %jit3A = arith.constant 64 : i32
    %div3A = vector.broadcast %jit3A : i32 to vector<32x512xi32>
    %div3A_5 = arith.divsi %iota3A_4, %div3A : vector<32x512xi32>
    %sign3A = arith.constant 0 : i32
    %sign3A_6 = vector.broadcast %sign3A : i32 to vector<32x512xi32>
    %sign3A_7 = arith.cmpi sgt, %iota3A_4, %sign3A_6 : vector<32x512xi32>
    %sign3A_8 = arith.extui %sign3A_7 : vector<32x512xi1> to vector<32x512xi32>
    %sign3A_9 = arith.constant 0 : i32
    %sign3A_10 = vector.broadcast %sign3A_9 : i32 to vector<32x512xi32>
    %sign3A_11 = arith.cmpi slt, %iota3A_4, %sign3A_10 : vector<32x512xi32>
    %sign3A_12 = arith.extui %sign3A_11 : vector<32x512xi1> to vector<32x512xi32>
    %sign3A_13 = arith.subi %sign3A_8, %sign3A_12 : vector<32x512xi32>
    %sign3A_14 = arith.constant 0 : i32
    %sign3A_15 = arith.cmpi sgt, %jit3A, %sign3A_14 : i32
    %sign3A_16 = arith.extui %sign3A_15 : i1 to i32
    %sign3A_17 = arith.constant 0 : i32
    %sign3A_18 = arith.cmpi slt, %jit3A, %sign3A_17 : i32
    %sign3A_19 = arith.extui %sign3A_18 : i1 to i32
    %sign3A_20 = arith.subi %sign3A_16, %sign3A_19 : i32
    %ne3A = vector.broadcast %sign3A_20 : i32 to vector<32x512xi32>
    %ne3A_21 = arith.cmpi ne, %sign3A_13, %ne3A : vector<32x512xi32>
    %rem3A = vector.broadcast %jit3A : i32 to vector<32x512xi32>
    %rem3A_22 = arith.remsi %iota3A_4, %rem3A : vector<32x512xi32>
    %ne3A_23 = arith.constant 0 : i32
    %ne3A_24 = vector.broadcast %ne3A_23 : i32 to vector<32x512xi32>
    %ne3A_25 = arith.cmpi ne, %rem3A_22, %ne3A_24 : vector<32x512xi32>
    %and3A = arith.andi %ne3A_21, %ne3A_25 : vector<32x512xi1>
    %sub3A = arith.constant 1 : i32
    %sub3A_26 = vector.broadcast %sub3A : i32 to vector<32x512xi32>
    %sub3A_27 = arith.subi %div3A_5, %sub3A_26 : vector<32x512xi32>
    %select_n3A = arith.select %and3A, %sub3A_27, %div3A_5 : vector<32x512xi1>, vector<32x512xi32>
    %mul3A = arith.constant 128 : i32
    %mul3A_28 = arith.muli %arg0, %mul3A : i32
    %jit3A_29 = arith.constant 512 : i32
    %div3A_30 = arith.divsi %mul3A_28, %jit3A_29 : i32
    %sign3A_31 = arith.constant 0 : i32
    %sign3A_32 = arith.cmpi sgt, %mul3A_28, %sign3A_31 : i32
    %sign3A_33 = arith.extui %sign3A_32 : i1 to i32
    %sign3A_34 = arith.constant 0 : i32
    %sign3A_35 = arith.cmpi slt, %mul3A_28, %sign3A_34 : i32
    %sign3A_36 = arith.extui %sign3A_35 : i1 to i32
    %sign3A_37 = arith.subi %sign3A_33, %sign3A_36 : i32
    %sign3A_38 = arith.constant 0 : i32
    %sign3A_39 = arith.cmpi sgt, %jit3A_29, %sign3A_38 : i32
    %sign3A_40 = arith.extui %sign3A_39 : i1 to i32
    %sign3A_41 = arith.constant 0 : i32
    %sign3A_42 = arith.cmpi slt, %jit3A_29, %sign3A_41 : i32
    %sign3A_43 = arith.extui %sign3A_42 : i1 to i32
    %sign3A_44 = arith.subi %sign3A_40, %sign3A_43 : i32
    %ne3A_45 = arith.cmpi ne, %sign3A_37, %sign3A_44 : i32
    %rem3A_46 = arith.remsi %mul3A_28, %jit3A_29 : i32
    %ne3A_47 = arith.constant 0 : i32
    %ne3A_48 = arith.cmpi ne, %rem3A_46, %ne3A_47 : i32
    %and3A_49 = arith.andi %ne3A_45, %ne3A_48 : i1
    %sub3A_50 = arith.constant 1 : i32
    %sub3A_51 = arith.subi %div3A_30, %sub3A_50 : i32
    %select_n3A_52 = arith.select %and3A_49, %sub3A_51, %div3A_30 : i32
    %add3A = arith.constant 1 : i32
    %add3A_53 = arith.addi %select_n3A_52, %add3A : i32
    %get3A_54 = arith.constant 0 : index
    %get3A_55 = arith.constant 0 : index
    %get3A_56 = arith.constant 0 : index
    %get3A_57 = vector.load %arg1[%get3A_54, %get3A_55, %get3A_56] : memref<16x128x64xf32, #tpu.memory_space<vmem>>, vector<4x128x64xf32>
    %get3A_58 = arith.constant 0 : index
    %get3A_59 = arith.constant 0 : index
    %get3A_60 = arith.constant 0 : index
    %get3A_61 = vector.load %arg4[%get3A_58, %get3A_59, %get3A_60] : memref<4x64x64xf32, #tpu.memory_space<vmem>>, vector<1x64x64xf32>
    %get3A_62 = vector.shape_cast %get3A_61 : vector<1x64x64xf32> to vector<64x64xf32>
    %get3A_63 = arith.constant 0 : index
    %get3A_64 = arith.constant 0 : index
    %get3A_65 = arith.constant 0 : index
    %get3A_66 = vector.load %arg5[%get3A_63, %get3A_64, %get3A_65] : memref<4x64x64xf32, #tpu.memory_space<vmem>>, vector<1x64x64xf32>
    %get3A_67 = vector.shape_cast %get3A_66 : vector<1x64x64xf32> to vector<64x64xf32>
    %dot_general3A = arith.constant dense<0.000000e+00> : vector<4x128x64xf32>
    %dot_general3A_68 = tpu.matmul %get3A_57, %get3A_62, %dot_general3A {dimension_numbers = #tpu.dot_dimension_numbers<[2], [1], [0, 1], [0], [0, 0, 0, 1, 1, 0], [], []>, transpose_lhs_hint = false} : vector<4x128x64xf32>, vector<64x64xf32>, vector<4x128x64xf32> -> vector<4x128x64xf32>
    %mul3A_69 = arith.constant 1.250000e-01 : f32
    %mul3A_70 = vector.broadcast %mul3A_69 : f32 to vector<4x128x64xf32>
    %mul3A_71 = arith.mulf %dot_general3A_68, %mul3A_70 : vector<4x128x64xf32>
    %mul3A_72 = arith.constant 128 : i32
    %mul3A_73 = arith.muli %arg0, %mul3A_72 : i32
    %iota3A_74 = tpu.iota {dimensions = array<i32: 1>} : vector<4x128x64xi32>
    %add3A_75 = vector.broadcast %mul3A_73 : i32 to vector<4x128x64xi32>
    %add3A_76 = arith.addi %add3A_75, %iota3A_74 : vector<4x128x64xi32>
    %iota3A_77 = tpu.iota {dimensions = array<i32: 2>} : vector<4x128x64xi32>
    %eq3A = arith.constant 0 : i32
    %eq3A_78 = vector.broadcast %eq3A : i32 to vector<4x128x64xi32>
    %eq3A_79 = arith.cmpi eq, %iota3A_77, %eq3A_78 : vector<4x128x64xi32>
    %mul3A_80 = arith.constant 32 : i32
    %mul3A_81 = vector.broadcast %mul3A_80 : i32 to vector<4x128x64xi32>
    %mul3A_82 = arith.muli %iota3A_77, %mul3A_81 : vector<4x128x64xi32>
    %add3A_83 = arith.constant 64 : i32
    %add3A_84 = vector.broadcast %add3A_83 : i32 to vector<4x128x64xi32>
    %add3A_85 = arith.addi %mul3A_82, %add3A_84 : vector<4x128x64xi32>
    %sub3A_86 = arith.constant 32 : i32
    %sub3A_87 = vector.broadcast %sub3A_86 : i32 to vector<4x128x64xi32>
    %sub3A_88 = arith.subi %add3A_85, %sub3A_87 : vector<4x128x64xi32>
    %sub3A_89 = arith.constant 1 : i32
    %sub3A_90 = vector.broadcast %sub3A_89 : i32 to vector<4x128x64xi32>
    %sub3A_91 = arith.subi %sub3A_88, %sub3A_90 : vector<4x128x64xi32>
    %le3A = arith.cmpi sle, %sub3A_91, %add3A_76 : vector<4x128x64xi32>
    %or3A = arith.ori %eq3A_79, %le3A : vector<4x128x64xi1>
    %jit3A_92 = arith.constant -1.000000e+09 : f32
    %broadcast_in_dim3A = vector.broadcast %jit3A_92 : f32 to vector<4x128x64xf32>
    %select_n3A_93 = arith.select %or3A, %mul3A_71, %broadcast_in_dim3A : vector<4x128x64xi1>, vector<4x128x64xf32>
    %reduce_max3A = arith.constant dense<0xFF800000> : vector<4x128xf32>
    %reduce_max3A_94 = vector.multi_reduction <maximumf>, %select_n3A_93, %reduce_max3A [2] : vector<4x128x64xf32> to vector<4x128xf32>
    %broadcast_in_dim3A_95 = vector.shape_cast %reduce_max3A_94 : vector<4x128xf32> to vector<4x128x1xf32>
    %sub3A_96 = vector.broadcast %broadcast_in_dim3A_95 : vector<4x128x1xf32> to vector<4x128x64xf32>
    %sub3A_97 = arith.subf %select_n3A_93, %sub3A_96 : vector<4x128x64xf32>
    %exp3A = math.exp %sub3A_97 : vector<4x128x64xf32>
    %reduce_sum3A = arith.constant dense<0.000000e+00> : vector<4x128xf32>
    %reduce_sum3A_98 = vector.multi_reduction <add>, %exp3A, %reduce_sum3A [2] : vector<4x128x64xf32> to vector<4x128xf32>
    %broadcast_in_dim3A_99 = vector.shape_cast %reduce_sum3A_98 : vector<4x128xf32> to vector<4x128x1xf32>
    %div3A_100 = vector.broadcast %broadcast_in_dim3A_99 : vector<4x128x1xf32> to vector<4x128x64xf32>
    %div3A_101 = arith.divf %exp3A, %div3A_100 : vector<4x128x64xf32>
    %dot_general3A_102 = arith.constant dense<0.000000e+00> : vector<4x128x64xf32>
    %dot_general3A_103 = tpu.matmul %div3A_101, %get3A_67, %dot_general3A_102 {dimension_numbers = #tpu.dot_dimension_numbers<[2], [0], [0, 1], [1], [0, 0, 0, 1, 1, 1], [], []>, transpose_lhs_hint = false} : vector<4x128x64xf32>, vector<64x64xf32>, vector<4x128x64xf32> -> vector<4x128x64xf32>
    %reduce_sum3A_104 = arith.constant dense<0.000000e+00> : vector<128x64xf32>
    %reduce_sum3A_105 = vector.multi_reduction <add>, %div3A_101, %reduce_sum3A_104 [0] : vector<4x128x64xf32> to vector<128x64xf32>
    %div3A_106 = arith.constant 4.000000e+00 : f32
    %div3A_107 = vector.broadcast %div3A_106 : f32 to vector<128x64xf32>
    %div3A_108 = arith.divf %reduce_sum3A_105, %div3A_107 : vector<128x64xf32>
    %get3A_109 = arith.constant 0 : index
    %get3A_110 = arith.constant 0 : index
    %get3A_111 = vector.load %arg6[%get3A_109, %get3A_110] : memref<64x32xf32, #tpu.memory_space<vmem>>, vector<64x32xf32>
    %dot_general3A_112 = arith.constant dense<0.000000e+00> : vector<128x32xf32>
    %dot_general3A_113 = tpu.matmul %div3A_108, %get3A_111, %dot_general3A_112 {dimension_numbers = #tpu.dot_dimension_numbers<[1], [0], [0], [1], [0, 0, 1, 1], [], []>, transpose_lhs_hint = false} : vector<128x64xf32>, vector<64x32xf32>, vector<128x32xf32> -> vector<128x32xf32>
    %mul3A_114 = arith.constant 128 : i32
    %mul3A_115 = arith.muli %arg0, %mul3A_114 : i32
    %iota3A_116 = tpu.iota {dimensions = array<i32: 0>} : vector<128x32xi32>
    %add3A_117 = vector.broadcast %mul3A_115 : i32 to vector<128x32xi32>
    %add3A_118 = arith.addi %add3A_117, %iota3A_116 : vector<128x32xi32>
    %iota3A_119 = tpu.iota {dimensions = array<i32: 1>} : vector<128x32xi32>
    %mul3A_120 = arith.constant 64 : i32
    %mul3A_121 = vector.broadcast %mul3A_120 : i32 to vector<128x32xi32>
    %mul3A_122 = arith.muli %iota3A_119, %mul3A_121 : vector<128x32xi32>
    %gt3A = arith.cmpi sgt, %mul3A_122, %add3A_118 : vector<128x32xi32>
    %jit3A_123 = arith.constant -1.000000e+09 : f32
    %broadcast_in_dim3A_124 = vector.broadcast %jit3A_123 : f32 to vector<128x32xf32>
    %select_n3A_125 = arith.select %gt3A, %broadcast_in_dim3A_124, %dot_general3A_113 : vector<128x32xi1>, vector<128x32xf32>
    %jit3A_126 = arith.constant 64 : i32
    %div3A_127 = vector.broadcast %jit3A_126 : i32 to vector<128x32xi32>
    %div3A_128 = arith.divsi %add3A_118, %div3A_127 : vector<128x32xi32>
    %sign3A_129 = arith.constant 0 : i32
    %sign3A_130 = vector.broadcast %sign3A_129 : i32 to vector<128x32xi32>
    %sign3A_131 = arith.cmpi sgt, %add3A_118, %sign3A_130 : vector<128x32xi32>
    %sign3A_132 = arith.extui %sign3A_131 : vector<128x32xi1> to vector<128x32xi32>
    %sign3A_133 = arith.constant 0 : i32
    %sign3A_134 = vector.broadcast %sign3A_133 : i32 to vector<128x32xi32>
    %sign3A_135 = arith.cmpi slt, %add3A_118, %sign3A_134 : vector<128x32xi32>
    %sign3A_136 = arith.extui %sign3A_135 : vector<128x32xi1> to vector<128x32xi32>
    %sign3A_137 = arith.subi %sign3A_132, %sign3A_136 : vector<128x32xi32>
    %sign3A_138 = arith.constant 0 : i32
    %sign3A_139 = arith.cmpi sgt, %jit3A_126, %sign3A_138 : i32
    %sign3A_140 = arith.extui %sign3A_139 : i1 to i32
    %sign3A_141 = arith.constant 0 : i32
    %sign3A_142 = arith.cmpi slt, %jit3A_126, %sign3A_141 : i32
    %sign3A_143 = arith.extui %sign3A_142 : i1 to i32
    %sign3A_144 = arith.subi %sign3A_140, %sign3A_143 : i32
    %ne3A_145 = vector.broadcast %sign3A_144 : i32 to vector<128x32xi32>
    %ne3A_146 = arith.cmpi ne, %sign3A_137, %ne3A_145 : vector<128x32xi32>
    %rem3A_147 = vector.broadcast %jit3A_126 : i32 to vector<128x32xi32>
    %rem3A_148 = arith.remsi %add3A_118, %rem3A_147 : vector<128x32xi32>
    %ne3A_149 = arith.constant 0 : i32
    %ne3A_150 = vector.broadcast %ne3A_149 : i32 to vector<128x32xi32>
    %ne3A_151 = arith.cmpi ne, %rem3A_148, %ne3A_150 : vector<128x32xi32>
    %and3A_152 = arith.andi %ne3A_146, %ne3A_151 : vector<128x32xi1>
    %sub3A_153 = arith.constant 1 : i32
    %sub3A_154 = vector.broadcast %sub3A_153 : i32 to vector<128x32xi32>
    %sub3A_155 = arith.subi %div3A_128, %sub3A_154 : vector<128x32xi32>
    %select_n3A_156 = arith.select %and3A_152, %sub3A_155, %div3A_128 : vector<128x32xi1>, vector<128x32xi32>
    %eq3A_157 = arith.cmpi eq, %iota3A_119, %select_n3A_156 : vector<128x32xi32>
    %jit3A_158 = arith.constant 1.000000e+04 : f32
    %jit3A_159 = arith.constant 0.000000e+00 : f32
    %broadcast_in_dim3A_160 = vector.broadcast %jit3A_158 : f32 to vector<128x32xf32>
    %broadcast_in_dim3A_161 = vector.broadcast %jit3A_159 : f32 to vector<128x32xf32>
    %select_n3A_162 = arith.select %eq3A_157, %broadcast_in_dim3A_160, %broadcast_in_dim3A_161 : vector<128x32xi1>, vector<128x32xf32>
    %add3A_163 = arith.addf %select_n3A_125, %select_n3A_162 : vector<128x32xf32>
    %broadcast_in_dim3A_164 = vector.shape_cast %add3A_163 : vector<128x32xf32> to vector<128x32x1xf32>
    %broadcast_in_dim3A_165 = vector.shape_cast %add3A_163 : vector<128x32xf32> to vector<128x1x32xf32>
    %iota3A_166 = tpu.iota {dimensions = array<i32: 1>} : vector<128x32x32xi32>
    %iota3A_167 = tpu.iota {dimensions = array<i32: 2>} : vector<128x32x32xi32>
    %gt3A_168 = vector.broadcast %broadcast_in_dim3A_164 : vector<128x32x1xf32> to vector<128x32x32xf32>
    %gt3A_169 = vector.broadcast %broadcast_in_dim3A_165 : vector<128x1x32xf32> to vector<128x32x32xf32>
    %gt3A_170 = arith.cmpf ogt, %gt3A_168, %gt3A_169 : vector<128x32x32xf32>
    %eq3A_171 = vector.broadcast %broadcast_in_dim3A_164 : vector<128x32x1xf32> to vector<128x32x32xf32>
    %eq3A_172 = vector.broadcast %broadcast_in_dim3A_165 : vector<128x1x32xf32> to vector<128x32x32xf32>
    %eq3A_173 = arith.cmpf oeq, %eq3A_171, %eq3A_172 : vector<128x32x32xf32>
    %lt3A = arith.cmpi slt, %iota3A_166, %iota3A_167 : vector<128x32x32xi32>
    %and3A_174 = arith.andi %eq3A_173, %lt3A : vector<128x32x32xi1>
    %or3A_175 = arith.ori %gt3A_170, %and3A_174 : vector<128x32x32xi1>
    %convert_element_type3A = arith.extui %or3A_175 : vector<128x32x32xi1> to vector<128x32x32xi32>
    %convert_element_type3A_176 = arith.sitofp %convert_element_type3A : vector<128x32x32xi32> to vector<128x32x32xf32>
    %reduce_sum3A_177 = arith.constant dense<0.000000e+00> : vector<128x32xf32>
    %reduce_sum3A_178 = vector.multi_reduction <add>, %convert_element_type3A_176, %reduce_sum3A_177 [1] : vector<128x32x32xf32> to vector<128x32xf32>
    %lt3A_179 = arith.constant 1.600000e+01 : f32
    %lt3A_180 = vector.broadcast %lt3A_179 : f32 to vector<128x32xf32>
    %lt3A_181 = arith.cmpf olt, %reduce_sum3A_178, %lt3A_180 : vector<128x32xf32>
    %convert_element_type3A_182 = arith.extui %lt3A_181 : vector<128x32xi1> to vector<128x32xi32>
    %convert_element_type3A_183 = arith.sitofp %convert_element_type3A_182 : vector<128x32xi32> to vector<128x32xf32>
    %broadcast_in_dim3A_184 = arith.constant 0.000000e+00 : f32
    %broadcast_in_dim3A_185 = vector.broadcast %broadcast_in_dim3A_184 : f32 to vector<4x128x64xf32>
    %swap3A = arith.constant 0 : index
    %swap3A_186 = arith.constant 0 : index
    %swap3A_187 = arith.constant 0 : index
    %swap3A_188 = vector.load %arg10[%swap3A, %swap3A_186, %swap3A_187] : memref<4x128x64xf32, #tpu.memory_space<vmem>>, vector<4x128x64xf32>
    tpu.vector_store %arg10[%swap3A, %swap3A_186, %swap3A_187], %broadcast_in_dim3A_185 {strides = array<i32>} : memref<4x128x64xf32, #tpu.memory_space<vmem>>, vector<4x128x64xf32>,
    %broadcast_in_dim3A_189 = arith.constant -1.000000e+30 : f32
    %broadcast_in_dim3A_190 = vector.broadcast %broadcast_in_dim3A_189 : f32 to vector<4x128x1xf32>
    %broadcast_in_dim3A_191 = arith.constant 0.000000e+00 : f32
    %broadcast_in_dim3A_192 = vector.broadcast %broadcast_in_dim3A_191 : f32 to vector<4x128x1xf32>
    %while3A = arith.constant 0 : i32
    %while3A_193 = arith.subi %add3A_53, %while3A : i32
    %while3A_194 = arith.addi %while3A, %while3A_193 : i32
    %while3A_195 = arith.constant 1 : i32
    %while3A_196 = arith.divsi %while3A_193, %while3A_195 : i32
    %while3A_197 = arith.muli %while3A_196, %while3A_195 : i32
    %while3A_198 = arith.addi %while3A, %while3A_197 : i32
    %while3A_199 = arith.constant 1 : i32
    %while3A_200:2 = scf.for %while3A_1252 = %while3A to %while3A_198 step %while3A_199 iter_args(%while3A_1253 = %broadcast_in_dim3A_190, %while3A_1254 = %broadcast_in_dim3A_192) -> (vector<4x128x1xf32>, vector<4x128x1xf32>)  : i32 {
      %mul3A_1255 = arith.constant 512 : i32
      %mul3A_1256 = arith.muli %while3A_1252, %mul3A_1255 : i32
      %get3A_1257 = arith.constant 0 : index
      %get3A_1258 = arith.index_cast %mul3A_1256 : i32 to index
      %get3A_1259 = arith.constant 0 : index
      %get3A_1260 = vector.load %arg2[%get3A_1257, %get3A_1258, %get3A_1259] : memref<4x2048x64xf32, #tpu.memory_space<vmem>>, vector<1x512x64xf32>
      %get3A_1261 = vector.shape_cast %get3A_1260 : vector<1x512x64xf32> to vector<512x64xf32>
      %dot_general3A_1262 = arith.constant dense<0.000000e+00> : vector<4x128x512xf32>
      %dot_general3A_1263 = tpu.matmul %get3A_57, %get3A_1261, %dot_general3A_1262 {dimension_numbers = #tpu.dot_dimension_numbers<[2], [1], [0, 1], [0], [0, 0, 0, 1, 1, 0], [], []>, transpose_lhs_hint = false} : vector<4x128x64xf32>, vector<512x64xf32>, vector<4x128x512xf32> -> vector<4x128x512xf32>
      %mul3A_1264 = arith.constant 1.250000e-01 : f32
      %mul3A_1265 = vector.broadcast %mul3A_1264 : f32 to vector<4x128x512xf32>
      %mul3A_1266 = arith.mulf %dot_general3A_1263, %mul3A_1265 : vector<4x128x512xf32>
      %mul3A_1267 = arith.constant 8 : i32
      %mul3A_1268 = arith.muli %mul3A_1267, %while3A_1252 : i32
      %add3A_1269 = vector.broadcast %mul3A_1268 : i32 to vector<32x512xi32>
      %add3A_1270 = arith.addi %add3A_1269, %select_n3A : vector<32x512xi32>
      %eq3A_1271 = arith.cmpi eq, %iota3A_3, %add3A_1270 : vector<32x512xi32>
      %convert_element_type3A_1272 = arith.extui %eq3A_1271 : vector<32x512xi1> to vector<32x512xi32>
      %convert_element_type3A_1273 = arith.sitofp %convert_element_type3A_1272 : vector<32x512xi32> to vector<32x512xf32>
      %dot_general3A_1274 = arith.constant dense<0.000000e+00> : vector<128x512xf32>
      %dot_general3A_1275 = tpu.matmul %convert_element_type3A_183, %convert_element_type3A_1273, %dot_general3A_1274 {dimension_numbers = #tpu.dot_dimension_numbers<[1], [0], [0], [1], [0, 0, 1, 1], [], []>, transpose_lhs_hint = false} : vector<128x32xf32>, vector<32x512xf32>, vector<128x512xf32> -> vector<128x512xf32>
      %mul3A_1276 = arith.constant 512 : i32
      %mul3A_1277 = arith.muli %while3A_1252, %mul3A_1276 : i32
      %add3A_1278 = vector.broadcast %mul3A_1277 : i32 to vector<128x512xi32>
      %add3A_1279 = arith.addi %add3A_1278, %iota3A_2 : vector<128x512xi32>
      %mul3A_1280 = arith.constant 128 : i32
      %mul3A_1281 = arith.muli %arg0, %mul3A_1280 : i32
      %add3A_1282 = vector.broadcast %mul3A_1281 : i32 to vector<128x512xi32>
      %add3A_1283 = arith.addi %add3A_1282, %iota3A : vector<128x512xi32>
      %le3A_1284 = arith.cmpi sle, %add3A_1279, %add3A_1283 : vector<128x512xi32>
      %gt3A_1285 = arith.constant 5.000000e-01 : f32
      %gt3A_1286 = vector.broadcast %gt3A_1285 : f32 to vector<128x512xf32>
      %gt3A_1287 = arith.cmpf ogt, %dot_general3A_1275, %gt3A_1286 : vector<128x512xf32>
      %and3A_1288 = arith.andi %gt3A_1287, %le3A_1284 : vector<128x512xi1>
      %broadcast_in_dim3A_1289 = vector.shape_cast %and3A_1288 : vector<128x512xi1> to vector<1x128x512xi1>
      %jit3A_1290 = arith.constant -1.000000e+09 : f32
      %broadcast_in_dim3A_1291 = vector.shape_cast %broadcast_in_dim3A_1289 : vector<1x128x512xi1> to vector<1x128x512xi1>
      %broadcast_in_dim3A_1292 = vector.broadcast %broadcast_in_dim3A_1291 : vector<1x128x512xi1> to vector<4x128x512xi1>
      %broadcast_in_dim3A_1293 = vector.broadcast %jit3A_1290 : f32 to vector<4x128x512xf32>
      %select_n3A_1294 = arith.select %broadcast_in_dim3A_1292, %mul3A_1266, %broadcast_in_dim3A_1293 : vector<4x128x512xi1>, vector<4x128x512xf32>
      %reduce_max3A_1295 = arith.constant dense<0xFF800000> : vector<4x128xf32>
      %reduce_max3A_1296 = vector.multi_reduction <maximumf>, %select_n3A_1294, %reduce_max3A_1295 [2] : vector<4x128x512xf32> to vector<4x128xf32>
      %broadcast_in_dim3A_1297 = vector.shape_cast %reduce_max3A_1296 : vector<4x128xf32> to vector<4x128x1xf32>
      %max3A_1298 = arith.maximumf %while3A_1253, %broadcast_in_dim3A_1297 : vector<4x128x1xf32>
      %sub3A_1299 = arith.subf %while3A_1253, %max3A_1298 : vector<4x128x1xf32>
      %exp3A_1300 = math.exp %sub3A_1299 : vector<4x128x1xf32>
      %sub3A_1301 = vector.broadcast %max3A_1298 : vector<4x128x1xf32> to vector<4x128x512xf32>
      %sub3A_1302 = arith.subf %select_n3A_1294, %sub3A_1301 : vector<4x128x512xf32>
      %exp3A_1303 = math.exp %sub3A_1302 : vector<4x128x512xf32>
      %mul3A_1304 = arith.mulf %while3A_1254, %exp3A_1300 : vector<4x128x1xf32>
      %reduce_sum3A_1305 = arith.constant dense<0.000000e+00> : vector<4x128xf32>
      %reduce_sum3A_1306 = vector.multi_reduction <add>, %exp3A_1303, %reduce_sum3A_1305 [2] : vector<4x128x512xf32> to vector<4x128xf32>
      %broadcast_in_dim3A_1307 = vector.shape_cast %reduce_sum3A_1306 : vector<4x128xf32> to vector<4x128x1xf32>
      %add3A_1308 = arith.addf %mul3A_1304, %broadcast_in_dim3A_1307 : vector<4x128x1xf32>
      %mul3A_1309 = arith.constant 512 : i32
      %mul3A_1310 = arith.muli %while3A_1252, %mul3A_1309 : i32
      %get3A_1311 = arith.constant 0 : index
      %get3A_1312 = arith.index_cast %mul3A_1310 : i32 to index
      %get3A_1313 = arith.constant 0 : index
      %get3A_1314 = vector.load %arg3[%get3A_1311, %get3A_1312, %get3A_1313] : memref<4x2048x64xf32, #tpu.memory_space<vmem>>, vector<1x512x64xf32>
      %get3A_1315 = vector.shape_cast %get3A_1314 : vector<1x512x64xf32> to vector<512x64xf32>
      %dot_general3A_1316 = arith.constant dense<0.000000e+00> : vector<4x128x64xf32>
      %dot_general3A_1317 = tpu.matmul %exp3A_1303, %get3A_1315, %dot_general3A_1316 {dimension_numbers = #tpu.dot_dimension_numbers<[2], [0], [0, 1], [1], [0, 0, 0, 1, 1, 1], [], []>, transpose_lhs_hint = false} : vector<4x128x512xf32>, vector<512x64xf32>, vector<4x128x64xf32> -> vector<4x128x64xf32>
      %get3A_1318 = arith.constant 0 : index
      %get3A_1319 = arith.constant 0 : index
      %get3A_1320 = arith.constant 0 : index
      %get3A_1321 = vector.load %arg10[%get3A_1318, %get3A_1319, %get3A_1320] : memref<4x128x64xf32, #tpu.memory_space<vmem>>, vector<4x128x64xf32>
      %mul3A_1322 = vector.broadcast %exp3A_1300 : vector<4x128x1xf32> to vector<4x128x64xf32>
      %mul3A_1323 = arith.mulf %get3A_1321, %mul3A_1322 : vector<4x128x64xf32>
      %add3A_1324 = arith.addf %mul3A_1323, %dot_general3A_1317 : vector<4x128x64xf32>
      %swap3A_1325 = arith.constant 0 : index
      %swap3A_1326 = arith.constant 0 : index
      %swap3A_1327 = arith.constant 0 : index
      %swap3A_1328 = vector.load %arg10[%swap3A_1325, %swap3A_1326, %swap3A_1327] : memref<4x128x64xf32, #tpu.memory_space<vmem>>, vector<4x128x64xf32>
      tpu.vector_store %arg10[%swap3A_1325, %swap3A_1326, %swap3A_1327], %add3A_1324 {strides = array<i32>} : memref<4x128x64xf32, #tpu.memory_space<vmem>>, vector<4x128x64xf32>,
      scf.yield %max3A_1298, %add3A_1308 : vector<4x128x1xf32>, vector<4x128x1xf32>
    }
    %while3A_201 = arith.constant 1 : i32
    %while3A_202:2 = scf.for %while3A_1252 = %while3A_198 to %while3A_194 step %while3A_201 iter_args(%while3A_1253 = %while3A_200#0, %while3A_1254 = %while3A_200#1) -> (vector<4x128x1xf32>, vector<4x128x1xf32>)  : i32 {
      %mul3A_1255 = arith.constant 512 : i32
      %mul3A_1256 = arith.muli %while3A_1252, %mul3A_1255 : i32
      %get3A_1257 = arith.constant 0 : index
      %get3A_1258 = arith.index_cast %mul3A_1256 : i32 to index
      %get3A_1259 = arith.constant 0 : index
      %get3A_1260 = vector.load %arg2[%get3A_1257, %get3A_1258, %get3A_1259] : memref<4x2048x64xf32, #tpu.memory_space<vmem>>, vector<1x512x64xf32>
      %get3A_1261 = vector.shape_cast %get3A_1260 : vector<1x512x64xf32> to vector<512x64xf32>
      %dot_general3A_1262 = arith.constant dense<0.000000e+00> : vector<4x128x512xf32>
      %dot_general3A_1263 = tpu.matmul %get3A_57, %get3A_1261, %dot_general3A_1262 {dimension_numbers = #tpu.dot_dimension_numbers<[2], [1], [0, 1], [0], [0, 0, 0, 1, 1, 0], [], []>, transpose_lhs_hint = false} : vector<4x128x64xf32>, vector<512x64xf32>, vector<4x128x512xf32> -> vector<4x128x512xf32>
      %mul3A_1264 = arith.constant 1.250000e-01 : f32
      %mul3A_1265 = vector.broadcast %mul3A_1264 : f32 to vector<4x128x512xf32>
      %mul3A_1266 = arith.mulf %dot_general3A_1263, %mul3A_1265 : vector<4x128x512xf32>
      %mul3A_1267 = arith.constant 8 : i32
      %mul3A_1268 = arith.muli %mul3A_1267, %while3A_1252 : i32
      %add3A_1269 = vector.broadcast %mul3A_1268 : i32 to vector<32x512xi32>
      %add3A_1270 = arith.addi %add3A_1269, %select_n3A : vector<32x512xi32>
      %eq3A_1271 = arith.cmpi eq, %iota3A_3, %add3A_1270 : vector<32x512xi32>
      %convert_element_type3A_1272 = arith.extui %eq3A_1271 : vector<32x512xi1> to vector<32x512xi32>
      %convert_element_type3A_1273 = arith.sitofp %convert_element_type3A_1272 : vector<32x512xi32> to vector<32x512xf32>
      %dot_general3A_1274 = arith.constant dense<0.000000e+00> : vector<128x512xf32>
      %dot_general3A_1275 = tpu.matmul %convert_element_type3A_183, %convert_element_type3A_1273, %dot_general3A_1274 {dimension_numbers = #tpu.dot_dimension_numbers<[1], [0], [0], [1], [0, 0, 1, 1], [], []>, transpose_lhs_hint = false} : vector<128x32xf32>, vector<32x512xf32>, vector<128x512xf32> -> vector<128x512xf32>
      %mul3A_1276 = arith.constant 512 : i32
      %mul3A_1277 = arith.muli %while3A_1252, %mul3A_1276 : i32
      %add3A_1278 = vector.broadcast %mul3A_1277 : i32 to vector<128x512xi32>
      %add3A_1279 = arith.addi %add3A_1278, %iota3A_2 : vector<128x512xi32>
      %mul3A_1280 = arith.constant 128 : i32
      %mul3A_1281 = arith.muli %arg0, %mul3A_1280 : i32
      %add3A_1282 = vector.broadcast %mul3A_1281 : i32 to vector<128x512xi32>
      %add3A_1283 = arith.addi %add3A_1282, %iota3A : vector<128x512xi32>
      %le3A_1284 = arith.cmpi sle, %add3A_1279, %add3A_1283 : vector<128x512xi32>
      %gt3A_1285 = arith.constant 5.000000e-01 : f32
      %gt3A_1286 = vector.broadcast %gt3A_1285 : f32 to vector<128x512xf32>
      %gt3A_1287 = arith.cmpf ogt, %dot_general3A_1275, %gt3A_1286 : vector<128x512xf32>
      %and3A_1288 = arith.andi %gt3A_1287, %le3A_1284 : vector<128x512xi1>
      %broadcast_in_dim3A_1289 = vector.shape_cast %and3A_1288 : vector<128x512xi1> to vector<1x128x512xi1>
      %jit3A_1290 = arith.constant -1.000000e+09 : f32
      %broadcast_in_dim3A_1291 = vector.shape_cast %broadcast_in_dim3A_1289 : vector<1x128x512xi1> to vector<1x128x512xi1>
      %broadcast_in_dim3A_1292 = vector.broadcast %broadcast_in_dim3A_1291 : vector<1x128x512xi1> to vector<4x128x512xi1>
      %broadcast_in_dim3A_1293 = vector.broadcast %jit3A_1290 : f32 to vector<4x128x512xf32>
      %select_n3A_1294 = arith.select %broadcast_in_dim3A_1292, %mul3A_1266, %broadcast_in_dim3A_1293 : vector<4x128x512xi1>, vector<4x128x512xf32>
      %reduce_max3A_1295 = arith.constant dense<0xFF800000> : vector<4x128xf32>
      %reduce_max3A_1296 = vector.multi_reduction <maximumf>, %select_n3A_1294, %reduce_max3A_1295 [2] : vector<4x128x512xf32> to vector<4x128xf32>
      %broadcast_in_dim3A_1297 = vector.shape_cast %reduce_max3A_1296 : vector<4x128xf32> to vector<4x128x1xf32>
      %max3A_1298 = arith.maximumf %while3A_1253, %broadcast_in_dim3A_1297 : vector<4x128x1xf32>
      %sub3A_1299 = arith.subf %while3A_1253, %max3A_1298 : vector<4x128x1xf32>
      %exp3A_1300 = math.exp %sub3A_1299 : vector<4x128x1xf32>
      %sub3A_1301 = vector.broadcast %max3A_1298 : vector<4x128x1xf32> to vector<4x128x512xf32>
      %sub3A_1302 = arith.subf %select_n3A_1294, %sub3A_1301 : vector<4x128x512xf32>
      %exp3A_1303 = math.exp %sub3A_1302 : vector<4x128x512xf32>
      %mul3A_1304 = arith.mulf %while3A_1254, %exp3A_1300 : vector<4x128x1xf32>
      %reduce_sum3A_1305 = arith.constant dense<0.000000e+00> : vector<4x128xf32>
      %reduce_sum3A_1306 = vector.multi_reduction <add>, %exp3A_1303, %reduce_sum3A_1305 [2] : vector<4x128x512xf32> to vector<4x128xf32>
      %broadcast_in_dim3A_1307 = vector.shape_cast %reduce_sum3A_1306 : vector<4x128xf32> to vector<4x128x1xf32>
      %add3A_1308 = arith.addf %mul3A_1304, %broadcast_in_dim3A_1307 : vector<4x128x1xf32>
      %mul3A_1309 = arith.constant 512 : i32
      %mul3A_1310 = arith.muli %while3A_1252, %mul3A_1309 : i32
      %get3A_1311 = arith.constant 0 : index
      %get3A_1312 = arith.index_cast %mul3A_1310 : i32 to index
      %get3A_1313 = arith.constant 0 : index
      %get3A_1314 = vector.load %arg3[%get3A_1311, %get3A_1312, %get3A_1313] : memref<4x2048x64xf32, #tpu.memory_space<vmem>>, vector<1x512x64xf32>
      %get3A_1315 = vector.shape_cast %get3A_1314 : vector<1x512x64xf32> to vector<512x64xf32>
      %dot_general3A_1316 = arith.constant dense<0.000000e+00> : vector<4x128x64xf32>
      %dot_general3A_1317 = tpu.matmul %exp3A_1303, %get3A_1315, %dot_general3A_1316 {dimension_numbers = #tpu.dot_dimension_numbers<[2], [0], [0, 1], [1], [0, 0, 0, 1, 1, 1], [], []>, transpose_lhs_hint = false} : vector<4x128x512xf32>, vector<512x64xf32>, vector<4x128x64xf32> -> vector<4x128x64xf32>
      %get3A_1318 = arith.constant 0 : index
      %get3A_1319 = arith.constant 0 : index
      %get3A_1320 = arith.constant 0 : index
      %get3A_1321 = vector.load %arg10[%get3A_1318, %get3A_1319, %get3A_1320] : memref<4x128x64xf32, #tpu.memory_space<vmem>>, vector<4x128x64xf32>
      %mul3A_1322 = vector.broadcast %exp3A_1300 : vector<4x128x1xf32> to vector<4x128x64xf32>
      %mul3A_1323 = arith.mulf %get3A_1321, %mul3A_1322 : vector<4x128x64xf32>
      %add3A_1324 = arith.addf %mul3A_1323, %dot_general3A_1317 : vector<4x128x64xf32>
      %swap3A_1325 = arith.constant 0 : index
      %swap3A_1326 = arith.constant 0 : index
      %swap3A_1327 = arith.constant 0 : index
      %swap3A_1328 = vector.load %arg10[%swap3A_1325, %swap3A_1326, %swap3A_1327] : memref<4x128x64xf32, #tpu.memory_space<vmem>>, vector<4x128x64xf32>
      tpu.vector_store %arg10[%swap3A_1325, %swap3A_1326, %swap3A_1327], %add3A_1324 {strides = array<i32>} : memref<4x128x64xf32, #tpu.memory_space<vmem>>, vector<4x128x64xf32>,
      scf.yield %max3A_1298, %add3A_1308 : vector<4x128x1xf32>, vector<4x128x1xf32>
    }
    %get3A_203 = arith.constant 0 : index
    %get3A_204 = arith.constant 0 : index
    %get3A_205 = arith.constant 0 : index
    %get3A_206 = vector.load %arg10[%get3A_203, %get3A_204, %get3A_205] : memref<4x128x64xf32, #tpu.memory_space<vmem>>, vector<4x128x64xf32>
    %div3A_207 = vector.broadcast %while3A_202#1 : vector<4x128x1xf32> to vector<4x128x64xf32>
    %div3A_208 = arith.divf %get3A_206, %div3A_207 : vector<4x128x64xf32>
    %sub3A_209 = arith.constant 1 : i32
    %sub3A_210 = arith.subi %arg0, %sub3A_209 : i32
    %max3A = arith.constant 0 : i32
    %max3A_211 = arith.maxsi %sub3A_210, %max3A : i32
    %mul3A_212 = arith.constant 128 : i32
    %mul3A_213 = arith.muli %max3A_211, %mul3A_212 : i32
    %get3A_214 = arith.constant 0 : index
    %get3A_215 = arith.index_cast %mul3A_213 : i32 to index
    %get3A_216 = arith.constant 0 : index
    %get3A_217 = vector.load %arg2[%get3A_214, %get3A_215, %get3A_216] : memref<4x2048x64xf32, #tpu.memory_space<vmem>>, vector<1x256x64xf32>
    %get3A_218 = vector.shape_cast %get3A_217 : vector<1x256x64xf32> to vector<256x64xf32>
    %get3A_219 = arith.constant 0 : index
    %get3A_220 = arith.index_cast %mul3A_213 : i32 to index
    %get3A_221 = arith.constant 0 : index
    %get3A_222 = vector.load %arg3[%get3A_219, %get3A_220, %get3A_221] : memref<4x2048x64xf32, #tpu.memory_space<vmem>>, vector<1x256x64xf32>
    %get3A_223 = vector.shape_cast %get3A_222 : vector<1x256x64xf32> to vector<256x64xf32>
    %dot_general3A_224 = arith.constant dense<0.000000e+00> : vector<4x128x256xf32>
    %dot_general3A_225 = tpu.matmul %get3A_57, %get3A_218, %dot_general3A_224 {dimension_numbers = #tpu.dot_dimension_numbers<[2], [1], [0, 1], [0], [0, 0, 0, 1, 1, 0], [], []>, transpose_lhs_hint = false} : vector<4x128x64xf32>, vector<256x64xf32>, vector<4x128x256xf32> -> vector<4x128x256xf32>
    %mul3A_226 = arith.constant 1.250000e-01 : f32
    %mul3A_227 = vector.broadcast %mul3A_226 : f32 to vector<4x128x256xf32>
    %mul3A_228 = arith.mulf %dot_general3A_225, %mul3A_227 : vector<4x128x256xf32>
    %mul3A_229 = arith.constant 128 : i32
    %mul3A_230 = arith.muli %arg0, %mul3A_229 : i32
    %iota3A_231 = tpu.iota {dimensions = array<i32: 1>} : vector<4x128x256xi32>
    %add3A_232 = vector.broadcast %mul3A_230 : i32 to vector<4x128x256xi32>
    %add3A_233 = arith.addi %add3A_232, %iota3A_231 : vector<4x128x256xi32>
    %iota3A_234 = tpu.iota {dimensions = array<i32: 2>} : vector<4x128x256xi32>
    %add3A_235 = vector.broadcast %mul3A_213 : i32 to vector<4x128x256xi32>
    %add3A_236 = arith.addi %add3A_235, %iota3A_234 : vector<4x128x256xi32>
    %sub3A_237 = arith.subi %add3A_233, %add3A_236 : vector<4x128x256xi32>
    %ge3A = arith.constant 0 : i32
    %ge3A_238 = vector.broadcast %ge3A : i32 to vector<4x128x256xi32>
    %ge3A_239 = arith.cmpi sge, %sub3A_237, %ge3A_238 : vector<4x128x256xi32>
    %lt3A_240 = arith.constant 16 : i32
    %lt3A_241 = vector.broadcast %lt3A_240 : i32 to vector<4x128x256xi32>
    %lt3A_242 = arith.cmpi slt, %sub3A_237, %lt3A_241 : vector<4x128x256xi32>
    %and3A_243 = arith.andi %ge3A_239, %lt3A_242 : vector<4x128x256xi1>
    %jit3A_244 = arith.constant -1.000000e+09 : f32
    %broadcast_in_dim3A_245 = vector.broadcast %jit3A_244 : f32 to vector<4x128x256xf32>
    %select_n3A_246 = arith.select %and3A_243, %mul3A_228, %broadcast_in_dim3A_245 : vector<4x128x256xi1>, vector<4x128x256xf32>
    %reduce_max3A_247 = arith.constant dense<0xFF800000> : vector<4x128xf32>
    %reduce_max3A_248 = vector.multi_reduction <maximumf>, %select_n3A_246, %reduce_max3A_247 [2] : vector<4x128x256xf32> to vector<4x128xf32>
    %broadcast_in_dim3A_249 = vector.shape_cast %reduce_max3A_248 : vector<4x128xf32> to vector<4x128x1xf32>
    %sub3A_250 = vector.broadcast %broadcast_in_dim3A_249 : vector<4x128x1xf32> to vector<4x128x256xf32>
    %sub3A_251 = arith.subf %select_n3A_246, %sub3A_250 : vector<4x128x256xf32>
    %exp3A_252 = math.exp %sub3A_251 : vector<4x128x256xf32>
    %reduce_sum3A_253 = arith.constant dense<0.000000e+00> : vector<4x128xf32>
    %reduce_sum3A_254 = vector.multi_reduction <add>, %exp3A_252, %reduce_sum3A_253 [2] : vector<4x128x256xf32> to vector<4x128xf32>
    %broadcast_in_dim3A_255 = vector.shape_cast %reduce_sum3A_254 : vector<4x128xf32> to vector<4x128x1xf32>
    %div3A_256 = vector.broadcast %broadcast_in_dim3A_255 : vector<4x128x1xf32> to vector<4x128x256xf32>
    %div3A_257 = arith.divf %exp3A_252, %div3A_256 : vector<4x128x256xf32>
    %dot_general3A_258 = arith.constant dense<0.000000e+00> : vector<4x128x64xf32>
    %dot_general3A_259 = tpu.matmul %div3A_257, %get3A_223, %dot_general3A_258 {dimension_numbers = #tpu.dot_dimension_numbers<[2], [0], [0, 1], [1], [0, 0, 0, 1, 1, 1], [], []>, transpose_lhs_hint = false} : vector<4x128x256xf32>, vector<256x64xf32>, vector<4x128x64xf32> -> vector<4x128x64xf32>
    %slice3A = vector.extract_strided_slice %get3A_1 {offsets = [0, 0], sizes = [128, 1], strides = [1, 1]} : vector<128x48xf32> to vector<128x1xf32>
    %slice3A_260 = vector.extract_strided_slice %dot_general3A_103 {offsets = [0, 0, 0], sizes = [1, 128, 64], strides = [1, 1, 1]} : vector<4x128x64xf32> to vector<1x128x64xf32>
    %squeeze3A = vector.shape_cast %slice3A_260 : vector<1x128x64xf32> to vector<128x64xf32>
    %mul3A_261 = vector.broadcast %slice3A : vector<128x1xf32> to vector<128x64xf32>
    %mul3A_262 = arith.mulf %mul3A_261, %squeeze3A : vector<128x64xf32>
    %slice3A_263 = vector.extract_strided_slice %get3A_1 {offsets = [0, 16], sizes = [128, 1], strides = [1, 1]} : vector<128x48xf32> to vector<128x1xf32>
    %slice3A_264 = vector.extract_strided_slice %div3A_208 {offsets = [0, 0, 0], sizes = [1, 128, 64], strides = [1, 1, 1]} : vector<4x128x64xf32> to vector<1x128x64xf32>
    %squeeze3A_265 = vector.shape_cast %slice3A_264 : vector<1x128x64xf32> to vector<128x64xf32>
    %mul3A_266 = vector.broadcast %slice3A_263 : vector<128x1xf32> to vector<128x64xf32>
    %mul3A_267 = arith.mulf %mul3A_266, %squeeze3A_265 : vector<128x64xf32>
    %add3A_268 = arith.addf %mul3A_262, %mul3A_267 : vector<128x64xf32>
    %slice3A_269 = vector.extract_strided_slice %get3A_1 {offsets = [0, 32], sizes = [128, 1], strides = [1, 1]} : vector<128x48xf32> to vector<128x1xf32>
    %slice3A_270 = vector.extract_strided_slice %dot_general3A_259 {offsets = [0, 0, 0], sizes = [1, 128, 64], strides = [1, 1, 1]} : vector<4x128x64xf32> to vector<1x128x64xf32>
    %squeeze3A_271 = vector.shape_cast %slice3A_270 : vector<1x128x64xf32> to vector<128x64xf32>
    %mul3A_272 = vector.broadcast %slice3A_269 : vector<128x1xf32> to vector<128x64xf32>
    %mul3A_273 = arith.mulf %mul3A_272, %squeeze3A_271 : vector<128x64xf32>
    %add3A_274 = arith.addf %add3A_268, %mul3A_273 : vector<128x64xf32>
    %swap3A_275 = arith.constant 0 : index
    %swap3A_276 = arith.constant 0 : index
    %swap3A_277 = vector.load %arg11[%swap3A_275, %swap3A_276] : memref<128x1024xf32, #tpu.memory_space<vmem>>, vector<128x64xf32>
    tpu.vector_store %arg11[%swap3A_275, %swap3A_276], %add3A_274 {strides = array<i32>} : memref<128x1024xf32, #tpu.memory_space<vmem>>, vector<128x64xf32>,
    %slice3A_278 = vector.extract_strided_slice %get3A_1 {offsets = [0, 1], sizes = [128, 1], strides = [1, 1]} : vector<128x48xf32> to vector<128x1xf32>
    %slice3A_279 = vector.extract_strided_slice %dot_general3A_103 {offsets = [1, 0, 0], sizes = [1, 128, 64], strides = [1, 1, 1]} : vector<4x128x64xf32> to vector<1x128x64xf32>
    %squeeze3A_280 = vector.shape_cast %slice3A_279 : vector<1x128x64xf32> to vector<128x64xf32>
    %mul3A_281 = vector.broadcast %slice3A_278 : vector<128x1xf32> to vector<128x64xf32>
    %mul3A_282 = arith.mulf %mul3A_281, %squeeze3A_280 : vector<128x64xf32>
    %slice3A_283 = vector.extract_strided_slice %get3A_1 {offsets = [0, 17], sizes = [128, 1], strides = [1, 1]} : vector<128x48xf32> to vector<128x1xf32>
    %slice3A_284 = vector.extract_strided_slice %div3A_208 {offsets = [1, 0, 0], sizes = [1, 128, 64], strides = [1, 1, 1]} : vector<4x128x64xf32> to vector<1x128x64xf32>
    %squeeze3A_285 = vector.shape_cast %slice3A_284 : vector<1x128x64xf32> to vector<128x64xf32>
    %mul3A_286 = vector.broadcast %slice3A_283 : vector<128x1xf32> to vector<128x64xf32>
    %mul3A_287 = arith.mulf %mul3A_286, %squeeze3A_285 : vector<128x64xf32>
    %add3A_288 = arith.addf %mul3A_282, %mul3A_287 : vector<128x64xf32>
    %slice3A_289 = vector.extract_strided_slice %get3A_1 {offsets = [0, 33], sizes = [128, 1], strides = [1, 1]} : vector<128x48xf32> to vector<128x1xf32>
    %slice3A_290 = vector.extract_strided_slice %dot_general3A_259 {offsets = [1, 0, 0], sizes = [1, 128, 64], strides = [1, 1, 1]} : vector<4x128x64xf32> to vector<1x128x64xf32>
    %squeeze3A_291 = vector.shape_cast %slice3A_290 : vector<1x128x64xf32> to vector<128x64xf32>
    %mul3A_292 = vector.broadcast %slice3A_289 : vector<128x1xf32> to vector<128x64xf32>
    %mul3A_293 = arith.mulf %mul3A_292, %squeeze3A_291 : vector<128x64xf32>
    %add3A_294 = arith.addf %add3A_288, %mul3A_293 : vector<128x64xf32>
    %swap3A_295 = arith.constant 0 : index
    %swap3A_296 = arith.constant 64 : index
    %swap3A_297 = vector.load %arg11[%swap3A_295, %swap3A_296] : memref<128x1024xf32, #tpu.memory_space<vmem>>, vector<128x64xf32>
    tpu.vector_store %arg11[%swap3A_295, %swap3A_296], %add3A_294 {strides = array<i32>} : memref<128x1024xf32, #tpu.memory_space<vmem>>, vector<128x64xf32>,
    %slice3A_298 = vector.extract_strided_slice %get3A_1 {offsets = [0, 2], sizes = [128, 1], strides = [1, 1]} : vector<128x48xf32> to vector<128x1xf32>
    %slice3A_299 = vector.extract_strided_slice %dot_general3A_103 {offsets = [2, 0, 0], sizes = [1, 128, 64], strides = [1, 1, 1]} : vector<4x128x64xf32> to vector<1x128x64xf32>
    %squeeze3A_300 = vector.shape_cast %slice3A_299 : vector<1x128x64xf32> to vector<128x64xf32>
    %mul3A_301 = vector.broadcast %slice3A_298 : vector<128x1xf32> to vector<128x64xf32>
    %mul3A_302 = arith.mulf %mul3A_301, %squeeze3A_300 : vector<128x64xf32>
    %slice3A_303 = vector.extract_strided_slice %get3A_1 {offsets = [0, 18], sizes = [128, 1], strides = [1, 1]} : vector<128x48xf32> to vector<128x1xf32>
    %slice3A_304 = vector.extract_strided_slice %div3A_208 {offsets = [2, 0, 0], sizes = [1, 128, 64], strides = [1, 1, 1]} : vector<4x128x64xf32> to vector<1x128x64xf32>
    %squeeze3A_305 = vector.shape_cast %slice3A_304 : vector<1x128x64xf32> to vector<128x64xf32>
    %mul3A_306 = vector.broadcast %slice3A_303 : vector<128x1xf32> to vector<128x64xf32>
    %mul3A_307 = arith.mulf %mul3A_306, %squeeze3A_305 : vector<128x64xf32>
    %add3A_308 = arith.addf %mul3A_302, %mul3A_307 : vector<128x64xf32>
    %slice3A_309 = vector.extract_strided_slice %get3A_1 {offsets = [0, 34], sizes = [128, 1], strides = [1, 1]} : vector<128x48xf32> to vector<128x1xf32>
    %slice3A_310 = vector.extract_strided_slice %dot_general3A_259 {offsets = [2, 0, 0], sizes = [1, 128, 64], strides = [1, 1, 1]} : vector<4x128x64xf32> to vector<1x128x64xf32>
    %squeeze3A_311 = vector.shape_cast %slice3A_310 : vector<1x128x64xf32> to vector<128x64xf32>
    %mul3A_312 = vector.broadcast %slice3A_309 : vector<128x1xf32> to vector<128x64xf32>
    %mul3A_313 = arith.mulf %mul3A_312, %squeeze3A_311 : vector<128x64xf32>
    %add3A_314 = arith.addf %add3A_308, %mul3A_313 : vector<128x64xf32>
    %swap3A_315 = arith.constant 0 : index
    %swap3A_316 = arith.constant 128 : index
    %swap3A_317 = vector.load %arg11[%swap3A_315, %swap3A_316] : memref<128x1024xf32, #tpu.memory_space<vmem>>, vector<128x64xf32>
    tpu.vector_store %arg11[%swap3A_315, %swap3A_316], %add3A_314 {strides = array<i32>} : memref<128x1024xf32, #tpu.memory_space<vmem>>, vector<128x64xf32>,
    %slice3A_318 = vector.extract_strided_slice %get3A_1 {offsets = [0, 3], sizes = [128, 1], strides = [1, 1]} : vector<128x48xf32> to vector<128x1xf32>
    %slice3A_319 = vector.extract_strided_slice %dot_general3A_103 {offsets = [3, 0, 0], sizes = [1, 128, 64], strides = [1, 1, 1]} : vector<4x128x64xf32> to vector<1x128x64xf32>
    %squeeze3A_320 = vector.shape_cast %slice3A_319 : vector<1x128x64xf32> to vector<128x64xf32>
    %mul3A_321 = vector.broadcast %slice3A_318 : vector<128x1xf32> to vector<128x64xf32>
    %mul3A_322 = arith.mulf %mul3A_321, %squeeze3A_320 : vector<128x64xf32>
    %slice3A_323 = vector.extract_strided_slice %get3A_1 {offsets = [0, 19], sizes = [128, 1], strides = [1, 1]} : vector<128x48xf32> to vector<128x1xf32>
    %slice3A_324 = vector.extract_strided_slice %div3A_208 {offsets = [3, 0, 0], sizes = [1, 128, 64], strides = [1, 1, 1]} : vector<4x128x64xf32> to vector<1x128x64xf32>
    %squeeze3A_325 = vector.shape_cast %slice3A_324 : vector<1x128x64xf32> to vector<128x64xf32>
    %mul3A_326 = vector.broadcast %slice3A_323 : vector<128x1xf32> to vector<128x64xf32>
    %mul3A_327 = arith.mulf %mul3A_326, %squeeze3A_325 : vector<128x64xf32>
    %add3A_328 = arith.addf %mul3A_322, %mul3A_327 : vector<128x64xf32>
    %slice3A_329 = vector.extract_strided_slice %get3A_1 {offsets = [0, 35], sizes = [128, 1], strides = [1, 1]} : vector<128x48xf32> to vector<128x1xf32>
    %slice3A_330 = vector.extract_strided_slice %dot_general3A_259 {offsets = [3, 0, 0], sizes = [1, 128, 64], strides = [1, 1, 1]} : vector<4x128x64xf32> to vector<1x128x64xf32>
    %squeeze3A_331 = vector.shape_cast %slice3A_330 : vector<1x128x64xf32> to vector<128x64xf32>
    %mul3A_332 = vector.broadcast %slice3A_329 : vector<128x1xf32> to vector<128x64xf32>
    %mul3A_333 = arith.mulf %mul3A_332, %squeeze3A_331 : vector<128x64xf32>
    %add3A_334 = arith.addf %add3A_328, %mul3A_333 : vector<128x64xf32>
    %swap3A_335 = arith.constant 0 : index
    %swap3A_336 = arith.constant 192 : index
    %swap3A_337 = vector.load %arg11[%swap3A_335, %swap3A_336] : memref<128x1024xf32, #tpu.memory_space<vmem>>, vector<128x64xf32>
    tpu.vector_store %arg11[%swap3A_335, %swap3A_336], %add3A_334 {strides = array<i32>} : memref<128x1024xf32, #tpu.memory_space<vmem>>, vector<128x64xf32>,
    %get3A_338 = arith.constant 4 : index
    %get3A_339 = arith.constant 0 : index
    %get3A_340 = arith.constant 0 : index
    %get3A_341 = vector.load %arg1[%get3A_338, %get3A_339, %get3A_340] : memref<16x128x64xf32, #tpu.memory_space<vmem>>, vector<4x128x64xf32>
    %get3A_342 = arith.constant 1 : index
    %get3A_343 = arith.constant 0 : index
    %get3A_344 = arith.constant 0 : index
    %get3A_345 = vector.load %arg4[%get3A_342, %get3A_343, %get3A_344] : memref<4x64x64xf32, #tpu.memory_space<vmem>>, vector<1x64x64xf32>
    %get3A_346 = vector.shape_cast %get3A_345 : vector<1x64x64xf32> to vector<64x64xf32>
    %get3A_347 = arith.constant 1 : index
    %get3A_348 = arith.constant 0 : index
    %get3A_349 = arith.constant 0 : index
    %get3A_350 = vector.load %arg5[%get3A_347, %get3A_348, %get3A_349] : memref<4x64x64xf32, #tpu.memory_space<vmem>>, vector<1x64x64xf32>
    %get3A_351 = vector.shape_cast %get3A_350 : vector<1x64x64xf32> to vector<64x64xf32>
    %dot_general3A_352 = arith.constant dense<0.000000e+00> : vector<4x128x64xf32>
    %dot_general3A_353 = tpu.matmul %get3A_341, %get3A_346, %dot_general3A_352 {dimension_numbers = #tpu.dot_dimension_numbers<[2], [1], [0, 1], [0], [0, 0, 0, 1, 1, 0], [], []>, transpose_lhs_hint = false} : vector<4x128x64xf32>, vector<64x64xf32>, vector<4x128x64xf32> -> vector<4x128x64xf32>
    %mul3A_354 = arith.constant 1.250000e-01 : f32
    %mul3A_355 = vector.broadcast %mul3A_354 : f32 to vector<4x128x64xf32>
    %mul3A_356 = arith.mulf %dot_general3A_353, %mul3A_355 : vector<4x128x64xf32>
    %mul3A_357 = arith.constant 128 : i32
    %mul3A_358 = arith.muli %arg0, %mul3A_357 : i32
    %iota3A_359 = tpu.iota {dimensions = array<i32: 1>} : vector<4x128x64xi32>
    %add3A_360 = vector.broadcast %mul3A_358 : i32 to vector<4x128x64xi32>
    %add3A_361 = arith.addi %add3A_360, %iota3A_359 : vector<4x128x64xi32>
    %iota3A_362 = tpu.iota {dimensions = array<i32: 2>} : vector<4x128x64xi32>
    %eq3A_363 = arith.constant 0 : i32
    %eq3A_364 = vector.broadcast %eq3A_363 : i32 to vector<4x128x64xi32>
    %eq3A_365 = arith.cmpi eq, %iota3A_362, %eq3A_364 : vector<4x128x64xi32>
    %mul3A_366 = arith.constant 32 : i32
    %mul3A_367 = vector.broadcast %mul3A_366 : i32 to vector<4x128x64xi32>
    %mul3A_368 = arith.muli %iota3A_362, %mul3A_367 : vector<4x128x64xi32>
    %add3A_369 = arith.constant 64 : i32
    %add3A_370 = vector.broadcast %add3A_369 : i32 to vector<4x128x64xi32>
    %add3A_371 = arith.addi %mul3A_368, %add3A_370 : vector<4x128x64xi32>
    %sub3A_372 = arith.constant 32 : i32
    %sub3A_373 = vector.broadcast %sub3A_372 : i32 to vector<4x128x64xi32>
    %sub3A_374 = arith.subi %add3A_371, %sub3A_373 : vector<4x128x64xi32>
    %sub3A_375 = arith.constant 1 : i32
    %sub3A_376 = vector.broadcast %sub3A_375 : i32 to vector<4x128x64xi32>
    %sub3A_377 = arith.subi %sub3A_374, %sub3A_376 : vector<4x128x64xi32>
    %le3A_378 = arith.cmpi sle, %sub3A_377, %add3A_361 : vector<4x128x64xi32>
    %or3A_379 = arith.ori %eq3A_365, %le3A_378 : vector<4x128x64xi1>
    %jit3A_380 = arith.constant -1.000000e+09 : f32
    %broadcast_in_dim3A_381 = vector.broadcast %jit3A_380 : f32 to vector<4x128x64xf32>
    %select_n3A_382 = arith.select %or3A_379, %mul3A_356, %broadcast_in_dim3A_381 : vector<4x128x64xi1>, vector<4x128x64xf32>
    %reduce_max3A_383 = arith.constant dense<0xFF800000> : vector<4x128xf32>
    %reduce_max3A_384 = vector.multi_reduction <maximumf>, %select_n3A_382, %reduce_max3A_383 [2] : vector<4x128x64xf32> to vector<4x128xf32>
    %broadcast_in_dim3A_385 = vector.shape_cast %reduce_max3A_384 : vector<4x128xf32> to vector<4x128x1xf32>
    %sub3A_386 = vector.broadcast %broadcast_in_dim3A_385 : vector<4x128x1xf32> to vector<4x128x64xf32>
    %sub3A_387 = arith.subf %select_n3A_382, %sub3A_386 : vector<4x128x64xf32>
    %exp3A_388 = math.exp %sub3A_387 : vector<4x128x64xf32>
    %reduce_sum3A_389 = arith.constant dense<0.000000e+00> : vector<4x128xf32>
    %reduce_sum3A_390 = vector.multi_reduction <add>, %exp3A_388, %reduce_sum3A_389 [2] : vector<4x128x64xf32> to vector<4x128xf32>
    %broadcast_in_dim3A_391 = vector.shape_cast %reduce_sum3A_390 : vector<4x128xf32> to vector<4x128x1xf32>
    %div3A_392 = vector.broadcast %broadcast_in_dim3A_391 : vector<4x128x1xf32> to vector<4x128x64xf32>
    %div3A_393 = arith.divf %exp3A_388, %div3A_392 : vector<4x128x64xf32>
    %dot_general3A_394 = arith.constant dense<0.000000e+00> : vector<4x128x64xf32>
    %dot_general3A_395 = tpu.matmul %div3A_393, %get3A_351, %dot_general3A_394 {dimension_numbers = #tpu.dot_dimension_numbers<[2], [0], [0, 1], [1], [0, 0, 0, 1, 1, 1], [], []>, transpose_lhs_hint = false} : vector<4x128x64xf32>, vector<64x64xf32>, vector<4x128x64xf32> -> vector<4x128x64xf32>
    %reduce_sum3A_396 = arith.constant dense<0.000000e+00> : vector<128x64xf32>
    %reduce_sum3A_397 = vector.multi_reduction <add>, %div3A_393, %reduce_sum3A_396 [0] : vector<4x128x64xf32> to vector<128x64xf32>
    %div3A_398 = arith.constant 4.000000e+00 : f32
    %div3A_399 = vector.broadcast %div3A_398 : f32 to vector<128x64xf32>
    %div3A_400 = arith.divf %reduce_sum3A_397, %div3A_399 : vector<128x64xf32>
    %get3A_401 = arith.constant 0 : index
    %get3A_402 = arith.constant 0 : index
    %get3A_403 = vector.load %arg6[%get3A_401, %get3A_402] : memref<64x32xf32, #tpu.memory_space<vmem>>, vector<64x32xf32>
    %dot_general3A_404 = arith.constant dense<0.000000e+00> : vector<128x32xf32>
    %dot_general3A_405 = tpu.matmul %div3A_400, %get3A_403, %dot_general3A_404 {dimension_numbers = #tpu.dot_dimension_numbers<[1], [0], [0], [1], [0, 0, 1, 1], [], []>, transpose_lhs_hint = false} : vector<128x64xf32>, vector<64x32xf32>, vector<128x32xf32> -> vector<128x32xf32>
    %mul3A_406 = arith.constant 128 : i32
    %mul3A_407 = arith.muli %arg0, %mul3A_406 : i32
    %iota3A_408 = tpu.iota {dimensions = array<i32: 0>} : vector<128x32xi32>
    %add3A_409 = vector.broadcast %mul3A_407 : i32 to vector<128x32xi32>
    %add3A_410 = arith.addi %add3A_409, %iota3A_408 : vector<128x32xi32>
    %iota3A_411 = tpu.iota {dimensions = array<i32: 1>} : vector<128x32xi32>
    %mul3A_412 = arith.constant 64 : i32
    %mul3A_413 = vector.broadcast %mul3A_412 : i32 to vector<128x32xi32>
    %mul3A_414 = arith.muli %iota3A_411, %mul3A_413 : vector<128x32xi32>
    %gt3A_415 = arith.cmpi sgt, %mul3A_414, %add3A_410 : vector<128x32xi32>
    %jit3A_416 = arith.constant -1.000000e+09 : f32
    %broadcast_in_dim3A_417 = vector.broadcast %jit3A_416 : f32 to vector<128x32xf32>
    %select_n3A_418 = arith.select %gt3A_415, %broadcast_in_dim3A_417, %dot_general3A_405 : vector<128x32xi1>, vector<128x32xf32>
    %jit3A_419 = arith.constant 64 : i32
    %div3A_420 = vector.broadcast %jit3A_419 : i32 to vector<128x32xi32>
    %div3A_421 = arith.divsi %add3A_410, %div3A_420 : vector<128x32xi32>
    %sign3A_422 = arith.constant 0 : i32
    %sign3A_423 = vector.broadcast %sign3A_422 : i32 to vector<128x32xi32>
    %sign3A_424 = arith.cmpi sgt, %add3A_410, %sign3A_423 : vector<128x32xi32>
    %sign3A_425 = arith.extui %sign3A_424 : vector<128x32xi1> to vector<128x32xi32>
    %sign3A_426 = arith.constant 0 : i32
    %sign3A_427 = vector.broadcast %sign3A_426 : i32 to vector<128x32xi32>
    %sign3A_428 = arith.cmpi slt, %add3A_410, %sign3A_427 : vector<128x32xi32>
    %sign3A_429 = arith.extui %sign3A_428 : vector<128x32xi1> to vector<128x32xi32>
    %sign3A_430 = arith.subi %sign3A_425, %sign3A_429 : vector<128x32xi32>
    %sign3A_431 = arith.constant 0 : i32
    %sign3A_432 = arith.cmpi sgt, %jit3A_419, %sign3A_431 : i32
    %sign3A_433 = arith.extui %sign3A_432 : i1 to i32
    %sign3A_434 = arith.constant 0 : i32
    %sign3A_435 = arith.cmpi slt, %jit3A_419, %sign3A_434 : i32
    %sign3A_436 = arith.extui %sign3A_435 : i1 to i32
    %sign3A_437 = arith.subi %sign3A_433, %sign3A_436 : i32
    %ne3A_438 = vector.broadcast %sign3A_437 : i32 to vector<128x32xi32>
    %ne3A_439 = arith.cmpi ne, %sign3A_430, %ne3A_438 : vector<128x32xi32>
    %rem3A_440 = vector.broadcast %jit3A_419 : i32 to vector<128x32xi32>
    %rem3A_441 = arith.remsi %add3A_410, %rem3A_440 : vector<128x32xi32>
    %ne3A_442 = arith.constant 0 : i32
    %ne3A_443 = vector.broadcast %ne3A_442 : i32 to vector<128x32xi32>
    %ne3A_444 = arith.cmpi ne, %rem3A_441, %ne3A_443 : vector<128x32xi32>
    %and3A_445 = arith.andi %ne3A_439, %ne3A_444 : vector<128x32xi1>
    %sub3A_446 = arith.constant 1 : i32
    %sub3A_447 = vector.broadcast %sub3A_446 : i32 to vector<128x32xi32>
    %sub3A_448 = arith.subi %div3A_421, %sub3A_447 : vector<128x32xi32>
    %select_n3A_449 = arith.select %and3A_445, %sub3A_448, %div3A_421 : vector<128x32xi1>, vector<128x32xi32>
    %eq3A_450 = arith.cmpi eq, %iota3A_411, %select_n3A_449 : vector<128x32xi32>
    %jit3A_451 = arith.constant 1.000000e+04 : f32
    %jit3A_452 = arith.constant 0.000000e+00 : f32
    %broadcast_in_dim3A_453 = vector.broadcast %jit3A_451 : f32 to vector<128x32xf32>
    %broadcast_in_dim3A_454 = vector.broadcast %jit3A_452 : f32 to vector<128x32xf32>
    %select_n3A_455 = arith.select %eq3A_450, %broadcast_in_dim3A_453, %broadcast_in_dim3A_454 : vector<128x32xi1>, vector<128x32xf32>
    %add3A_456 = arith.addf %select_n3A_418, %select_n3A_455 : vector<128x32xf32>
    %broadcast_in_dim3A_457 = vector.shape_cast %add3A_456 : vector<128x32xf32> to vector<128x32x1xf32>
    %broadcast_in_dim3A_458 = vector.shape_cast %add3A_456 : vector<128x32xf32> to vector<128x1x32xf32>
    %iota3A_459 = tpu.iota {dimensions = array<i32: 1>} : vector<128x32x32xi32>
    %iota3A_460 = tpu.iota {dimensions = array<i32: 2>} : vector<128x32x32xi32>
    %gt3A_461 = vector.broadcast %broadcast_in_dim3A_457 : vector<128x32x1xf32> to vector<128x32x32xf32>
    %gt3A_462 = vector.broadcast %broadcast_in_dim3A_458 : vector<128x1x32xf32> to vector<128x32x32xf32>
    %gt3A_463 = arith.cmpf ogt, %gt3A_461, %gt3A_462 : vector<128x32x32xf32>
    %eq3A_464 = vector.broadcast %broadcast_in_dim3A_457 : vector<128x32x1xf32> to vector<128x32x32xf32>
    %eq3A_465 = vector.broadcast %broadcast_in_dim3A_458 : vector<128x1x32xf32> to vector<128x32x32xf32>
    %eq3A_466 = arith.cmpf oeq, %eq3A_464, %eq3A_465 : vector<128x32x32xf32>
    %lt3A_467 = arith.cmpi slt, %iota3A_459, %iota3A_460 : vector<128x32x32xi32>
    %and3A_468 = arith.andi %eq3A_466, %lt3A_467 : vector<128x32x32xi1>
    %or3A_469 = arith.ori %gt3A_463, %and3A_468 : vector<128x32x32xi1>
    %convert_element_type3A_470 = arith.extui %or3A_469 : vector<128x32x32xi1> to vector<128x32x32xi32>
    %convert_element_type3A_471 = arith.sitofp %convert_element_type3A_470 : vector<128x32x32xi32> to vector<128x32x32xf32>
    %reduce_sum3A_472 = arith.constant dense<0.000000e+00> : vector<128x32xf32>
    %reduce_sum3A_473 = vector.multi_reduction <add>, %convert_element_type3A_471, %reduce_sum3A_472 [1] : vector<128x32x32xf32> to vector<128x32xf32>
    %lt3A_474 = arith.constant 1.600000e+01 : f32
    %lt3A_475 = vector.broadcast %lt3A_474 : f32 to vector<128x32xf32>
    %lt3A_476 = arith.cmpf olt, %reduce_sum3A_473, %lt3A_475 : vector<128x32xf32>
    %convert_element_type3A_477 = arith.extui %lt3A_476 : vector<128x32xi1> to vector<128x32xi32>
    %convert_element_type3A_478 = arith.sitofp %convert_element_type3A_477 : vector<128x32xi32> to vector<128x32xf32>
    %broadcast_in_dim3A_479 = arith.constant 0.000000e+00 : f32
    %broadcast_in_dim3A_480 = vector.broadcast %broadcast_in_dim3A_479 : f32 to vector<4x128x64xf32>
    %swap3A_481 = arith.constant 0 : index
    %swap3A_482 = arith.constant 0 : index
    %swap3A_483 = arith.constant 0 : index
    %swap3A_484 = vector.load %arg10[%swap3A_481, %swap3A_482, %swap3A_483] : memref<4x128x64xf32, #tpu.memory_space<vmem>>, vector<4x128x64xf32>
    tpu.vector_store %arg10[%swap3A_481, %swap3A_482, %swap3A_483], %broadcast_in_dim3A_480 {strides = array<i32>} : memref<4x128x64xf32, #tpu.memory_space<vmem>>, vector<4x128x64xf32>,
    %broadcast_in_dim3A_485 = arith.constant -1.000000e+30 : f32
    %broadcast_in_dim3A_486 = vector.broadcast %broadcast_in_dim3A_485 : f32 to vector<4x128x1xf32>
    %broadcast_in_dim3A_487 = arith.constant 0.000000e+00 : f32
    %broadcast_in_dim3A_488 = vector.broadcast %broadcast_in_dim3A_487 : f32 to vector<4x128x1xf32>
    %while3A_489 = arith.constant 0 : i32
    %while3A_490 = arith.subi %add3A_53, %while3A_489 : i32
    %while3A_491 = arith.addi %while3A_489, %while3A_490 : i32
    %while3A_492 = arith.constant 1 : i32
    %while3A_493 = arith.divsi %while3A_490, %while3A_492 : i32
    %while3A_494 = arith.muli %while3A_493, %while3A_492 : i32
    %while3A_495 = arith.addi %while3A_489, %while3A_494 : i32
    %while3A_496 = arith.constant 1 : i32
    %while3A_497:2 = scf.for %while3A_1252 = %while3A_489 to %while3A_495 step %while3A_496 iter_args(%while3A_1253 = %broadcast_in_dim3A_486, %while3A_1254 = %broadcast_in_dim3A_488) -> (vector<4x128x1xf32>, vector<4x128x1xf32>)  : i32 {
      %mul3A_1255 = arith.constant 512 : i32
      %mul3A_1256 = arith.muli %while3A_1252, %mul3A_1255 : i32
      %get3A_1257 = arith.constant 1 : index
      %get3A_1258 = arith.index_cast %mul3A_1256 : i32 to index
      %get3A_1259 = arith.constant 0 : index
      %get3A_1260 = vector.load %arg2[%get3A_1257, %get3A_1258, %get3A_1259] : memref<4x2048x64xf32, #tpu.memory_space<vmem>>, vector<1x512x64xf32>
      %get3A_1261 = vector.shape_cast %get3A_1260 : vector<1x512x64xf32> to vector<512x64xf32>
      %dot_general3A_1262 = arith.constant dense<0.000000e+00> : vector<4x128x512xf32>
      %dot_general3A_1263 = tpu.matmul %get3A_341, %get3A_1261, %dot_general3A_1262 {dimension_numbers = #tpu.dot_dimension_numbers<[2], [1], [0, 1], [0], [0, 0, 0, 1, 1, 0], [], []>, transpose_lhs_hint = false} : vector<4x128x64xf32>, vector<512x64xf32>, vector<4x128x512xf32> -> vector<4x128x512xf32>
      %mul3A_1264 = arith.constant 1.250000e-01 : f32
      %mul3A_1265 = vector.broadcast %mul3A_1264 : f32 to vector<4x128x512xf32>
      %mul3A_1266 = arith.mulf %dot_general3A_1263, %mul3A_1265 : vector<4x128x512xf32>
      %mul3A_1267 = arith.constant 8 : i32
      %mul3A_1268 = arith.muli %mul3A_1267, %while3A_1252 : i32
      %add3A_1269 = vector.broadcast %mul3A_1268 : i32 to vector<32x512xi32>
      %add3A_1270 = arith.addi %add3A_1269, %select_n3A : vector<32x512xi32>
      %eq3A_1271 = arith.cmpi eq, %iota3A_3, %add3A_1270 : vector<32x512xi32>
      %convert_element_type3A_1272 = arith.extui %eq3A_1271 : vector<32x512xi1> to vector<32x512xi32>
      %convert_element_type3A_1273 = arith.sitofp %convert_element_type3A_1272 : vector<32x512xi32> to vector<32x512xf32>
      %dot_general3A_1274 = arith.constant dense<0.000000e+00> : vector<128x512xf32>
      %dot_general3A_1275 = tpu.matmul %convert_element_type3A_478, %convert_element_type3A_1273, %dot_general3A_1274 {dimension_numbers = #tpu.dot_dimension_numbers<[1], [0], [0], [1], [0, 0, 1, 1], [], []>, transpose_lhs_hint = false} : vector<128x32xf32>, vector<32x512xf32>, vector<128x512xf32> -> vector<128x512xf32>
      %mul3A_1276 = arith.constant 512 : i32
      %mul3A_1277 = arith.muli %while3A_1252, %mul3A_1276 : i32
      %add3A_1278 = vector.broadcast %mul3A_1277 : i32 to vector<128x512xi32>
      %add3A_1279 = arith.addi %add3A_1278, %iota3A_2 : vector<128x512xi32>
      %mul3A_1280 = arith.constant 128 : i32
      %mul3A_1281 = arith.muli %arg0, %mul3A_1280 : i32
      %add3A_1282 = vector.broadcast %mul3A_1281 : i32 to vector<128x512xi32>
      %add3A_1283 = arith.addi %add3A_1282, %iota3A : vector<128x512xi32>
      %le3A_1284 = arith.cmpi sle, %add3A_1279, %add3A_1283 : vector<128x512xi32>
      %gt3A_1285 = arith.constant 5.000000e-01 : f32
      %gt3A_1286 = vector.broadcast %gt3A_1285 : f32 to vector<128x512xf32>
      %gt3A_1287 = arith.cmpf ogt, %dot_general3A_1275, %gt3A_1286 : vector<128x512xf32>
      %and3A_1288 = arith.andi %gt3A_1287, %le3A_1284 : vector<128x512xi1>
      %broadcast_in_dim3A_1289 = vector.shape_cast %and3A_1288 : vector<128x512xi1> to vector<1x128x512xi1>
      %jit3A_1290 = arith.constant -1.000000e+09 : f32
      %broadcast_in_dim3A_1291 = vector.shape_cast %broadcast_in_dim3A_1289 : vector<1x128x512xi1> to vector<1x128x512xi1>
      %broadcast_in_dim3A_1292 = vector.broadcast %broadcast_in_dim3A_1291 : vector<1x128x512xi1> to vector<4x128x512xi1>
      %broadcast_in_dim3A_1293 = vector.broadcast %jit3A_1290 : f32 to vector<4x128x512xf32>
      %select_n3A_1294 = arith.select %broadcast_in_dim3A_1292, %mul3A_1266, %broadcast_in_dim3A_1293 : vector<4x128x512xi1>, vector<4x128x512xf32>
      %reduce_max3A_1295 = arith.constant dense<0xFF800000> : vector<4x128xf32>
      %reduce_max3A_1296 = vector.multi_reduction <maximumf>, %select_n3A_1294, %reduce_max3A_1295 [2] : vector<4x128x512xf32> to vector<4x128xf32>
      %broadcast_in_dim3A_1297 = vector.shape_cast %reduce_max3A_1296 : vector<4x128xf32> to vector<4x128x1xf32>
      %max3A_1298 = arith.maximumf %while3A_1253, %broadcast_in_dim3A_1297 : vector<4x128x1xf32>
      %sub3A_1299 = arith.subf %while3A_1253, %max3A_1298 : vector<4x128x1xf32>
      %exp3A_1300 = math.exp %sub3A_1299 : vector<4x128x1xf32>
      %sub3A_1301 = vector.broadcast %max3A_1298 : vector<4x128x1xf32> to vector<4x128x512xf32>
      %sub3A_1302 = arith.subf %select_n3A_1294, %sub3A_1301 : vector<4x128x512xf32>
      %exp3A_1303 = math.exp %sub3A_1302 : vector<4x128x512xf32>
      %mul3A_1304 = arith.mulf %while3A_1254, %exp3A_1300 : vector<4x128x1xf32>
      %reduce_sum3A_1305 = arith.constant dense<0.000000e+00> : vector<4x128xf32>
      %reduce_sum3A_1306 = vector.multi_reduction <add>, %exp3A_1303, %reduce_sum3A_1305 [2] : vector<4x128x512xf32> to vector<4x128xf32>
      %broadcast_in_dim3A_1307 = vector.shape_cast %reduce_sum3A_1306 : vector<4x128xf32> to vector<4x128x1xf32>
      %add3A_1308 = arith.addf %mul3A_1304, %broadcast_in_dim3A_1307 : vector<4x128x1xf32>
      %mul3A_1309 = arith.constant 512 : i32
      %mul3A_1310 = arith.muli %while3A_1252, %mul3A_1309 : i32
      %get3A_1311 = arith.constant 1 : index
      %get3A_1312 = arith.index_cast %mul3A_1310 : i32 to index
      %get3A_1313 = arith.constant 0 : index
      %get3A_1314 = vector.load %arg3[%get3A_1311, %get3A_1312, %get3A_1313] : memref<4x2048x64xf32, #tpu.memory_space<vmem>>, vector<1x512x64xf32>
      %get3A_1315 = vector.shape_cast %get3A_1314 : vector<1x512x64xf32> to vector<512x64xf32>
      %dot_general3A_1316 = arith.constant dense<0.000000e+00> : vector<4x128x64xf32>
      %dot_general3A_1317 = tpu.matmul %exp3A_1303, %get3A_1315, %dot_general3A_1316 {dimension_numbers = #tpu.dot_dimension_numbers<[2], [0], [0, 1], [1], [0, 0, 0, 1, 1, 1], [], []>, transpose_lhs_hint = false} : vector<4x128x512xf32>, vector<512x64xf32>, vector<4x128x64xf32> -> vector<4x128x64xf32>
      %get3A_1318 = arith.constant 0 : index
      %get3A_1319 = arith.constant 0 : index
      %get3A_1320 = arith.constant 0 : index
      %get3A_1321 = vector.load %arg10[%get3A_1318, %get3A_1319, %get3A_1320] : memref<4x128x64xf32, #tpu.memory_space<vmem>>, vector<4x128x64xf32>
      %mul3A_1322 = vector.broadcast %exp3A_1300 : vector<4x128x1xf32> to vector<4x128x64xf32>
      %mul3A_1323 = arith.mulf %get3A_1321, %mul3A_1322 : vector<4x128x64xf32>
      %add3A_1324 = arith.addf %mul3A_1323, %dot_general3A_1317 : vector<4x128x64xf32>
      %swap3A_1325 = arith.constant 0 : index
      %swap3A_1326 = arith.constant 0 : index
      %swap3A_1327 = arith.constant 0 : index
      %swap3A_1328 = vector.load %arg10[%swap3A_1325, %swap3A_1326, %swap3A_1327] : memref<4x128x64xf32, #tpu.memory_space<vmem>>, vector<4x128x64xf32>
      tpu.vector_store %arg10[%swap3A_1325, %swap3A_1326, %swap3A_1327], %add3A_1324 {strides = array<i32>} : memref<4x128x64xf32, #tpu.memory_space<vmem>>, vector<4x128x64xf32>,
      scf.yield %max3A_1298, %add3A_1308 : vector<4x128x1xf32>, vector<4x128x1xf32>
    }
    %while3A_498 = arith.constant 1 : i32
    %while3A_499:2 = scf.for %while3A_1252 = %while3A_495 to %while3A_491 step %while3A_498 iter_args(%while3A_1253 = %while3A_497#0, %while3A_1254 = %while3A_497#1) -> (vector<4x128x1xf32>, vector<4x128x1xf32>)  : i32 {
      %mul3A_1255 = arith.constant 512 : i32
      %mul3A_1256 = arith.muli %while3A_1252, %mul3A_1255 : i32
      %get3A_1257 = arith.constant 1 : index
      %get3A_1258 = arith.index_cast %mul3A_1256 : i32 to index
      %get3A_1259 = arith.constant 0 : index
      %get3A_1260 = vector.load %arg2[%get3A_1257, %get3A_1258, %get3A_1259] : memref<4x2048x64xf32, #tpu.memory_space<vmem>>, vector<1x512x64xf32>
      %get3A_1261 = vector.shape_cast %get3A_1260 : vector<1x512x64xf32> to vector<512x64xf32>
      %dot_general3A_1262 = arith.constant dense<0.000000e+00> : vector<4x128x512xf32>
      %dot_general3A_1263 = tpu.matmul %get3A_341, %get3A_1261, %dot_general3A_1262 {dimension_numbers = #tpu.dot_dimension_numbers<[2], [1], [0, 1], [0], [0, 0, 0, 1, 1, 0], [], []>, transpose_lhs_hint = false} : vector<4x128x64xf32>, vector<512x64xf32>, vector<4x128x512xf32> -> vector<4x128x512xf32>
      %mul3A_1264 = arith.constant 1.250000e-01 : f32
      %mul3A_1265 = vector.broadcast %mul3A_1264 : f32 to vector<4x128x512xf32>
      %mul3A_1266 = arith.mulf %dot_general3A_1263, %mul3A_1265 : vector<4x128x512xf32>
      %mul3A_1267 = arith.constant 8 : i32
      %mul3A_1268 = arith.muli %mul3A_1267, %while3A_1252 : i32
      %add3A_1269 = vector.broadcast %mul3A_1268 : i32 to vector<32x512xi32>
      %add3A_1270 = arith.addi %add3A_1269, %select_n3A : vector<32x512xi32>
      %eq3A_1271 = arith.cmpi eq, %iota3A_3, %add3A_1270 : vector<32x512xi32>
      %convert_element_type3A_1272 = arith.extui %eq3A_1271 : vector<32x512xi1> to vector<32x512xi32>
      %convert_element_type3A_1273 = arith.sitofp %convert_element_type3A_1272 : vector<32x512xi32> to vector<32x512xf32>
      %dot_general3A_1274 = arith.constant dense<0.000000e+00> : vector<128x512xf32>
      %dot_general3A_1275 = tpu.matmul %convert_element_type3A_478, %convert_element_type3A_1273, %dot_general3A_1274 {dimension_numbers = #tpu.dot_dimension_numbers<[1], [0], [0], [1], [0, 0, 1, 1], [], []>, transpose_lhs_hint = false} : vector<128x32xf32>, vector<32x512xf32>, vector<128x512xf32> -> vector<128x512xf32>
      %mul3A_1276 = arith.constant 512 : i32
      %mul3A_1277 = arith.muli %while3A_1252, %mul3A_1276 : i32
      %add3A_1278 = vector.broadcast %mul3A_1277 : i32 to vector<128x512xi32>
      %add3A_1279 = arith.addi %add3A_1278, %iota3A_2 : vector<128x512xi32>
      %mul3A_1280 = arith.constant 128 : i32
      %mul3A_1281 = arith.muli %arg0, %mul3A_1280 : i32
      %add3A_1282 = vector.broadcast %mul3A_1281 : i32 to vector<128x512xi32>
      %add3A_1283 = arith.addi %add3A_1282, %iota3A : vector<128x512xi32>
      %le3A_1284 = arith.cmpi sle, %add3A_1279, %add3A_1283 : vector<128x512xi32>
      %gt3A_1285 = arith.constant 5.000000e-01 : f32
      %gt3A_1286 = vector.broadcast %gt3A_1285 : f32 to vector<128x512xf32>
      %gt3A_1287 = arith.cmpf ogt, %dot_general3A_1275, %gt3A_1286 : vector<128x512xf32>
      %and3A_1288 = arith.andi %gt3A_1287, %le3A_1284 : vector<128x512xi1>
      %broadcast_in_dim3A_1289 = vector.shape_cast %and3A_1288 : vector<128x512xi1> to vector<1x128x512xi1>
      %jit3A_1290 = arith.constant -1.000000e+09 : f32
      %broadcast_in_dim3A_1291 = vector.shape_cast %broadcast_in_dim3A_1289 : vector<1x128x512xi1> to vector<1x128x512xi1>
      %broadcast_in_dim3A_1292 = vector.broadcast %broadcast_in_dim3A_1291 : vector<1x128x512xi1> to vector<4x128x512xi1>
      %broadcast_in_dim3A_1293 = vector.broadcast %jit3A_1290 : f32 to vector<4x128x512xf32>
      %select_n3A_1294 = arith.select %broadcast_in_dim3A_1292, %mul3A_1266, %broadcast_in_dim3A_1293 : vector<4x128x512xi1>, vector<4x128x512xf32>
      %reduce_max3A_1295 = arith.constant dense<0xFF800000> : vector<4x128xf32>
      %reduce_max3A_1296 = vector.multi_reduction <maximumf>, %select_n3A_1294, %reduce_max3A_1295 [2] : vector<4x128x512xf32> to vector<4x128xf32>
      %broadcast_in_dim3A_1297 = vector.shape_cast %reduce_max3A_1296 : vector<4x128xf32> to vector<4x128x1xf32>
      %max3A_1298 = arith.maximumf %while3A_1253, %broadcast_in_dim3A_1297 : vector<4x128x1xf32>
      %sub3A_1299 = arith.subf %while3A_1253, %max3A_1298 : vector<4x128x1xf32>
      %exp3A_1300 = math.exp %sub3A_1299 : vector<4x128x1xf32>
      %sub3A_1301 = vector.broadcast %max3A_1298 : vector<4x128x1xf32> to vector<4x128x512xf32>
      %sub3A_1302 = arith.subf %select_n3A_1294, %sub3A_1301 : vector<4x128x512xf32>
      %exp3A_1303 = math.exp %sub3A_1302 : vector<4x128x512xf32>
      %mul3A_1304 = arith.mulf %while3A_1254, %exp3A_1300 : vector<4x128x1xf32>
      %reduce_sum3A_1305 = arith.constant dense<0.000000e+00> : vector<4x128xf32>
      %reduce_sum3A_1306 = vector.multi_reduction <add>, %exp3A_1303, %reduce_sum3A_1305 [2] : vector<4x128x512xf32> to vector<4x128xf32>
      %broadcast_in_dim3A_1307 = vector.shape_cast %reduce_sum3A_1306 : vector<4x128xf32> to vector<4x128x1xf32>
      %add3A_1308 = arith.addf %mul3A_1304, %broadcast_in_dim3A_1307 : vector<4x128x1xf32>
      %mul3A_1309 = arith.constant 512 : i32
      %mul3A_1310 = arith.muli %while3A_1252, %mul3A_1309 : i32
      %get3A_1311 = arith.constant 1 : index
      %get3A_1312 = arith.index_cast %mul3A_1310 : i32 to index
      %get3A_1313 = arith.constant 0 : index
      %get3A_1314 = vector.load %arg3[%get3A_1311, %get3A_1312, %get3A_1313] : memref<4x2048x64xf32, #tpu.memory_space<vmem>>, vector<1x512x64xf32>
      %get3A_1315 = vector.shape_cast %get3A_1314 : vector<1x512x64xf32> to vector<512x64xf32>
      %dot_general3A_1316 = arith.constant dense<0.000000e+00> : vector<4x128x64xf32>
      %dot_general3A_1317 = tpu.matmul %exp3A_1303, %get3A_1315, %dot_general3A_1316 {dimension_numbers = #tpu.dot_dimension_numbers<[2], [0], [0, 1], [1], [0, 0, 0, 1, 1, 1], [], []>, transpose_lhs_hint = false} : vector<4x128x512xf32>, vector<512x64xf32>, vector<4x128x64xf32> -> vector<4x128x64xf32>
      %get3A_1318 = arith.constant 0 : index
      %get3A_1319 = arith.constant 0 : index
      %get3A_1320 = arith.constant 0 : index
      %get3A_1321 = vector.load %arg10[%get3A_1318, %get3A_1319, %get3A_1320] : memref<4x128x64xf32, #tpu.memory_space<vmem>>, vector<4x128x64xf32>
      %mul3A_1322 = vector.broadcast %exp3A_1300 : vector<4x128x1xf32> to vector<4x128x64xf32>
      %mul3A_1323 = arith.mulf %get3A_1321, %mul3A_1322 : vector<4x128x64xf32>
      %add3A_1324 = arith.addf %mul3A_1323, %dot_general3A_1317 : vector<4x128x64xf32>
      %swap3A_1325 = arith.constant 0 : index
      %swap3A_1326 = arith.constant 0 : index
      %swap3A_1327 = arith.constant 0 : index
      %swap3A_1328 = vector.load %arg10[%swap3A_1325, %swap3A_1326, %swap3A_1327] : memref<4x128x64xf32, #tpu.memory_space<vmem>>, vector<4x128x64xf32>
      tpu.vector_store %arg10[%swap3A_1325, %swap3A_1326, %swap3A_1327], %add3A_1324 {strides = array<i32>} : memref<4x128x64xf32, #tpu.memory_space<vmem>>, vector<4x128x64xf32>,
      scf.yield %max3A_1298, %add3A_1308 : vector<4x128x1xf32>, vector<4x128x1xf32>
    }
    %get3A_500 = arith.constant 0 : index
    %get3A_501 = arith.constant 0 : index
    %get3A_502 = arith.constant 0 : index
    %get3A_503 = vector.load %arg10[%get3A_500, %get3A_501, %get3A_502] : memref<4x128x64xf32, #tpu.memory_space<vmem>>, vector<4x128x64xf32>
    %div3A_504 = vector.broadcast %while3A_499#1 : vector<4x128x1xf32> to vector<4x128x64xf32>
    %div3A_505 = arith.divf %get3A_503, %div3A_504 : vector<4x128x64xf32>
    %sub3A_506 = arith.constant 1 : i32
    %sub3A_507 = arith.subi %arg0, %sub3A_506 : i32
    %max3A_508 = arith.constant 0 : i32
    %max3A_509 = arith.maxsi %sub3A_507, %max3A_508 : i32
    %mul3A_510 = arith.constant 128 : i32
    %mul3A_511 = arith.muli %max3A_509, %mul3A_510 : i32
    %get3A_512 = arith.constant 1 : index
    %get3A_513 = arith.index_cast %mul3A_511 : i32 to index
    %get3A_514 = arith.constant 0 : index
    %get3A_515 = vector.load %arg2[%get3A_512, %get3A_513, %get3A_514] : memref<4x2048x64xf32, #tpu.memory_space<vmem>>, vector<1x256x64xf32>
    %get3A_516 = vector.shape_cast %get3A_515 : vector<1x256x64xf32> to vector<256x64xf32>
    %get3A_517 = arith.constant 1 : index
    %get3A_518 = arith.index_cast %mul3A_511 : i32 to index
    %get3A_519 = arith.constant 0 : index
    %get3A_520 = vector.load %arg3[%get3A_517, %get3A_518, %get3A_519] : memref<4x2048x64xf32, #tpu.memory_space<vmem>>, vector<1x256x64xf32>
    %get3A_521 = vector.shape_cast %get3A_520 : vector<1x256x64xf32> to vector<256x64xf32>
    %dot_general3A_522 = arith.constant dense<0.000000e+00> : vector<4x128x256xf32>
    %dot_general3A_523 = tpu.matmul %get3A_341, %get3A_516, %dot_general3A_522 {dimension_numbers = #tpu.dot_dimension_numbers<[2], [1], [0, 1], [0], [0, 0, 0, 1, 1, 0], [], []>, transpose_lhs_hint = false} : vector<4x128x64xf32>, vector<256x64xf32>, vector<4x128x256xf32> -> vector<4x128x256xf32>
    %mul3A_524 = arith.constant 1.250000e-01 : f32
    %mul3A_525 = vector.broadcast %mul3A_524 : f32 to vector<4x128x256xf32>
    %mul3A_526 = arith.mulf %dot_general3A_523, %mul3A_525 : vector<4x128x256xf32>
    %mul3A_527 = arith.constant 128 : i32
    %mul3A_528 = arith.muli %arg0, %mul3A_527 : i32
    %iota3A_529 = tpu.iota {dimensions = array<i32: 1>} : vector<4x128x256xi32>
    %add3A_530 = vector.broadcast %mul3A_528 : i32 to vector<4x128x256xi32>
    %add3A_531 = arith.addi %add3A_530, %iota3A_529 : vector<4x128x256xi32>
    %iota3A_532 = tpu.iota {dimensions = array<i32: 2>} : vector<4x128x256xi32>
    %add3A_533 = vector.broadcast %mul3A_511 : i32 to vector<4x128x256xi32>
    %add3A_534 = arith.addi %add3A_533, %iota3A_532 : vector<4x128x256xi32>
    %sub3A_535 = arith.subi %add3A_531, %add3A_534 : vector<4x128x256xi32>
    %ge3A_536 = arith.constant 0 : i32
    %ge3A_537 = vector.broadcast %ge3A_536 : i32 to vector<4x128x256xi32>
    %ge3A_538 = arith.cmpi sge, %sub3A_535, %ge3A_537 : vector<4x128x256xi32>
    %lt3A_539 = arith.constant 16 : i32
    %lt3A_540 = vector.broadcast %lt3A_539 : i32 to vector<4x128x256xi32>
    %lt3A_541 = arith.cmpi slt, %sub3A_535, %lt3A_540 : vector<4x128x256xi32>
    %and3A_542 = arith.andi %ge3A_538, %lt3A_541 : vector<4x128x256xi1>
    %jit3A_543 = arith.constant -1.000000e+09 : f32
    %broadcast_in_dim3A_544 = vector.broadcast %jit3A_543 : f32 to vector<4x128x256xf32>
    %select_n3A_545 = arith.select %and3A_542, %mul3A_526, %broadcast_in_dim3A_544 : vector<4x128x256xi1>, vector<4x128x256xf32>
    %reduce_max3A_546 = arith.constant dense<0xFF800000> : vector<4x128xf32>
    %reduce_max3A_547 = vector.multi_reduction <maximumf>, %select_n3A_545, %reduce_max3A_546 [2] : vector<4x128x256xf32> to vector<4x128xf32>
    %broadcast_in_dim3A_548 = vector.shape_cast %reduce_max3A_547 : vector<4x128xf32> to vector<4x128x1xf32>
    %sub3A_549 = vector.broadcast %broadcast_in_dim3A_548 : vector<4x128x1xf32> to vector<4x128x256xf32>
    %sub3A_550 = arith.subf %select_n3A_545, %sub3A_549 : vector<4x128x256xf32>
    %exp3A_551 = math.exp %sub3A_550 : vector<4x128x256xf32>
    %reduce_sum3A_552 = arith.constant dense<0.000000e+00> : vector<4x128xf32>
    %reduce_sum3A_553 = vector.multi_reduction <add>, %exp3A_551, %reduce_sum3A_552 [2] : vector<4x128x256xf32> to vector<4x128xf32>
    %broadcast_in_dim3A_554 = vector.shape_cast %reduce_sum3A_553 : vector<4x128xf32> to vector<4x128x1xf32>
    %div3A_555 = vector.broadcast %broadcast_in_dim3A_554 : vector<4x128x1xf32> to vector<4x128x256xf32>
    %div3A_556 = arith.divf %exp3A_551, %div3A_555 : vector<4x128x256xf32>
    %dot_general3A_557 = arith.constant dense<0.000000e+00> : vector<4x128x64xf32>
    %dot_general3A_558 = tpu.matmul %div3A_556, %get3A_521, %dot_general3A_557 {dimension_numbers = #tpu.dot_dimension_numbers<[2], [0], [0, 1], [1], [0, 0, 0, 1, 1, 1], [], []>, transpose_lhs_hint = false} : vector<4x128x256xf32>, vector<256x64xf32>, vector<4x128x64xf32> -> vector<4x128x64xf32>
    %slice3A_559 = vector.extract_strided_slice %get3A_1 {offsets = [0, 4], sizes = [128, 1], strides = [1, 1]} : vector<128x48xf32> to vector<128x1xf32>
    %slice3A_560 = vector.extract_strided_slice %dot_general3A_395 {offsets = [0, 0, 0], sizes = [1, 128, 64], strides = [1, 1, 1]} : vector<4x128x64xf32> to vector<1x128x64xf32>
    %squeeze3A_561 = vector.shape_cast %slice3A_560 : vector<1x128x64xf32> to vector<128x64xf32>
    %mul3A_562 = vector.broadcast %slice3A_559 : vector<128x1xf32> to vector<128x64xf32>
    %mul3A_563 = arith.mulf %mul3A_562, %squeeze3A_561 : vector<128x64xf32>
    %slice3A_564 = vector.extract_strided_slice %get3A_1 {offsets = [0, 20], sizes = [128, 1], strides = [1, 1]} : vector<128x48xf32> to vector<128x1xf32>
    %slice3A_565 = vector.extract_strided_slice %div3A_505 {offsets = [0, 0, 0], sizes = [1, 128, 64], strides = [1, 1, 1]} : vector<4x128x64xf32> to vector<1x128x64xf32>
    %squeeze3A_566 = vector.shape_cast %slice3A_565 : vector<1x128x64xf32> to vector<128x64xf32>
    %mul3A_567 = vector.broadcast %slice3A_564 : vector<128x1xf32> to vector<128x64xf32>
    %mul3A_568 = arith.mulf %mul3A_567, %squeeze3A_566 : vector<128x64xf32>
    %add3A_569 = arith.addf %mul3A_563, %mul3A_568 : vector<128x64xf32>
    %slice3A_570 = vector.extract_strided_slice %get3A_1 {offsets = [0, 36], sizes = [128, 1], strides = [1, 1]} : vector<128x48xf32> to vector<128x1xf32>
    %slice3A_571 = vector.extract_strided_slice %dot_general3A_558 {offsets = [0, 0, 0], sizes = [1, 128, 64], strides = [1, 1, 1]} : vector<4x128x64xf32> to vector<1x128x64xf32>
    %squeeze3A_572 = vector.shape_cast %slice3A_571 : vector<1x128x64xf32> to vector<128x64xf32>
    %mul3A_573 = vector.broadcast %slice3A_570 : vector<128x1xf32> to vector<128x64xf32>
    %mul3A_574 = arith.mulf %mul3A_573, %squeeze3A_572 : vector<128x64xf32>
    %add3A_575 = arith.addf %add3A_569, %mul3A_574 : vector<128x64xf32>
    %swap3A_576 = arith.constant 0 : index
    %swap3A_577 = arith.constant 256 : index
    %swap3A_578 = vector.load %arg11[%swap3A_576, %swap3A_577] : memref<128x1024xf32, #tpu.memory_space<vmem>>, vector<128x64xf32>
    tpu.vector_store %arg11[%swap3A_576, %swap3A_577], %add3A_575 {strides = array<i32>} : memref<128x1024xf32, #tpu.memory_space<vmem>>, vector<128x64xf32>,
    %slice3A_579 = vector.extract_strided_slice %get3A_1 {offsets = [0, 5], sizes = [128, 1], strides = [1, 1]} : vector<128x48xf32> to vector<128x1xf32>
    %slice3A_580 = vector.extract_strided_slice %dot_general3A_395 {offsets = [1, 0, 0], sizes = [1, 128, 64], strides = [1, 1, 1]} : vector<4x128x64xf32> to vector<1x128x64xf32>
    %squeeze3A_581 = vector.shape_cast %slice3A_580 : vector<1x128x64xf32> to vector<128x64xf32>
    %mul3A_582 = vector.broadcast %slice3A_579 : vector<128x1xf32> to vector<128x64xf32>
    %mul3A_583 = arith.mulf %mul3A_582, %squeeze3A_581 : vector<128x64xf32>
    %slice3A_584 = vector.extract_strided_slice %get3A_1 {offsets = [0, 21], sizes = [128, 1], strides = [1, 1]} : vector<128x48xf32> to vector<128x1xf32>
    %slice3A_585 = vector.extract_strided_slice %div3A_505 {offsets = [1, 0, 0], sizes = [1, 128, 64], strides = [1, 1, 1]} : vector<4x128x64xf32> to vector<1x128x64xf32>
    %squeeze3A_586 = vector.shape_cast %slice3A_585 : vector<1x128x64xf32> to vector<128x64xf32>
    %mul3A_587 = vector.broadcast %slice3A_584 : vector<128x1xf32> to vector<128x64xf32>
    %mul3A_588 = arith.mulf %mul3A_587, %squeeze3A_586 : vector<128x64xf32>
    %add3A_589 = arith.addf %mul3A_583, %mul3A_588 : vector<128x64xf32>
    %slice3A_590 = vector.extract_strided_slice %get3A_1 {offsets = [0, 37], sizes = [128, 1], strides = [1, 1]} : vector<128x48xf32> to vector<128x1xf32>
    %slice3A_591 = vector.extract_strided_slice %dot_general3A_558 {offsets = [1, 0, 0], sizes = [1, 128, 64], strides = [1, 1, 1]} : vector<4x128x64xf32> to vector<1x128x64xf32>
    %squeeze3A_592 = vector.shape_cast %slice3A_591 : vector<1x128x64xf32> to vector<128x64xf32>
    %mul3A_593 = vector.broadcast %slice3A_590 : vector<128x1xf32> to vector<128x64xf32>
    %mul3A_594 = arith.mulf %mul3A_593, %squeeze3A_592 : vector<128x64xf32>
    %add3A_595 = arith.addf %add3A_589, %mul3A_594 : vector<128x64xf32>
    %swap3A_596 = arith.constant 0 : index
    %swap3A_597 = arith.constant 320 : index
    %swap3A_598 = vector.load %arg11[%swap3A_596, %swap3A_597] : memref<128x1024xf32, #tpu.memory_space<vmem>>, vector<128x64xf32>
    tpu.vector_store %arg11[%swap3A_596, %swap3A_597], %add3A_595 {strides = array<i32>} : memref<128x1024xf32, #tpu.memory_space<vmem>>, vector<128x64xf32>,
    %slice3A_599 = vector.extract_strided_slice %get3A_1 {offsets = [0, 6], sizes = [128, 1], strides = [1, 1]} : vector<128x48xf32> to vector<128x1xf32>
    %slice3A_600 = vector.extract_strided_slice %dot_general3A_395 {offsets = [2, 0, 0], sizes = [1, 128, 64], strides = [1, 1, 1]} : vector<4x128x64xf32> to vector<1x128x64xf32>
    %squeeze3A_601 = vector.shape_cast %slice3A_600 : vector<1x128x64xf32> to vector<128x64xf32>
    %mul3A_602 = vector.broadcast %slice3A_599 : vector<128x1xf32> to vector<128x64xf32>
    %mul3A_603 = arith.mulf %mul3A_602, %squeeze3A_601 : vector<128x64xf32>
    %slice3A_604 = vector.extract_strided_slice %get3A_1 {offsets = [0, 22], sizes = [128, 1], strides = [1, 1]} : vector<128x48xf32> to vector<128x1xf32>
    %slice3A_605 = vector.extract_strided_slice %div3A_505 {offsets = [2, 0, 0], sizes = [1, 128, 64], strides = [1, 1, 1]} : vector<4x128x64xf32> to vector<1x128x64xf32>
    %squeeze3A_606 = vector.shape_cast %slice3A_605 : vector<1x128x64xf32> to vector<128x64xf32>
    %mul3A_607 = vector.broadcast %slice3A_604 : vector<128x1xf32> to vector<128x64xf32>
    %mul3A_608 = arith.mulf %mul3A_607, %squeeze3A_606 : vector<128x64xf32>
    %add3A_609 = arith.addf %mul3A_603, %mul3A_608 : vector<128x64xf32>
    %slice3A_610 = vector.extract_strided_slice %get3A_1 {offsets = [0, 38], sizes = [128, 1], strides = [1, 1]} : vector<128x48xf32> to vector<128x1xf32>
    %slice3A_611 = vector.extract_strided_slice %dot_general3A_558 {offsets = [2, 0, 0], sizes = [1, 128, 64], strides = [1, 1, 1]} : vector<4x128x64xf32> to vector<1x128x64xf32>
    %squeeze3A_612 = vector.shape_cast %slice3A_611 : vector<1x128x64xf32> to vector<128x64xf32>
    %mul3A_613 = vector.broadcast %slice3A_610 : vector<128x1xf32> to vector<128x64xf32>
    %mul3A_614 = arith.mulf %mul3A_613, %squeeze3A_612 : vector<128x64xf32>
    %add3A_615 = arith.addf %add3A_609, %mul3A_614 : vector<128x64xf32>
    %swap3A_616 = arith.constant 0 : index
    %swap3A_617 = arith.constant 384 : index
    %swap3A_618 = vector.load %arg11[%swap3A_616, %swap3A_617] : memref<128x1024xf32, #tpu.memory_space<vmem>>, vector<128x64xf32>
    tpu.vector_store %arg11[%swap3A_616, %swap3A_617], %add3A_615 {strides = array<i32>} : memref<128x1024xf32, #tpu.memory_space<vmem>>, vector<128x64xf32>,
    %slice3A_619 = vector.extract_strided_slice %get3A_1 {offsets = [0, 7], sizes = [128, 1], strides = [1, 1]} : vector<128x48xf32> to vector<128x1xf32>
    %slice3A_620 = vector.extract_strided_slice %dot_general3A_395 {offsets = [3, 0, 0], sizes = [1, 128, 64], strides = [1, 1, 1]} : vector<4x128x64xf32> to vector<1x128x64xf32>
    %squeeze3A_621 = vector.shape_cast %slice3A_620 : vector<1x128x64xf32> to vector<128x64xf32>
    %mul3A_622 = vector.broadcast %slice3A_619 : vector<128x1xf32> to vector<128x64xf32>
    %mul3A_623 = arith.mulf %mul3A_622, %squeeze3A_621 : vector<128x64xf32>
    %slice3A_624 = vector.extract_strided_slice %get3A_1 {offsets = [0, 23], sizes = [128, 1], strides = [1, 1]} : vector<128x48xf32> to vector<128x1xf32>
    %slice3A_625 = vector.extract_strided_slice %div3A_505 {offsets = [3, 0, 0], sizes = [1, 128, 64], strides = [1, 1, 1]} : vector<4x128x64xf32> to vector<1x128x64xf32>
    %squeeze3A_626 = vector.shape_cast %slice3A_625 : vector<1x128x64xf32> to vector<128x64xf32>
    %mul3A_627 = vector.broadcast %slice3A_624 : vector<128x1xf32> to vector<128x64xf32>
    %mul3A_628 = arith.mulf %mul3A_627, %squeeze3A_626 : vector<128x64xf32>
    %add3A_629 = arith.addf %mul3A_623, %mul3A_628 : vector<128x64xf32>
    %slice3A_630 = vector.extract_strided_slice %get3A_1 {offsets = [0, 39], sizes = [128, 1], strides = [1, 1]} : vector<128x48xf32> to vector<128x1xf32>
    %slice3A_631 = vector.extract_strided_slice %dot_general3A_558 {offsets = [3, 0, 0], sizes = [1, 128, 64], strides = [1, 1, 1]} : vector<4x128x64xf32> to vector<1x128x64xf32>
    %squeeze3A_632 = vector.shape_cast %slice3A_631 : vector<1x128x64xf32> to vector<128x64xf32>
    %mul3A_633 = vector.broadcast %slice3A_630 : vector<128x1xf32> to vector<128x64xf32>
    %mul3A_634 = arith.mulf %mul3A_633, %squeeze3A_632 : vector<128x64xf32>
    %add3A_635 = arith.addf %add3A_629, %mul3A_634 : vector<128x64xf32>
    %swap3A_636 = arith.constant 0 : index
    %swap3A_637 = arith.constant 448 : index
    %swap3A_638 = vector.load %arg11[%swap3A_636, %swap3A_637] : memref<128x1024xf32, #tpu.memory_space<vmem>>, vector<128x64xf32>
    tpu.vector_store %arg11[%swap3A_636, %swap3A_637], %add3A_635 {strides = array<i32>} : memref<128x1024xf32, #tpu.memory_space<vmem>>, vector<128x64xf32>,
    %get3A_639 = arith.constant 8 : index
    %get3A_640 = arith.constant 0 : index
    %get3A_641 = arith.constant 0 : index
    %get3A_642 = vector.load %arg1[%get3A_639, %get3A_640, %get3A_641] : memref<16x128x64xf32, #tpu.memory_space<vmem>>, vector<4x128x64xf32>
    %get3A_643 = arith.constant 2 : index
    %get3A_644 = arith.constant 0 : index
    %get3A_645 = arith.constant 0 : index
    %get3A_646 = vector.load %arg4[%get3A_643, %get3A_644, %get3A_645] : memref<4x64x64xf32, #tpu.memory_space<vmem>>, vector<1x64x64xf32>
    %get3A_647 = vector.shape_cast %get3A_646 : vector<1x64x64xf32> to vector<64x64xf32>
    %get3A_648 = arith.constant 2 : index
    %get3A_649 = arith.constant 0 : index
    %get3A_650 = arith.constant 0 : index
    %get3A_651 = vector.load %arg5[%get3A_648, %get3A_649, %get3A_650] : memref<4x64x64xf32, #tpu.memory_space<vmem>>, vector<1x64x64xf32>
    %get3A_652 = vector.shape_cast %get3A_651 : vector<1x64x64xf32> to vector<64x64xf32>
    %dot_general3A_653 = arith.constant dense<0.000000e+00> : vector<4x128x64xf32>
    %dot_general3A_654 = tpu.matmul %get3A_642, %get3A_647, %dot_general3A_653 {dimension_numbers = #tpu.dot_dimension_numbers<[2], [1], [0, 1], [0], [0, 0, 0, 1, 1, 0], [], []>, transpose_lhs_hint = false} : vector<4x128x64xf32>, vector<64x64xf32>, vector<4x128x64xf32> -> vector<4x128x64xf32>
    %mul3A_655 = arith.constant 1.250000e-01 : f32
    %mul3A_656 = vector.broadcast %mul3A_655 : f32 to vector<4x128x64xf32>
    %mul3A_657 = arith.mulf %dot_general3A_654, %mul3A_656 : vector<4x128x64xf32>
    %mul3A_658 = arith.constant 128 : i32
    %mul3A_659 = arith.muli %arg0, %mul3A_658 : i32
    %iota3A_660 = tpu.iota {dimensions = array<i32: 1>} : vector<4x128x64xi32>
    %add3A_661 = vector.broadcast %mul3A_659 : i32 to vector<4x128x64xi32>
    %add3A_662 = arith.addi %add3A_661, %iota3A_660 : vector<4x128x64xi32>
    %iota3A_663 = tpu.iota {dimensions = array<i32: 2>} : vector<4x128x64xi32>
    %eq3A_664 = arith.constant 0 : i32
    %eq3A_665 = vector.broadcast %eq3A_664 : i32 to vector<4x128x64xi32>
    %eq3A_666 = arith.cmpi eq, %iota3A_663, %eq3A_665 : vector<4x128x64xi32>
    %mul3A_667 = arith.constant 32 : i32
    %mul3A_668 = vector.broadcast %mul3A_667 : i32 to vector<4x128x64xi32>
    %mul3A_669 = arith.muli %iota3A_663, %mul3A_668 : vector<4x128x64xi32>
    %add3A_670 = arith.constant 64 : i32
    %add3A_671 = vector.broadcast %add3A_670 : i32 to vector<4x128x64xi32>
    %add3A_672 = arith.addi %mul3A_669, %add3A_671 : vector<4x128x64xi32>
    %sub3A_673 = arith.constant 32 : i32
    %sub3A_674 = vector.broadcast %sub3A_673 : i32 to vector<4x128x64xi32>
    %sub3A_675 = arith.subi %add3A_672, %sub3A_674 : vector<4x128x64xi32>
    %sub3A_676 = arith.constant 1 : i32
    %sub3A_677 = vector.broadcast %sub3A_676 : i32 to vector<4x128x64xi32>
    %sub3A_678 = arith.subi %sub3A_675, %sub3A_677 : vector<4x128x64xi32>
    %le3A_679 = arith.cmpi sle, %sub3A_678, %add3A_662 : vector<4x128x64xi32>
    %or3A_680 = arith.ori %eq3A_666, %le3A_679 : vector<4x128x64xi1>
    %jit3A_681 = arith.constant -1.000000e+09 : f32
    %broadcast_in_dim3A_682 = vector.broadcast %jit3A_681 : f32 to vector<4x128x64xf32>
    %select_n3A_683 = arith.select %or3A_680, %mul3A_657, %broadcast_in_dim3A_682 : vector<4x128x64xi1>, vector<4x128x64xf32>
    %reduce_max3A_684 = arith.constant dense<0xFF800000> : vector<4x128xf32>
    %reduce_max3A_685 = vector.multi_reduction <maximumf>, %select_n3A_683, %reduce_max3A_684 [2] : vector<4x128x64xf32> to vector<4x128xf32>
    %broadcast_in_dim3A_686 = vector.shape_cast %reduce_max3A_685 : vector<4x128xf32> to vector<4x128x1xf32>
    %sub3A_687 = vector.broadcast %broadcast_in_dim3A_686 : vector<4x128x1xf32> to vector<4x128x64xf32>
    %sub3A_688 = arith.subf %select_n3A_683, %sub3A_687 : vector<4x128x64xf32>
    %exp3A_689 = math.exp %sub3A_688 : vector<4x128x64xf32>
    %reduce_sum3A_690 = arith.constant dense<0.000000e+00> : vector<4x128xf32>
    %reduce_sum3A_691 = vector.multi_reduction <add>, %exp3A_689, %reduce_sum3A_690 [2] : vector<4x128x64xf32> to vector<4x128xf32>
    %broadcast_in_dim3A_692 = vector.shape_cast %reduce_sum3A_691 : vector<4x128xf32> to vector<4x128x1xf32>
    %div3A_693 = vector.broadcast %broadcast_in_dim3A_692 : vector<4x128x1xf32> to vector<4x128x64xf32>
    %div3A_694 = arith.divf %exp3A_689, %div3A_693 : vector<4x128x64xf32>
    %dot_general3A_695 = arith.constant dense<0.000000e+00> : vector<4x128x64xf32>
    %dot_general3A_696 = tpu.matmul %div3A_694, %get3A_652, %dot_general3A_695 {dimension_numbers = #tpu.dot_dimension_numbers<[2], [0], [0, 1], [1], [0, 0, 0, 1, 1, 1], [], []>, transpose_lhs_hint = false} : vector<4x128x64xf32>, vector<64x64xf32>, vector<4x128x64xf32> -> vector<4x128x64xf32>
    %reduce_sum3A_697 = arith.constant dense<0.000000e+00> : vector<128x64xf32>
    %reduce_sum3A_698 = vector.multi_reduction <add>, %div3A_694, %reduce_sum3A_697 [0] : vector<4x128x64xf32> to vector<128x64xf32>
    %div3A_699 = arith.constant 4.000000e+00 : f32
    %div3A_700 = vector.broadcast %div3A_699 : f32 to vector<128x64xf32>
    %div3A_701 = arith.divf %reduce_sum3A_698, %div3A_700 : vector<128x64xf32>
    %get3A_702 = arith.constant 0 : index
    %get3A_703 = arith.constant 0 : index
    %get3A_704 = vector.load %arg6[%get3A_702, %get3A_703] : memref<64x32xf32, #tpu.memory_space<vmem>>, vector<64x32xf32>
    %dot_general3A_705 = arith.constant dense<0.000000e+00> : vector<128x32xf32>
    %dot_general3A_706 = tpu.matmul %div3A_701, %get3A_704, %dot_general3A_705 {dimension_numbers = #tpu.dot_dimension_numbers<[1], [0], [0], [1], [0, 0, 1, 1], [], []>, transpose_lhs_hint = false} : vector<128x64xf32>, vector<64x32xf32>, vector<128x32xf32> -> vector<128x32xf32>
    %mul3A_707 = arith.constant 128 : i32
    %mul3A_708 = arith.muli %arg0, %mul3A_707 : i32
    %iota3A_709 = tpu.iota {dimensions = array<i32: 0>} : vector<128x32xi32>
    %add3A_710 = vector.broadcast %mul3A_708 : i32 to vector<128x32xi32>
    %add3A_711 = arith.addi %add3A_710, %iota3A_709 : vector<128x32xi32>
    %iota3A_712 = tpu.iota {dimensions = array<i32: 1>} : vector<128x32xi32>
    %mul3A_713 = arith.constant 64 : i32
    %mul3A_714 = vector.broadcast %mul3A_713 : i32 to vector<128x32xi32>
    %mul3A_715 = arith.muli %iota3A_712, %mul3A_714 : vector<128x32xi32>
    %gt3A_716 = arith.cmpi sgt, %mul3A_715, %add3A_711 : vector<128x32xi32>
    %jit3A_717 = arith.constant -1.000000e+09 : f32
    %broadcast_in_dim3A_718 = vector.broadcast %jit3A_717 : f32 to vector<128x32xf32>
    %select_n3A_719 = arith.select %gt3A_716, %broadcast_in_dim3A_718, %dot_general3A_706 : vector<128x32xi1>, vector<128x32xf32>
    %jit3A_720 = arith.constant 64 : i32
    %div3A_721 = vector.broadcast %jit3A_720 : i32 to vector<128x32xi32>
    %div3A_722 = arith.divsi %add3A_711, %div3A_721 : vector<128x32xi32>
    %sign3A_723 = arith.constant 0 : i32
    %sign3A_724 = vector.broadcast %sign3A_723 : i32 to vector<128x32xi32>
    %sign3A_725 = arith.cmpi sgt, %add3A_711, %sign3A_724 : vector<128x32xi32>
    %sign3A_726 = arith.extui %sign3A_725 : vector<128x32xi1> to vector<128x32xi32>
    %sign3A_727 = arith.constant 0 : i32
    %sign3A_728 = vector.broadcast %sign3A_727 : i32 to vector<128x32xi32>
    %sign3A_729 = arith.cmpi slt, %add3A_711, %sign3A_728 : vector<128x32xi32>
    %sign3A_730 = arith.extui %sign3A_729 : vector<128x32xi1> to vector<128x32xi32>
    %sign3A_731 = arith.subi %sign3A_726, %sign3A_730 : vector<128x32xi32>
    %sign3A_732 = arith.constant 0 : i32
    %sign3A_733 = arith.cmpi sgt, %jit3A_720, %sign3A_732 : i32
    %sign3A_734 = arith.extui %sign3A_733 : i1 to i32
    %sign3A_735 = arith.constant 0 : i32
    %sign3A_736 = arith.cmpi slt, %jit3A_720, %sign3A_735 : i32
    %sign3A_737 = arith.extui %sign3A_736 : i1 to i32
    %sign3A_738 = arith.subi %sign3A_734, %sign3A_737 : i32
    %ne3A_739 = vector.broadcast %sign3A_738 : i32 to vector<128x32xi32>
    %ne3A_740 = arith.cmpi ne, %sign3A_731, %ne3A_739 : vector<128x32xi32>
    %rem3A_741 = vector.broadcast %jit3A_720 : i32 to vector<128x32xi32>
    %rem3A_742 = arith.remsi %add3A_711, %rem3A_741 : vector<128x32xi32>
    %ne3A_743 = arith.constant 0 : i32
    %ne3A_744 = vector.broadcast %ne3A_743 : i32 to vector<128x32xi32>
    %ne3A_745 = arith.cmpi ne, %rem3A_742, %ne3A_744 : vector<128x32xi32>
    %and3A_746 = arith.andi %ne3A_740, %ne3A_745 : vector<128x32xi1>
    %sub3A_747 = arith.constant 1 : i32
    %sub3A_748 = vector.broadcast %sub3A_747 : i32 to vector<128x32xi32>
    %sub3A_749 = arith.subi %div3A_722, %sub3A_748 : vector<128x32xi32>
    %select_n3A_750 = arith.select %and3A_746, %sub3A_749, %div3A_722 : vector<128x32xi1>, vector<128x32xi32>
    %eq3A_751 = arith.cmpi eq, %iota3A_712, %select_n3A_750 : vector<128x32xi32>
    %jit3A_752 = arith.constant 1.000000e+04 : f32
    %jit3A_753 = arith.constant 0.000000e+00 : f32
    %broadcast_in_dim3A_754 = vector.broadcast %jit3A_752 : f32 to vector<128x32xf32>
    %broadcast_in_dim3A_755 = vector.broadcast %jit3A_753 : f32 to vector<128x32xf32>
    %select_n3A_756 = arith.select %eq3A_751, %broadcast_in_dim3A_754, %broadcast_in_dim3A_755 : vector<128x32xi1>, vector<128x32xf32>
    %add3A_757 = arith.addf %select_n3A_719, %select_n3A_756 : vector<128x32xf32>
    %broadcast_in_dim3A_758 = vector.shape_cast %add3A_757 : vector<128x32xf32> to vector<128x32x1xf32>
    %broadcast_in_dim3A_759 = vector.shape_cast %add3A_757 : vector<128x32xf32> to vector<128x1x32xf32>
    %iota3A_760 = tpu.iota {dimensions = array<i32: 1>} : vector<128x32x32xi32>
    %iota3A_761 = tpu.iota {dimensions = array<i32: 2>} : vector<128x32x32xi32>
    %gt3A_762 = vector.broadcast %broadcast_in_dim3A_758 : vector<128x32x1xf32> to vector<128x32x32xf32>
    %gt3A_763 = vector.broadcast %broadcast_in_dim3A_759 : vector<128x1x32xf32> to vector<128x32x32xf32>
    %gt3A_764 = arith.cmpf ogt, %gt3A_762, %gt3A_763 : vector<128x32x32xf32>
    %eq3A_765 = vector.broadcast %broadcast_in_dim3A_758 : vector<128x32x1xf32> to vector<128x32x32xf32>
    %eq3A_766 = vector.broadcast %broadcast_in_dim3A_759 : vector<128x1x32xf32> to vector<128x32x32xf32>
    %eq3A_767 = arith.cmpf oeq, %eq3A_765, %eq3A_766 : vector<128x32x32xf32>
    %lt3A_768 = arith.cmpi slt, %iota3A_760, %iota3A_761 : vector<128x32x32xi32>
    %and3A_769 = arith.andi %eq3A_767, %lt3A_768 : vector<128x32x32xi1>
    %or3A_770 = arith.ori %gt3A_764, %and3A_769 : vector<128x32x32xi1>
    %convert_element_type3A_771 = arith.extui %or3A_770 : vector<128x32x32xi1> to vector<128x32x32xi32>
    %convert_element_type3A_772 = arith.sitofp %convert_element_type3A_771 : vector<128x32x32xi32> to vector<128x32x32xf32>
    %reduce_sum3A_773 = arith.constant dense<0.000000e+00> : vector<128x32xf32>
    %reduce_sum3A_774 = vector.multi_reduction <add>, %convert_element_type3A_772, %reduce_sum3A_773 [1] : vector<128x32x32xf32> to vector<128x32xf32>
    %lt3A_775 = arith.constant 1.600000e+01 : f32
    %lt3A_776 = vector.broadcast %lt3A_775 : f32 to vector<128x32xf32>
    %lt3A_777 = arith.cmpf olt, %reduce_sum3A_774, %lt3A_776 : vector<128x32xf32>
    %convert_element_type3A_778 = arith.extui %lt3A_777 : vector<128x32xi1> to vector<128x32xi32>
    %convert_element_type3A_779 = arith.sitofp %convert_element_type3A_778 : vector<128x32xi32> to vector<128x32xf32>
    %broadcast_in_dim3A_780 = arith.constant 0.000000e+00 : f32
    %broadcast_in_dim3A_781 = vector.broadcast %broadcast_in_dim3A_780 : f32 to vector<4x128x64xf32>
    %swap3A_782 = arith.constant 0 : index
    %swap3A_783 = arith.constant 0 : index
    %swap3A_784 = arith.constant 0 : index
    %swap3A_785 = vector.load %arg10[%swap3A_782, %swap3A_783, %swap3A_784] : memref<4x128x64xf32, #tpu.memory_space<vmem>>, vector<4x128x64xf32>
    tpu.vector_store %arg10[%swap3A_782, %swap3A_783, %swap3A_784], %broadcast_in_dim3A_781 {strides = array<i32>} : memref<4x128x64xf32, #tpu.memory_space<vmem>>, vector<4x128x64xf32>,
    %broadcast_in_dim3A_786 = arith.constant -1.000000e+30 : f32
    %broadcast_in_dim3A_787 = vector.broadcast %broadcast_in_dim3A_786 : f32 to vector<4x128x1xf32>
    %broadcast_in_dim3A_788 = arith.constant 0.000000e+00 : f32
    %broadcast_in_dim3A_789 = vector.broadcast %broadcast_in_dim3A_788 : f32 to vector<4x128x1xf32>
    %while3A_790 = arith.constant 0 : i32
    %while3A_791 = arith.subi %add3A_53, %while3A_790 : i32
    %while3A_792 = arith.addi %while3A_790, %while3A_791 : i32
    %while3A_793 = arith.constant 1 : i32
    %while3A_794 = arith.divsi %while3A_791, %while3A_793 : i32
    %while3A_795 = arith.muli %while3A_794, %while3A_793 : i32
    %while3A_796 = arith.addi %while3A_790, %while3A_795 : i32
    %while3A_797 = arith.constant 1 : i32
    %while3A_798:2 = scf.for %while3A_1252 = %while3A_790 to %while3A_796 step %while3A_797 iter_args(%while3A_1253 = %broadcast_in_dim3A_787, %while3A_1254 = %broadcast_in_dim3A_789) -> (vector<4x128x1xf32>, vector<4x128x1xf32>)  : i32 {
      %mul3A_1255 = arith.constant 512 : i32
      %mul3A_1256 = arith.muli %while3A_1252, %mul3A_1255 : i32
      %get3A_1257 = arith.constant 2 : index
      %get3A_1258 = arith.index_cast %mul3A_1256 : i32 to index
      %get3A_1259 = arith.constant 0 : index
      %get3A_1260 = vector.load %arg2[%get3A_1257, %get3A_1258, %get3A_1259] : memref<4x2048x64xf32, #tpu.memory_space<vmem>>, vector<1x512x64xf32>
      %get3A_1261 = vector.shape_cast %get3A_1260 : vector<1x512x64xf32> to vector<512x64xf32>
      %dot_general3A_1262 = arith.constant dense<0.000000e+00> : vector<4x128x512xf32>
      %dot_general3A_1263 = tpu.matmul %get3A_642, %get3A_1261, %dot_general3A_1262 {dimension_numbers = #tpu.dot_dimension_numbers<[2], [1], [0, 1], [0], [0, 0, 0, 1, 1, 0], [], []>, transpose_lhs_hint = false} : vector<4x128x64xf32>, vector<512x64xf32>, vector<4x128x512xf32> -> vector<4x128x512xf32>
      %mul3A_1264 = arith.constant 1.250000e-01 : f32
      %mul3A_1265 = vector.broadcast %mul3A_1264 : f32 to vector<4x128x512xf32>
      %mul3A_1266 = arith.mulf %dot_general3A_1263, %mul3A_1265 : vector<4x128x512xf32>
      %mul3A_1267 = arith.constant 8 : i32
      %mul3A_1268 = arith.muli %mul3A_1267, %while3A_1252 : i32
      %add3A_1269 = vector.broadcast %mul3A_1268 : i32 to vector<32x512xi32>
      %add3A_1270 = arith.addi %add3A_1269, %select_n3A : vector<32x512xi32>
      %eq3A_1271 = arith.cmpi eq, %iota3A_3, %add3A_1270 : vector<32x512xi32>
      %convert_element_type3A_1272 = arith.extui %eq3A_1271 : vector<32x512xi1> to vector<32x512xi32>
      %convert_element_type3A_1273 = arith.sitofp %convert_element_type3A_1272 : vector<32x512xi32> to vector<32x512xf32>
      %dot_general3A_1274 = arith.constant dense<0.000000e+00> : vector<128x512xf32>
      %dot_general3A_1275 = tpu.matmul %convert_element_type3A_779, %convert_element_type3A_1273, %dot_general3A_1274 {dimension_numbers = #tpu.dot_dimension_numbers<[1], [0], [0], [1], [0, 0, 1, 1], [], []>, transpose_lhs_hint = false} : vector<128x32xf32>, vector<32x512xf32>, vector<128x512xf32> -> vector<128x512xf32>
      %mul3A_1276 = arith.constant 512 : i32
      %mul3A_1277 = arith.muli %while3A_1252, %mul3A_1276 : i32
      %add3A_1278 = vector.broadcast %mul3A_1277 : i32 to vector<128x512xi32>
      %add3A_1279 = arith.addi %add3A_1278, %iota3A_2 : vector<128x512xi32>
      %mul3A_1280 = arith.constant 128 : i32
      %mul3A_1281 = arith.muli %arg0, %mul3A_1280 : i32
      %add3A_1282 = vector.broadcast %mul3A_1281 : i32 to vector<128x512xi32>
      %add3A_1283 = arith.addi %add3A_1282, %iota3A : vector<128x512xi32>
      %le3A_1284 = arith.cmpi sle, %add3A_1279, %add3A_1283 : vector<128x512xi32>
      %gt3A_1285 = arith.constant 5.000000e-01 : f32
      %gt3A_1286 = vector.broadcast %gt3A_1285 : f32 to vector<128x512xf32>
      %gt3A_1287 = arith.cmpf ogt, %dot_general3A_1275, %gt3A_1286 : vector<128x512xf32>
      %and3A_1288 = arith.andi %gt3A_1287, %le3A_1284 : vector<128x512xi1>
      %broadcast_in_dim3A_1289 = vector.shape_cast %and3A_1288 : vector<128x512xi1> to vector<1x128x512xi1>
      %jit3A_1290 = arith.constant -1.000000e+09 : f32
      %broadcast_in_dim3A_1291 = vector.shape_cast %broadcast_in_dim3A_1289 : vector<1x128x512xi1> to vector<1x128x512xi1>
      %broadcast_in_dim3A_1292 = vector.broadcast %broadcast_in_dim3A_1291 : vector<1x128x512xi1> to vector<4x128x512xi1>
      %broadcast_in_dim3A_1293 = vector.broadcast %jit3A_1290 : f32 to vector<4x128x512xf32>
      %select_n3A_1294 = arith.select %broadcast_in_dim3A_1292, %mul3A_1266, %broadcast_in_dim3A_1293 : vector<4x128x512xi1>, vector<4x128x512xf32>
      %reduce_max3A_1295 = arith.constant dense<0xFF800000> : vector<4x128xf32>
      %reduce_max3A_1296 = vector.multi_reduction <maximumf>, %select_n3A_1294, %reduce_max3A_1295 [2] : vector<4x128x512xf32> to vector<4x128xf32>
      %broadcast_in_dim3A_1297 = vector.shape_cast %reduce_max3A_1296 : vector<4x128xf32> to vector<4x128x1xf32>
      %max3A_1298 = arith.maximumf %while3A_1253, %broadcast_in_dim3A_1297 : vector<4x128x1xf32>
      %sub3A_1299 = arith.subf %while3A_1253, %max3A_1298 : vector<4x128x1xf32>
      %exp3A_1300 = math.exp %sub3A_1299 : vector<4x128x1xf32>
      %sub3A_1301 = vector.broadcast %max3A_1298 : vector<4x128x1xf32> to vector<4x128x512xf32>
      %sub3A_1302 = arith.subf %select_n3A_1294, %sub3A_1301 : vector<4x128x512xf32>
      %exp3A_1303 = math.exp %sub3A_1302 : vector<4x128x512xf32>
      %mul3A_1304 = arith.mulf %while3A_1254, %exp3A_1300 : vector<4x128x1xf32>
      %reduce_sum3A_1305 = arith.constant dense<0.000000e+00> : vector<4x128xf32>
      %reduce_sum3A_1306 = vector.multi_reduction <add>, %exp3A_1303, %reduce_sum3A_1305 [2] : vector<4x128x512xf32> to vector<4x128xf32>
      %broadcast_in_dim3A_1307 = vector.shape_cast %reduce_sum3A_1306 : vector<4x128xf32> to vector<4x128x1xf32>
      %add3A_1308 = arith.addf %mul3A_1304, %broadcast_in_dim3A_1307 : vector<4x128x1xf32>
      %mul3A_1309 = arith.constant 512 : i32
      %mul3A_1310 = arith.muli %while3A_1252, %mul3A_1309 : i32
      %get3A_1311 = arith.constant 2 : index
      %get3A_1312 = arith.index_cast %mul3A_1310 : i32 to index
      %get3A_1313 = arith.constant 0 : index
      %get3A_1314 = vector.load %arg3[%get3A_1311, %get3A_1312, %get3A_1313] : memref<4x2048x64xf32, #tpu.memory_space<vmem>>, vector<1x512x64xf32>
      %get3A_1315 = vector.shape_cast %get3A_1314 : vector<1x512x64xf32> to vector<512x64xf32>
      %dot_general3A_1316 = arith.constant dense<0.000000e+00> : vector<4x128x64xf32>
      %dot_general3A_1317 = tpu.matmul %exp3A_1303, %get3A_1315, %dot_general3A_1316 {dimension_numbers = #tpu.dot_dimension_numbers<[2], [0], [0, 1], [1], [0, 0, 0, 1, 1, 1], [], []>, transpose_lhs_hint = false} : vector<4x128x512xf32>, vector<512x64xf32>, vector<4x128x64xf32> -> vector<4x128x64xf32>
      %get3A_1318 = arith.constant 0 : index
      %get3A_1319 = arith.constant 0 : index
      %get3A_1320 = arith.constant 0 : index
      %get3A_1321 = vector.load %arg10[%get3A_1318, %get3A_1319, %get3A_1320] : memref<4x128x64xf32, #tpu.memory_space<vmem>>, vector<4x128x64xf32>
      %mul3A_1322 = vector.broadcast %exp3A_1300 : vector<4x128x1xf32> to vector<4x128x64xf32>
      %mul3A_1323 = arith.mulf %get3A_1321, %mul3A_1322 : vector<4x128x64xf32>
      %add3A_1324 = arith.addf %mul3A_1323, %dot_general3A_1317 : vector<4x128x64xf32>
      %swap3A_1325 = arith.constant 0 : index
      %swap3A_1326 = arith.constant 0 : index
      %swap3A_1327 = arith.constant 0 : index
      %swap3A_1328 = vector.load %arg10[%swap3A_1325, %swap3A_1326, %swap3A_1327] : memref<4x128x64xf32, #tpu.memory_space<vmem>>, vector<4x128x64xf32>
      tpu.vector_store %arg10[%swap3A_1325, %swap3A_1326, %swap3A_1327], %add3A_1324 {strides = array<i32>} : memref<4x128x64xf32, #tpu.memory_space<vmem>>, vector<4x128x64xf32>,
      scf.yield %max3A_1298, %add3A_1308 : vector<4x128x1xf32>, vector<4x128x1xf32>
    }
    %while3A_799 = arith.constant 1 : i32
    %while3A_800:2 = scf.for %while3A_1252 = %while3A_796 to %while3A_792 step %while3A_799 iter_args(%while3A_1253 = %while3A_798#0, %while3A_1254 = %while3A_798#1) -> (vector<4x128x1xf32>, vector<4x128x1xf32>)  : i32 {
      %mul3A_1255 = arith.constant 512 : i32
      %mul3A_1256 = arith.muli %while3A_1252, %mul3A_1255 : i32
      %get3A_1257 = arith.constant 2 : index
      %get3A_1258 = arith.index_cast %mul3A_1256 : i32 to index
      %get3A_1259 = arith.constant 0 : index
      %get3A_1260 = vector.load %arg2[%get3A_1257, %get3A_1258, %get3A_1259] : memref<4x2048x64xf32, #tpu.memory_space<vmem>>, vector<1x512x64xf32>
      %get3A_1261 = vector.shape_cast %get3A_1260 : vector<1x512x64xf32> to vector<512x64xf32>
      %dot_general3A_1262 = arith.constant dense<0.000000e+00> : vector<4x128x512xf32>
      %dot_general3A_1263 = tpu.matmul %get3A_642, %get3A_1261, %dot_general3A_1262 {dimension_numbers = #tpu.dot_dimension_numbers<[2], [1], [0, 1], [0], [0, 0, 0, 1, 1, 0], [], []>, transpose_lhs_hint = false} : vector<4x128x64xf32>, vector<512x64xf32>, vector<4x128x512xf32> -> vector<4x128x512xf32>
      %mul3A_1264 = arith.constant 1.250000e-01 : f32
      %mul3A_1265 = vector.broadcast %mul3A_1264 : f32 to vector<4x128x512xf32>
      %mul3A_1266 = arith.mulf %dot_general3A_1263, %mul3A_1265 : vector<4x128x512xf32>
      %mul3A_1267 = arith.constant 8 : i32
      %mul3A_1268 = arith.muli %mul3A_1267, %while3A_1252 : i32
      %add3A_1269 = vector.broadcast %mul3A_1268 : i32 to vector<32x512xi32>
      %add3A_1270 = arith.addi %add3A_1269, %select_n3A : vector<32x512xi32>
      %eq3A_1271 = arith.cmpi eq, %iota3A_3, %add3A_1270 : vector<32x512xi32>
      %convert_element_type3A_1272 = arith.extui %eq3A_1271 : vector<32x512xi1> to vector<32x512xi32>
      %convert_element_type3A_1273 = arith.sitofp %convert_element_type3A_1272 : vector<32x512xi32> to vector<32x512xf32>
      %dot_general3A_1274 = arith.constant dense<0.000000e+00> : vector<128x512xf32>
      %dot_general3A_1275 = tpu.matmul %convert_element_type3A_779, %convert_element_type3A_1273, %dot_general3A_1274 {dimension_numbers = #tpu.dot_dimension_numbers<[1], [0], [0], [1], [0, 0, 1, 1], [], []>, transpose_lhs_hint = false} : vector<128x32xf32>, vector<32x512xf32>, vector<128x512xf32> -> vector<128x512xf32>
      %mul3A_1276 = arith.constant 512 : i32
      %mul3A_1277 = arith.muli %while3A_1252, %mul3A_1276 : i32
      %add3A_1278 = vector.broadcast %mul3A_1277 : i32 to vector<128x512xi32>
      %add3A_1279 = arith.addi %add3A_1278, %iota3A_2 : vector<128x512xi32>
      %mul3A_1280 = arith.constant 128 : i32
      %mul3A_1281 = arith.muli %arg0, %mul3A_1280 : i32
      %add3A_1282 = vector.broadcast %mul3A_1281 : i32 to vector<128x512xi32>
      %add3A_1283 = arith.addi %add3A_1282, %iota3A : vector<128x512xi32>
      %le3A_1284 = arith.cmpi sle, %add3A_1279, %add3A_1283 : vector<128x512xi32>
      %gt3A_1285 = arith.constant 5.000000e-01 : f32
      %gt3A_1286 = vector.broadcast %gt3A_1285 : f32 to vector<128x512xf32>
      %gt3A_1287 = arith.cmpf ogt, %dot_general3A_1275, %gt3A_1286 : vector<128x512xf32>
      %and3A_1288 = arith.andi %gt3A_1287, %le3A_1284 : vector<128x512xi1>
      %broadcast_in_dim3A_1289 = vector.shape_cast %and3A_1288 : vector<128x512xi1> to vector<1x128x512xi1>
      %jit3A_1290 = arith.constant -1.000000e+09 : f32
      %broadcast_in_dim3A_1291 = vector.shape_cast %broadcast_in_dim3A_1289 : vector<1x128x512xi1> to vector<1x128x512xi1>
      %broadcast_in_dim3A_1292 = vector.broadcast %broadcast_in_dim3A_1291 : vector<1x128x512xi1> to vector<4x128x512xi1>
      %broadcast_in_dim3A_1293 = vector.broadcast %jit3A_1290 : f32 to vector<4x128x512xf32>
      %select_n3A_1294 = arith.select %broadcast_in_dim3A_1292, %mul3A_1266, %broadcast_in_dim3A_1293 : vector<4x128x512xi1>, vector<4x128x512xf32>
      %reduce_max3A_1295 = arith.constant dense<0xFF800000> : vector<4x128xf32>
      %reduce_max3A_1296 = vector.multi_reduction <maximumf>, %select_n3A_1294, %reduce_max3A_1295 [2] : vector<4x128x512xf32> to vector<4x128xf32>
      %broadcast_in_dim3A_1297 = vector.shape_cast %reduce_max3A_1296 : vector<4x128xf32> to vector<4x128x1xf32>
      %max3A_1298 = arith.maximumf %while3A_1253, %broadcast_in_dim3A_1297 : vector<4x128x1xf32>
      %sub3A_1299 = arith.subf %while3A_1253, %max3A_1298 : vector<4x128x1xf32>
      %exp3A_1300 = math.exp %sub3A_1299 : vector<4x128x1xf32>
      %sub3A_1301 = vector.broadcast %max3A_1298 : vector<4x128x1xf32> to vector<4x128x512xf32>
      %sub3A_1302 = arith.subf %select_n3A_1294, %sub3A_1301 : vector<4x128x512xf32>
      %exp3A_1303 = math.exp %sub3A_1302 : vector<4x128x512xf32>
      %mul3A_1304 = arith.mulf %while3A_1254, %exp3A_1300 : vector<4x128x1xf32>
      %reduce_sum3A_1305 = arith.constant dense<0.000000e+00> : vector<4x128xf32>
      %reduce_sum3A_1306 = vector.multi_reduction <add>, %exp3A_1303, %reduce_sum3A_1305 [2] : vector<4x128x512xf32> to vector<4x128xf32>
      %broadcast_in_dim3A_1307 = vector.shape_cast %reduce_sum3A_1306 : vector<4x128xf32> to vector<4x128x1xf32>
      %add3A_1308 = arith.addf %mul3A_1304, %broadcast_in_dim3A_1307 : vector<4x128x1xf32>
      %mul3A_1309 = arith.constant 512 : i32
      %mul3A_1310 = arith.muli %while3A_1252, %mul3A_1309 : i32
      %get3A_1311 = arith.constant 2 : index
      %get3A_1312 = arith.index_cast %mul3A_1310 : i32 to index
      %get3A_1313 = arith.constant 0 : index
      %get3A_1314 = vector.load %arg3[%get3A_1311, %get3A_1312, %get3A_1313] : memref<4x2048x64xf32, #tpu.memory_space<vmem>>, vector<1x512x64xf32>
      %get3A_1315 = vector.shape_cast %get3A_1314 : vector<1x512x64xf32> to vector<512x64xf32>
      %dot_general3A_1316 = arith.constant dense<0.000000e+00> : vector<4x128x64xf32>
      %dot_general3A_1317 = tpu.matmul %exp3A_1303, %get3A_1315, %dot_general3A_1316 {dimension_numbers = #tpu.dot_dimension_numbers<[2], [0], [0, 1], [1], [0, 0, 0, 1, 1, 1], [], []>, transpose_lhs_hint = false} : vector<4x128x512xf32>, vector<512x64xf32>, vector<4x128x64xf32> -> vector<4x128x64xf32>
      %get3A_1318 = arith.constant 0 : index
      %get3A_1319 = arith.constant 0 : index
      %get3A_1320 = arith.constant 0 : index
      %get3A_1321 = vector.load %arg10[%get3A_1318, %get3A_1319, %get3A_1320] : memref<4x128x64xf32, #tpu.memory_space<vmem>>, vector<4x128x64xf32>
      %mul3A_1322 = vector.broadcast %exp3A_1300 : vector<4x128x1xf32> to vector<4x128x64xf32>
      %mul3A_1323 = arith.mulf %get3A_1321, %mul3A_1322 : vector<4x128x64xf32>
      %add3A_1324 = arith.addf %mul3A_1323, %dot_general3A_1317 : vector<4x128x64xf32>
      %swap3A_1325 = arith.constant 0 : index
      %swap3A_1326 = arith.constant 0 : index
      %swap3A_1327 = arith.constant 0 : index
      %swap3A_1328 = vector.load %arg10[%swap3A_1325, %swap3A_1326, %swap3A_1327] : memref<4x128x64xf32, #tpu.memory_space<vmem>>, vector<4x128x64xf32>
      tpu.vector_store %arg10[%swap3A_1325, %swap3A_1326, %swap3A_1327], %add3A_1324 {strides = array<i32>} : memref<4x128x64xf32, #tpu.memory_space<vmem>>, vector<4x128x64xf32>,
      scf.yield %max3A_1298, %add3A_1308 : vector<4x128x1xf32>, vector<4x128x1xf32>
    }
    %get3A_801 = arith.constant 0 : index
    %get3A_802 = arith.constant 0 : index
    %get3A_803 = arith.constant 0 : index
    %get3A_804 = vector.load %arg10[%get3A_801, %get3A_802, %get3A_803] : memref<4x128x64xf32, #tpu.memory_space<vmem>>, vector<4x128x64xf32>
    %div3A_805 = vector.broadcast %while3A_800#1 : vector<4x128x1xf32> to vector<4x128x64xf32>
    %div3A_806 = arith.divf %get3A_804, %div3A_805 : vector<4x128x64xf32>
    %sub3A_807 = arith.constant 1 : i32
    %sub3A_808 = arith.subi %arg0, %sub3A_807 : i32
    %max3A_809 = arith.constant 0 : i32
    %max3A_810 = arith.maxsi %sub3A_808, %max3A_809 : i32
    %mul3A_811 = arith.constant 128 : i32
    %mul3A_812 = arith.muli %max3A_810, %mul3A_811 : i32
    %get3A_813 = arith.constant 2 : index
    %get3A_814 = arith.index_cast %mul3A_812 : i32 to index
    %get3A_815 = arith.constant 0 : index
    %get3A_816 = vector.load %arg2[%get3A_813, %get3A_814, %get3A_815] : memref<4x2048x64xf32, #tpu.memory_space<vmem>>, vector<1x256x64xf32>
    %get3A_817 = vector.shape_cast %get3A_816 : vector<1x256x64xf32> to vector<256x64xf32>
    %get3A_818 = arith.constant 2 : index
    %get3A_819 = arith.index_cast %mul3A_812 : i32 to index
    %get3A_820 = arith.constant 0 : index
    %get3A_821 = vector.load %arg3[%get3A_818, %get3A_819, %get3A_820] : memref<4x2048x64xf32, #tpu.memory_space<vmem>>, vector<1x256x64xf32>
    %get3A_822 = vector.shape_cast %get3A_821 : vector<1x256x64xf32> to vector<256x64xf32>
    %dot_general3A_823 = arith.constant dense<0.000000e+00> : vector<4x128x256xf32>
    %dot_general3A_824 = tpu.matmul %get3A_642, %get3A_817, %dot_general3A_823 {dimension_numbers = #tpu.dot_dimension_numbers<[2], [1], [0, 1], [0], [0, 0, 0, 1, 1, 0], [], []>, transpose_lhs_hint = false} : vector<4x128x64xf32>, vector<256x64xf32>, vector<4x128x256xf32> -> vector<4x128x256xf32>
    %mul3A_825 = arith.constant 1.250000e-01 : f32
    %mul3A_826 = vector.broadcast %mul3A_825 : f32 to vector<4x128x256xf32>
    %mul3A_827 = arith.mulf %dot_general3A_824, %mul3A_826 : vector<4x128x256xf32>
    %mul3A_828 = arith.constant 128 : i32
    %mul3A_829 = arith.muli %arg0, %mul3A_828 : i32
    %iota3A_830 = tpu.iota {dimensions = array<i32: 1>} : vector<4x128x256xi32>
    %add3A_831 = vector.broadcast %mul3A_829 : i32 to vector<4x128x256xi32>
    %add3A_832 = arith.addi %add3A_831, %iota3A_830 : vector<4x128x256xi32>
    %iota3A_833 = tpu.iota {dimensions = array<i32: 2>} : vector<4x128x256xi32>
    %add3A_834 = vector.broadcast %mul3A_812 : i32 to vector<4x128x256xi32>
    %add3A_835 = arith.addi %add3A_834, %iota3A_833 : vector<4x128x256xi32>
    %sub3A_836 = arith.subi %add3A_832, %add3A_835 : vector<4x128x256xi32>
    %ge3A_837 = arith.constant 0 : i32
    %ge3A_838 = vector.broadcast %ge3A_837 : i32 to vector<4x128x256xi32>
    %ge3A_839 = arith.cmpi sge, %sub3A_836, %ge3A_838 : vector<4x128x256xi32>
    %lt3A_840 = arith.constant 16 : i32
    %lt3A_841 = vector.broadcast %lt3A_840 : i32 to vector<4x128x256xi32>
    %lt3A_842 = arith.cmpi slt, %sub3A_836, %lt3A_841 : vector<4x128x256xi32>
    %and3A_843 = arith.andi %ge3A_839, %lt3A_842 : vector<4x128x256xi1>
    %jit3A_844 = arith.constant -1.000000e+09 : f32
    %broadcast_in_dim3A_845 = vector.broadcast %jit3A_844 : f32 to vector<4x128x256xf32>
    %select_n3A_846 = arith.select %and3A_843, %mul3A_827, %broadcast_in_dim3A_845 : vector<4x128x256xi1>, vector<4x128x256xf32>
    %reduce_max3A_847 = arith.constant dense<0xFF800000> : vector<4x128xf32>
    %reduce_max3A_848 = vector.multi_reduction <maximumf>, %select_n3A_846, %reduce_max3A_847 [2] : vector<4x128x256xf32> to vector<4x128xf32>
    %broadcast_in_dim3A_849 = vector.shape_cast %reduce_max3A_848 : vector<4x128xf32> to vector<4x128x1xf32>
    %sub3A_850 = vector.broadcast %broadcast_in_dim3A_849 : vector<4x128x1xf32> to vector<4x128x256xf32>
    %sub3A_851 = arith.subf %select_n3A_846, %sub3A_850 : vector<4x128x256xf32>
    %exp3A_852 = math.exp %sub3A_851 : vector<4x128x256xf32>
    %reduce_sum3A_853 = arith.constant dense<0.000000e+00> : vector<4x128xf32>
    %reduce_sum3A_854 = vector.multi_reduction <add>, %exp3A_852, %reduce_sum3A_853 [2] : vector<4x128x256xf32> to vector<4x128xf32>
    %broadcast_in_dim3A_855 = vector.shape_cast %reduce_sum3A_854 : vector<4x128xf32> to vector<4x128x1xf32>
    %div3A_856 = vector.broadcast %broadcast_in_dim3A_855 : vector<4x128x1xf32> to vector<4x128x256xf32>
    %div3A_857 = arith.divf %exp3A_852, %div3A_856 : vector<4x128x256xf32>
    %dot_general3A_858 = arith.constant dense<0.000000e+00> : vector<4x128x64xf32>
    %dot_general3A_859 = tpu.matmul %div3A_857, %get3A_822, %dot_general3A_858 {dimension_numbers = #tpu.dot_dimension_numbers<[2], [0], [0, 1], [1], [0, 0, 0, 1, 1, 1], [], []>, transpose_lhs_hint = false} : vector<4x128x256xf32>, vector<256x64xf32>, vector<4x128x64xf32> -> vector<4x128x64xf32>
    %slice3A_860 = vector.extract_strided_slice %get3A_1 {offsets = [0, 8], sizes = [128, 1], strides = [1, 1]} : vector<128x48xf32> to vector<128x1xf32>
    %slice3A_861 = vector.extract_strided_slice %dot_general3A_696 {offsets = [0, 0, 0], sizes = [1, 128, 64], strides = [1, 1, 1]} : vector<4x128x64xf32> to vector<1x128x64xf32>
    %squeeze3A_862 = vector.shape_cast %slice3A_861 : vector<1x128x64xf32> to vector<128x64xf32>
    %mul3A_863 = vector.broadcast %slice3A_860 : vector<128x1xf32> to vector<128x64xf32>
    %mul3A_864 = arith.mulf %mul3A_863, %squeeze3A_862 : vector<128x64xf32>
    %slice3A_865 = vector.extract_strided_slice %get3A_1 {offsets = [0, 24], sizes = [128, 1], strides = [1, 1]} : vector<128x48xf32> to vector<128x1xf32>
    %slice3A_866 = vector.extract_strided_slice %div3A_806 {offsets = [0, 0, 0], sizes = [1, 128, 64], strides = [1, 1, 1]} : vector<4x128x64xf32> to vector<1x128x64xf32>
    %squeeze3A_867 = vector.shape_cast %slice3A_866 : vector<1x128x64xf32> to vector<128x64xf32>
    %mul3A_868 = vector.broadcast %slice3A_865 : vector<128x1xf32> to vector<128x64xf32>
    %mul3A_869 = arith.mulf %mul3A_868, %squeeze3A_867 : vector<128x64xf32>
    %add3A_870 = arith.addf %mul3A_864, %mul3A_869 : vector<128x64xf32>
    %slice3A_871 = vector.extract_strided_slice %get3A_1 {offsets = [0, 40], sizes = [128, 1], strides = [1, 1]} : vector<128x48xf32> to vector<128x1xf32>
    %slice3A_872 = vector.extract_strided_slice %dot_general3A_859 {offsets = [0, 0, 0], sizes = [1, 128, 64], strides = [1, 1, 1]} : vector<4x128x64xf32> to vector<1x128x64xf32>
    %squeeze3A_873 = vector.shape_cast %slice3A_872 : vector<1x128x64xf32> to vector<128x64xf32>
    %mul3A_874 = vector.broadcast %slice3A_871 : vector<128x1xf32> to vector<128x64xf32>
    %mul3A_875 = arith.mulf %mul3A_874, %squeeze3A_873 : vector<128x64xf32>
    %add3A_876 = arith.addf %add3A_870, %mul3A_875 : vector<128x64xf32>
    %swap3A_877 = arith.constant 0 : index
    %swap3A_878 = arith.constant 512 : index
    %swap3A_879 = vector.load %arg11[%swap3A_877, %swap3A_878] : memref<128x1024xf32, #tpu.memory_space<vmem>>, vector<128x64xf32>
    tpu.vector_store %arg11[%swap3A_877, %swap3A_878], %add3A_876 {strides = array<i32>} : memref<128x1024xf32, #tpu.memory_space<vmem>>, vector<128x64xf32>,
    %slice3A_880 = vector.extract_strided_slice %get3A_1 {offsets = [0, 9], sizes = [128, 1], strides = [1, 1]} : vector<128x48xf32> to vector<128x1xf32>
    %slice3A_881 = vector.extract_strided_slice %dot_general3A_696 {offsets = [1, 0, 0], sizes = [1, 128, 64], strides = [1, 1, 1]} : vector<4x128x64xf32> to vector<1x128x64xf32>
    %squeeze3A_882 = vector.shape_cast %slice3A_881 : vector<1x128x64xf32> to vector<128x64xf32>
    %mul3A_883 = vector.broadcast %slice3A_880 : vector<128x1xf32> to vector<128x64xf32>
    %mul3A_884 = arith.mulf %mul3A_883, %squeeze3A_882 : vector<128x64xf32>
    %slice3A_885 = vector.extract_strided_slice %get3A_1 {offsets = [0, 25], sizes = [128, 1], strides = [1, 1]} : vector<128x48xf32> to vector<128x1xf32>
    %slice3A_886 = vector.extract_strided_slice %div3A_806 {offsets = [1, 0, 0], sizes = [1, 128, 64], strides = [1, 1, 1]} : vector<4x128x64xf32> to vector<1x128x64xf32>
    %squeeze3A_887 = vector.shape_cast %slice3A_886 : vector<1x128x64xf32> to vector<128x64xf32>
    %mul3A_888 = vector.broadcast %slice3A_885 : vector<128x1xf32> to vector<128x64xf32>
    %mul3A_889 = arith.mulf %mul3A_888, %squeeze3A_887 : vector<128x64xf32>
    %add3A_890 = arith.addf %mul3A_884, %mul3A_889 : vector<128x64xf32>
    %slice3A_891 = vector.extract_strided_slice %get3A_1 {offsets = [0, 41], sizes = [128, 1], strides = [1, 1]} : vector<128x48xf32> to vector<128x1xf32>
    %slice3A_892 = vector.extract_strided_slice %dot_general3A_859 {offsets = [1, 0, 0], sizes = [1, 128, 64], strides = [1, 1, 1]} : vector<4x128x64xf32> to vector<1x128x64xf32>
    %squeeze3A_893 = vector.shape_cast %slice3A_892 : vector<1x128x64xf32> to vector<128x64xf32>
    %mul3A_894 = vector.broadcast %slice3A_891 : vector<128x1xf32> to vector<128x64xf32>
    %mul3A_895 = arith.mulf %mul3A_894, %squeeze3A_893 : vector<128x64xf32>
    %add3A_896 = arith.addf %add3A_890, %mul3A_895 : vector<128x64xf32>
    %swap3A_897 = arith.constant 0 : index
    %swap3A_898 = arith.constant 576 : index
    %swap3A_899 = vector.load %arg11[%swap3A_897, %swap3A_898] : memref<128x1024xf32, #tpu.memory_space<vmem>>, vector<128x64xf32>
    tpu.vector_store %arg11[%swap3A_897, %swap3A_898], %add3A_896 {strides = array<i32>} : memref<128x1024xf32, #tpu.memory_space<vmem>>, vector<128x64xf32>,
    %slice3A_900 = vector.extract_strided_slice %get3A_1 {offsets = [0, 10], sizes = [128, 1], strides = [1, 1]} : vector<128x48xf32> to vector<128x1xf32>
    %slice3A_901 = vector.extract_strided_slice %dot_general3A_696 {offsets = [2, 0, 0], sizes = [1, 128, 64], strides = [1, 1, 1]} : vector<4x128x64xf32> to vector<1x128x64xf32>
    %squeeze3A_902 = vector.shape_cast %slice3A_901 : vector<1x128x64xf32> to vector<128x64xf32>
    %mul3A_903 = vector.broadcast %slice3A_900 : vector<128x1xf32> to vector<128x64xf32>
    %mul3A_904 = arith.mulf %mul3A_903, %squeeze3A_902 : vector<128x64xf32>
    %slice3A_905 = vector.extract_strided_slice %get3A_1 {offsets = [0, 26], sizes = [128, 1], strides = [1, 1]} : vector<128x48xf32> to vector<128x1xf32>
    %slice3A_906 = vector.extract_strided_slice %div3A_806 {offsets = [2, 0, 0], sizes = [1, 128, 64], strides = [1, 1, 1]} : vector<4x128x64xf32> to vector<1x128x64xf32>
    %squeeze3A_907 = vector.shape_cast %slice3A_906 : vector<1x128x64xf32> to vector<128x64xf32>
    %mul3A_908 = vector.broadcast %slice3A_905 : vector<128x1xf32> to vector<128x64xf32>
    %mul3A_909 = arith.mulf %mul3A_908, %squeeze3A_907 : vector<128x64xf32>
    %add3A_910 = arith.addf %mul3A_904, %mul3A_909 : vector<128x64xf32>
    %slice3A_911 = vector.extract_strided_slice %get3A_1 {offsets = [0, 42], sizes = [128, 1], strides = [1, 1]} : vector<128x48xf32> to vector<128x1xf32>
    %slice3A_912 = vector.extract_strided_slice %dot_general3A_859 {offsets = [2, 0, 0], sizes = [1, 128, 64], strides = [1, 1, 1]} : vector<4x128x64xf32> to vector<1x128x64xf32>
    %squeeze3A_913 = vector.shape_cast %slice3A_912 : vector<1x128x64xf32> to vector<128x64xf32>
    %mul3A_914 = vector.broadcast %slice3A_911 : vector<128x1xf32> to vector<128x64xf32>
    %mul3A_915 = arith.mulf %mul3A_914, %squeeze3A_913 : vector<128x64xf32>
    %add3A_916 = arith.addf %add3A_910, %mul3A_915 : vector<128x64xf32>
    %swap3A_917 = arith.constant 0 : index
    %swap3A_918 = arith.constant 640 : index
    %swap3A_919 = vector.load %arg11[%swap3A_917, %swap3A_918] : memref<128x1024xf32, #tpu.memory_space<vmem>>, vector<128x64xf32>
    tpu.vector_store %arg11[%swap3A_917, %swap3A_918], %add3A_916 {strides = array<i32>} : memref<128x1024xf32, #tpu.memory_space<vmem>>, vector<128x64xf32>,
    %slice3A_920 = vector.extract_strided_slice %get3A_1 {offsets = [0, 11], sizes = [128, 1], strides = [1, 1]} : vector<128x48xf32> to vector<128x1xf32>
    %slice3A_921 = vector.extract_strided_slice %dot_general3A_696 {offsets = [3, 0, 0], sizes = [1, 128, 64], strides = [1, 1, 1]} : vector<4x128x64xf32> to vector<1x128x64xf32>
    %squeeze3A_922 = vector.shape_cast %slice3A_921 : vector<1x128x64xf32> to vector<128x64xf32>
    %mul3A_923 = vector.broadcast %slice3A_920 : vector<128x1xf32> to vector<128x64xf32>
    %mul3A_924 = arith.mulf %mul3A_923, %squeeze3A_922 : vector<128x64xf32>
    %slice3A_925 = vector.extract_strided_slice %get3A_1 {offsets = [0, 27], sizes = [128, 1], strides = [1, 1]} : vector<128x48xf32> to vector<128x1xf32>
    %slice3A_926 = vector.extract_strided_slice %div3A_806 {offsets = [3, 0, 0], sizes = [1, 128, 64], strides = [1, 1, 1]} : vector<4x128x64xf32> to vector<1x128x64xf32>
    %squeeze3A_927 = vector.shape_cast %slice3A_926 : vector<1x128x64xf32> to vector<128x64xf32>
    %mul3A_928 = vector.broadcast %slice3A_925 : vector<128x1xf32> to vector<128x64xf32>
    %mul3A_929 = arith.mulf %mul3A_928, %squeeze3A_927 : vector<128x64xf32>
    %add3A_930 = arith.addf %mul3A_924, %mul3A_929 : vector<128x64xf32>
    %slice3A_931 = vector.extract_strided_slice %get3A_1 {offsets = [0, 43], sizes = [128, 1], strides = [1, 1]} : vector<128x48xf32> to vector<128x1xf32>
    %slice3A_932 = vector.extract_strided_slice %dot_general3A_859 {offsets = [3, 0, 0], sizes = [1, 128, 64], strides = [1, 1, 1]} : vector<4x128x64xf32> to vector<1x128x64xf32>
    %squeeze3A_933 = vector.shape_cast %slice3A_932 : vector<1x128x64xf32> to vector<128x64xf32>
    %mul3A_934 = vector.broadcast %slice3A_931 : vector<128x1xf32> to vector<128x64xf32>
    %mul3A_935 = arith.mulf %mul3A_934, %squeeze3A_933 : vector<128x64xf32>
    %add3A_936 = arith.addf %add3A_930, %mul3A_935 : vector<128x64xf32>
    %swap3A_937 = arith.constant 0 : index
    %swap3A_938 = arith.constant 704 : index
    %swap3A_939 = vector.load %arg11[%swap3A_937, %swap3A_938] : memref<128x1024xf32, #tpu.memory_space<vmem>>, vector<128x64xf32>
    tpu.vector_store %arg11[%swap3A_937, %swap3A_938], %add3A_936 {strides = array<i32>} : memref<128x1024xf32, #tpu.memory_space<vmem>>, vector<128x64xf32>,
    %get3A_940 = arith.constant 12 : index
    %get3A_941 = arith.constant 0 : index
    %get3A_942 = arith.constant 0 : index
    %get3A_943 = vector.load %arg1[%get3A_940, %get3A_941, %get3A_942] : memref<16x128x64xf32, #tpu.memory_space<vmem>>, vector<4x128x64xf32>
    %get3A_944 = arith.constant 3 : index
    %get3A_945 = arith.constant 0 : index
    %get3A_946 = arith.constant 0 : index
    %get3A_947 = vector.load %arg4[%get3A_944, %get3A_945, %get3A_946] : memref<4x64x64xf32, #tpu.memory_space<vmem>>, vector<1x64x64xf32>
    %get3A_948 = vector.shape_cast %get3A_947 : vector<1x64x64xf32> to vector<64x64xf32>
    %get3A_949 = arith.constant 3 : index
    %get3A_950 = arith.constant 0 : index
    %get3A_951 = arith.constant 0 : index
    %get3A_952 = vector.load %arg5[%get3A_949, %get3A_950, %get3A_951] : memref<4x64x64xf32, #tpu.memory_space<vmem>>, vector<1x64x64xf32>
    %get3A_953 = vector.shape_cast %get3A_952 : vector<1x64x64xf32> to vector<64x64xf32>
    %dot_general3A_954 = arith.constant dense<0.000000e+00> : vector<4x128x64xf32>
    %dot_general3A_955 = tpu.matmul %get3A_943, %get3A_948, %dot_general3A_954 {dimension_numbers = #tpu.dot_dimension_numbers<[2], [1], [0, 1], [0], [0, 0, 0, 1, 1, 0], [], []>, transpose_lhs_hint = false} : vector<4x128x64xf32>, vector<64x64xf32>, vector<4x128x64xf32> -> vector<4x128x64xf32>
    %mul3A_956 = arith.constant 1.250000e-01 : f32
    %mul3A_957 = vector.broadcast %mul3A_956 : f32 to vector<4x128x64xf32>
    %mul3A_958 = arith.mulf %dot_general3A_955, %mul3A_957 : vector<4x128x64xf32>
    %mul3A_959 = arith.constant 128 : i32
    %mul3A_960 = arith.muli %arg0, %mul3A_959 : i32
    %iota3A_961 = tpu.iota {dimensions = array<i32: 1>} : vector<4x128x64xi32>
    %add3A_962 = vector.broadcast %mul3A_960 : i32 to vector<4x128x64xi32>
    %add3A_963 = arith.addi %add3A_962, %iota3A_961 : vector<4x128x64xi32>
    %iota3A_964 = tpu.iota {dimensions = array<i32: 2>} : vector<4x128x64xi32>
    %eq3A_965 = arith.constant 0 : i32
    %eq3A_966 = vector.broadcast %eq3A_965 : i32 to vector<4x128x64xi32>
    %eq3A_967 = arith.cmpi eq, %iota3A_964, %eq3A_966 : vector<4x128x64xi32>
    %mul3A_968 = arith.constant 32 : i32
    %mul3A_969 = vector.broadcast %mul3A_968 : i32 to vector<4x128x64xi32>
    %mul3A_970 = arith.muli %iota3A_964, %mul3A_969 : vector<4x128x64xi32>
    %add3A_971 = arith.constant 64 : i32
    %add3A_972 = vector.broadcast %add3A_971 : i32 to vector<4x128x64xi32>
    %add3A_973 = arith.addi %mul3A_970, %add3A_972 : vector<4x128x64xi32>
    %sub3A_974 = arith.constant 32 : i32
    %sub3A_975 = vector.broadcast %sub3A_974 : i32 to vector<4x128x64xi32>
    %sub3A_976 = arith.subi %add3A_973, %sub3A_975 : vector<4x128x64xi32>
    %sub3A_977 = arith.constant 1 : i32
    %sub3A_978 = vector.broadcast %sub3A_977 : i32 to vector<4x128x64xi32>
    %sub3A_979 = arith.subi %sub3A_976, %sub3A_978 : vector<4x128x64xi32>
    %le3A_980 = arith.cmpi sle, %sub3A_979, %add3A_963 : vector<4x128x64xi32>
    %or3A_981 = arith.ori %eq3A_967, %le3A_980 : vector<4x128x64xi1>
    %jit3A_982 = arith.constant -1.000000e+09 : f32
    %broadcast_in_dim3A_983 = vector.broadcast %jit3A_982 : f32 to vector<4x128x64xf32>
    %select_n3A_984 = arith.select %or3A_981, %mul3A_958, %broadcast_in_dim3A_983 : vector<4x128x64xi1>, vector<4x128x64xf32>
    %reduce_max3A_985 = arith.constant dense<0xFF800000> : vector<4x128xf32>
    %reduce_max3A_986 = vector.multi_reduction <maximumf>, %select_n3A_984, %reduce_max3A_985 [2] : vector<4x128x64xf32> to vector<4x128xf32>
    %broadcast_in_dim3A_987 = vector.shape_cast %reduce_max3A_986 : vector<4x128xf32> to vector<4x128x1xf32>
    %sub3A_988 = vector.broadcast %broadcast_in_dim3A_987 : vector<4x128x1xf32> to vector<4x128x64xf32>
    %sub3A_989 = arith.subf %select_n3A_984, %sub3A_988 : vector<4x128x64xf32>
    %exp3A_990 = math.exp %sub3A_989 : vector<4x128x64xf32>
    %reduce_sum3A_991 = arith.constant dense<0.000000e+00> : vector<4x128xf32>
    %reduce_sum3A_992 = vector.multi_reduction <add>, %exp3A_990, %reduce_sum3A_991 [2] : vector<4x128x64xf32> to vector<4x128xf32>
    %broadcast_in_dim3A_993 = vector.shape_cast %reduce_sum3A_992 : vector<4x128xf32> to vector<4x128x1xf32>
    %div3A_994 = vector.broadcast %broadcast_in_dim3A_993 : vector<4x128x1xf32> to vector<4x128x64xf32>
    %div3A_995 = arith.divf %exp3A_990, %div3A_994 : vector<4x128x64xf32>
    %dot_general3A_996 = arith.constant dense<0.000000e+00> : vector<4x128x64xf32>
    %dot_general3A_997 = tpu.matmul %div3A_995, %get3A_953, %dot_general3A_996 {dimension_numbers = #tpu.dot_dimension_numbers<[2], [0], [0, 1], [1], [0, 0, 0, 1, 1, 1], [], []>, transpose_lhs_hint = false} : vector<4x128x64xf32>, vector<64x64xf32>, vector<4x128x64xf32> -> vector<4x128x64xf32>
    %reduce_sum3A_998 = arith.constant dense<0.000000e+00> : vector<128x64xf32>
    %reduce_sum3A_999 = vector.multi_reduction <add>, %div3A_995, %reduce_sum3A_998 [0] : vector<4x128x64xf32> to vector<128x64xf32>
    %div3A_1000 = arith.constant 4.000000e+00 : f32
    %div3A_1001 = vector.broadcast %div3A_1000 : f32 to vector<128x64xf32>
    %div3A_1002 = arith.divf %reduce_sum3A_999, %div3A_1001 : vector<128x64xf32>
    %get3A_1003 = arith.constant 0 : index
    %get3A_1004 = arith.constant 0 : index
    %get3A_1005 = vector.load %arg6[%get3A_1003, %get3A_1004] : memref<64x32xf32, #tpu.memory_space<vmem>>, vector<64x32xf32>
    %dot_general3A_1006 = arith.constant dense<0.000000e+00> : vector<128x32xf32>
    %dot_general3A_1007 = tpu.matmul %div3A_1002, %get3A_1005, %dot_general3A_1006 {dimension_numbers = #tpu.dot_dimension_numbers<[1], [0], [0], [1], [0, 0, 1, 1], [], []>, transpose_lhs_hint = false} : vector<128x64xf32>, vector<64x32xf32>, vector<128x32xf32> -> vector<128x32xf32>
    %mul3A_1008 = arith.constant 128 : i32
    %mul3A_1009 = arith.muli %arg0, %mul3A_1008 : i32
    %iota3A_1010 = tpu.iota {dimensions = array<i32: 0>} : vector<128x32xi32>
    %add3A_1011 = vector.broadcast %mul3A_1009 : i32 to vector<128x32xi32>
    %add3A_1012 = arith.addi %add3A_1011, %iota3A_1010 : vector<128x32xi32>
    %iota3A_1013 = tpu.iota {dimensions = array<i32: 1>} : vector<128x32xi32>
    %mul3A_1014 = arith.constant 64 : i32
    %mul3A_1015 = vector.broadcast %mul3A_1014 : i32 to vector<128x32xi32>
    %mul3A_1016 = arith.muli %iota3A_1013, %mul3A_1015 : vector<128x32xi32>
    %gt3A_1017 = arith.cmpi sgt, %mul3A_1016, %add3A_1012 : vector<128x32xi32>
    %jit3A_1018 = arith.constant -1.000000e+09 : f32
    %broadcast_in_dim3A_1019 = vector.broadcast %jit3A_1018 : f32 to vector<128x32xf32>
    %select_n3A_1020 = arith.select %gt3A_1017, %broadcast_in_dim3A_1019, %dot_general3A_1007 : vector<128x32xi1>, vector<128x32xf32>
    %jit3A_1021 = arith.constant 64 : i32
    %div3A_1022 = vector.broadcast %jit3A_1021 : i32 to vector<128x32xi32>
    %div3A_1023 = arith.divsi %add3A_1012, %div3A_1022 : vector<128x32xi32>
    %sign3A_1024 = arith.constant 0 : i32
    %sign3A_1025 = vector.broadcast %sign3A_1024 : i32 to vector<128x32xi32>
    %sign3A_1026 = arith.cmpi sgt, %add3A_1012, %sign3A_1025 : vector<128x32xi32>
    %sign3A_1027 = arith.extui %sign3A_1026 : vector<128x32xi1> to vector<128x32xi32>
    %sign3A_1028 = arith.constant 0 : i32
    %sign3A_1029 = vector.broadcast %sign3A_1028 : i32 to vector<128x32xi32>
    %sign3A_1030 = arith.cmpi slt, %add3A_1012, %sign3A_1029 : vector<128x32xi32>
    %sign3A_1031 = arith.extui %sign3A_1030 : vector<128x32xi1> to vector<128x32xi32>
    %sign3A_1032 = arith.subi %sign3A_1027, %sign3A_1031 : vector<128x32xi32>
    %sign3A_1033 = arith.constant 0 : i32
    %sign3A_1034 = arith.cmpi sgt, %jit3A_1021, %sign3A_1033 : i32
    %sign3A_1035 = arith.extui %sign3A_1034 : i1 to i32
    %sign3A_1036 = arith.constant 0 : i32
    %sign3A_1037 = arith.cmpi slt, %jit3A_1021, %sign3A_1036 : i32
    %sign3A_1038 = arith.extui %sign3A_1037 : i1 to i32
    %sign3A_1039 = arith.subi %sign3A_1035, %sign3A_1038 : i32
    %ne3A_1040 = vector.broadcast %sign3A_1039 : i32 to vector<128x32xi32>
    %ne3A_1041 = arith.cmpi ne, %sign3A_1032, %ne3A_1040 : vector<128x32xi32>
    %rem3A_1042 = vector.broadcast %jit3A_1021 : i32 to vector<128x32xi32>
    %rem3A_1043 = arith.remsi %add3A_1012, %rem3A_1042 : vector<128x32xi32>
    %ne3A_1044 = arith.constant 0 : i32
    %ne3A_1045 = vector.broadcast %ne3A_1044 : i32 to vector<128x32xi32>
    %ne3A_1046 = arith.cmpi ne, %rem3A_1043, %ne3A_1045 : vector<128x32xi32>
    %and3A_1047 = arith.andi %ne3A_1041, %ne3A_1046 : vector<128x32xi1>
    %sub3A_1048 = arith.constant 1 : i32
    %sub3A_1049 = vector.broadcast %sub3A_1048 : i32 to vector<128x32xi32>
    %sub3A_1050 = arith.subi %div3A_1023, %sub3A_1049 : vector<128x32xi32>
    %select_n3A_1051 = arith.select %and3A_1047, %sub3A_1050, %div3A_1023 : vector<128x32xi1>, vector<128x32xi32>
    %eq3A_1052 = arith.cmpi eq, %iota3A_1013, %select_n3A_1051 : vector<128x32xi32>
    %jit3A_1053 = arith.constant 1.000000e+04 : f32
    %jit3A_1054 = arith.constant 0.000000e+00 : f32
    %broadcast_in_dim3A_1055 = vector.broadcast %jit3A_1053 : f32 to vector<128x32xf32>
    %broadcast_in_dim3A_1056 = vector.broadcast %jit3A_1054 : f32 to vector<128x32xf32>
    %select_n3A_1057 = arith.select %eq3A_1052, %broadcast_in_dim3A_1055, %broadcast_in_dim3A_1056 : vector<128x32xi1>, vector<128x32xf32>
    %add3A_1058 = arith.addf %select_n3A_1020, %select_n3A_1057 : vector<128x32xf32>
    %broadcast_in_dim3A_1059 = vector.shape_cast %add3A_1058 : vector<128x32xf32> to vector<128x32x1xf32>
    %broadcast_in_dim3A_1060 = vector.shape_cast %add3A_1058 : vector<128x32xf32> to vector<128x1x32xf32>
    %iota3A_1061 = tpu.iota {dimensions = array<i32: 1>} : vector<128x32x32xi32>
    %iota3A_1062 = tpu.iota {dimensions = array<i32: 2>} : vector<128x32x32xi32>
    %gt3A_1063 = vector.broadcast %broadcast_in_dim3A_1059 : vector<128x32x1xf32> to vector<128x32x32xf32>
    %gt3A_1064 = vector.broadcast %broadcast_in_dim3A_1060 : vector<128x1x32xf32> to vector<128x32x32xf32>
    %gt3A_1065 = arith.cmpf ogt, %gt3A_1063, %gt3A_1064 : vector<128x32x32xf32>
    %eq3A_1066 = vector.broadcast %broadcast_in_dim3A_1059 : vector<128x32x1xf32> to vector<128x32x32xf32>
    %eq3A_1067 = vector.broadcast %broadcast_in_dim3A_1060 : vector<128x1x32xf32> to vector<128x32x32xf32>
    %eq3A_1068 = arith.cmpf oeq, %eq3A_1066, %eq3A_1067 : vector<128x32x32xf32>
    %lt3A_1069 = arith.cmpi slt, %iota3A_1061, %iota3A_1062 : vector<128x32x32xi32>
    %and3A_1070 = arith.andi %eq3A_1068, %lt3A_1069 : vector<128x32x32xi1>
    %or3A_1071 = arith.ori %gt3A_1065, %and3A_1070 : vector<128x32x32xi1>
    %convert_element_type3A_1072 = arith.extui %or3A_1071 : vector<128x32x32xi1> to vector<128x32x32xi32>
    %convert_element_type3A_1073 = arith.sitofp %convert_element_type3A_1072 : vector<128x32x32xi32> to vector<128x32x32xf32>
    %reduce_sum3A_1074 = arith.constant dense<0.000000e+00> : vector<128x32xf32>
    %reduce_sum3A_1075 = vector.multi_reduction <add>, %convert_element_type3A_1073, %reduce_sum3A_1074 [1] : vector<128x32x32xf32> to vector<128x32xf32>
    %lt3A_1076 = arith.constant 1.600000e+01 : f32
    %lt3A_1077 = vector.broadcast %lt3A_1076 : f32 to vector<128x32xf32>
    %lt3A_1078 = arith.cmpf olt, %reduce_sum3A_1075, %lt3A_1077 : vector<128x32xf32>
    %convert_element_type3A_1079 = arith.extui %lt3A_1078 : vector<128x32xi1> to vector<128x32xi32>
    %convert_element_type3A_1080 = arith.sitofp %convert_element_type3A_1079 : vector<128x32xi32> to vector<128x32xf32>
    %broadcast_in_dim3A_1081 = arith.constant 0.000000e+00 : f32
    %broadcast_in_dim3A_1082 = vector.broadcast %broadcast_in_dim3A_1081 : f32 to vector<4x128x64xf32>
    %swap3A_1083 = arith.constant 0 : index
    %swap3A_1084 = arith.constant 0 : index
    %swap3A_1085 = arith.constant 0 : index
    %swap3A_1086 = vector.load %arg10[%swap3A_1083, %swap3A_1084, %swap3A_1085] : memref<4x128x64xf32, #tpu.memory_space<vmem>>, vector<4x128x64xf32>
    tpu.vector_store %arg10[%swap3A_1083, %swap3A_1084, %swap3A_1085], %broadcast_in_dim3A_1082 {strides = array<i32>} : memref<4x128x64xf32, #tpu.memory_space<vmem>>, vector<4x128x64xf32>,
    %broadcast_in_dim3A_1087 = arith.constant -1.000000e+30 : f32
    %broadcast_in_dim3A_1088 = vector.broadcast %broadcast_in_dim3A_1087 : f32 to vector<4x128x1xf32>
    %broadcast_in_dim3A_1089 = arith.constant 0.000000e+00 : f32
    %broadcast_in_dim3A_1090 = vector.broadcast %broadcast_in_dim3A_1089 : f32 to vector<4x128x1xf32>
    %while3A_1091 = arith.constant 0 : i32
    %while3A_1092 = arith.subi %add3A_53, %while3A_1091 : i32
    %while3A_1093 = arith.addi %while3A_1091, %while3A_1092 : i32
    %while3A_1094 = arith.constant 1 : i32
    %while3A_1095 = arith.divsi %while3A_1092, %while3A_1094 : i32
    %while3A_1096 = arith.muli %while3A_1095, %while3A_1094 : i32
    %while3A_1097 = arith.addi %while3A_1091, %while3A_1096 : i32
    %while3A_1098 = arith.constant 1 : i32
    %while3A_1099:2 = scf.for %while3A_1252 = %while3A_1091 to %while3A_1097 step %while3A_1098 iter_args(%while3A_1253 = %broadcast_in_dim3A_1088, %while3A_1254 = %broadcast_in_dim3A_1090) -> (vector<4x128x1xf32>, vector<4x128x1xf32>)  : i32 {
      %mul3A_1255 = arith.constant 512 : i32
      %mul3A_1256 = arith.muli %while3A_1252, %mul3A_1255 : i32
      %get3A_1257 = arith.constant 3 : index
      %get3A_1258 = arith.index_cast %mul3A_1256 : i32 to index
      %get3A_1259 = arith.constant 0 : index
      %get3A_1260 = vector.load %arg2[%get3A_1257, %get3A_1258, %get3A_1259] : memref<4x2048x64xf32, #tpu.memory_space<vmem>>, vector<1x512x64xf32>
      %get3A_1261 = vector.shape_cast %get3A_1260 : vector<1x512x64xf32> to vector<512x64xf32>
      %dot_general3A_1262 = arith.constant dense<0.000000e+00> : vector<4x128x512xf32>
      %dot_general3A_1263 = tpu.matmul %get3A_943, %get3A_1261, %dot_general3A_1262 {dimension_numbers = #tpu.dot_dimension_numbers<[2], [1], [0, 1], [0], [0, 0, 0, 1, 1, 0], [], []>, transpose_lhs_hint = false} : vector<4x128x64xf32>, vector<512x64xf32>, vector<4x128x512xf32> -> vector<4x128x512xf32>
      %mul3A_1264 = arith.constant 1.250000e-01 : f32
      %mul3A_1265 = vector.broadcast %mul3A_1264 : f32 to vector<4x128x512xf32>
      %mul3A_1266 = arith.mulf %dot_general3A_1263, %mul3A_1265 : vector<4x128x512xf32>
      %mul3A_1267 = arith.constant 8 : i32
      %mul3A_1268 = arith.muli %mul3A_1267, %while3A_1252 : i32
      %add3A_1269 = vector.broadcast %mul3A_1268 : i32 to vector<32x512xi32>
      %add3A_1270 = arith.addi %add3A_1269, %select_n3A : vector<32x512xi32>
      %eq3A_1271 = arith.cmpi eq, %iota3A_3, %add3A_1270 : vector<32x512xi32>
      %convert_element_type3A_1272 = arith.extui %eq3A_1271 : vector<32x512xi1> to vector<32x512xi32>
      %convert_element_type3A_1273 = arith.sitofp %convert_element_type3A_1272 : vector<32x512xi32> to vector<32x512xf32>
      %dot_general3A_1274 = arith.constant dense<0.000000e+00> : vector<128x512xf32>
      %dot_general3A_1275 = tpu.matmul %convert_element_type3A_1080, %convert_element_type3A_1273, %dot_general3A_1274 {dimension_numbers = #tpu.dot_dimension_numbers<[1], [0], [0], [1], [0, 0, 1, 1], [], []>, transpose_lhs_hint = false} : vector<128x32xf32>, vector<32x512xf32>, vector<128x512xf32> -> vector<128x512xf32>
      %mul3A_1276 = arith.constant 512 : i32
      %mul3A_1277 = arith.muli %while3A_1252, %mul3A_1276 : i32
      %add3A_1278 = vector.broadcast %mul3A_1277 : i32 to vector<128x512xi32>
      %add3A_1279 = arith.addi %add3A_1278, %iota3A_2 : vector<128x512xi32>
      %mul3A_1280 = arith.constant 128 : i32
      %mul3A_1281 = arith.muli %arg0, %mul3A_1280 : i32
      %add3A_1282 = vector.broadcast %mul3A_1281 : i32 to vector<128x512xi32>
      %add3A_1283 = arith.addi %add3A_1282, %iota3A : vector<128x512xi32>
      %le3A_1284 = arith.cmpi sle, %add3A_1279, %add3A_1283 : vector<128x512xi32>
      %gt3A_1285 = arith.constant 5.000000e-01 : f32
      %gt3A_1286 = vector.broadcast %gt3A_1285 : f32 to vector<128x512xf32>
      %gt3A_1287 = arith.cmpf ogt, %dot_general3A_1275, %gt3A_1286 : vector<128x512xf32>
      %and3A_1288 = arith.andi %gt3A_1287, %le3A_1284 : vector<128x512xi1>
      %broadcast_in_dim3A_1289 = vector.shape_cast %and3A_1288 : vector<128x512xi1> to vector<1x128x512xi1>
      %jit3A_1290 = arith.constant -1.000000e+09 : f32
      %broadcast_in_dim3A_1291 = vector.shape_cast %broadcast_in_dim3A_1289 : vector<1x128x512xi1> to vector<1x128x512xi1>
      %broadcast_in_dim3A_1292 = vector.broadcast %broadcast_in_dim3A_1291 : vector<1x128x512xi1> to vector<4x128x512xi1>
      %broadcast_in_dim3A_1293 = vector.broadcast %jit3A_1290 : f32 to vector<4x128x512xf32>
      %select_n3A_1294 = arith.select %broadcast_in_dim3A_1292, %mul3A_1266, %broadcast_in_dim3A_1293 : vector<4x128x512xi1>, vector<4x128x512xf32>
      %reduce_max3A_1295 = arith.constant dense<0xFF800000> : vector<4x128xf32>
      %reduce_max3A_1296 = vector.multi_reduction <maximumf>, %select_n3A_1294, %reduce_max3A_1295 [2] : vector<4x128x512xf32> to vector<4x128xf32>
      %broadcast_in_dim3A_1297 = vector.shape_cast %reduce_max3A_1296 : vector<4x128xf32> to vector<4x128x1xf32>
      %max3A_1298 = arith.maximumf %while3A_1253, %broadcast_in_dim3A_1297 : vector<4x128x1xf32>
      %sub3A_1299 = arith.subf %while3A_1253, %max3A_1298 : vector<4x128x1xf32>
      %exp3A_1300 = math.exp %sub3A_1299 : vector<4x128x1xf32>
      %sub3A_1301 = vector.broadcast %max3A_1298 : vector<4x128x1xf32> to vector<4x128x512xf32>
      %sub3A_1302 = arith.subf %select_n3A_1294, %sub3A_1301 : vector<4x128x512xf32>
      %exp3A_1303 = math.exp %sub3A_1302 : vector<4x128x512xf32>
      %mul3A_1304 = arith.mulf %while3A_1254, %exp3A_1300 : vector<4x128x1xf32>
      %reduce_sum3A_1305 = arith.constant dense<0.000000e+00> : vector<4x128xf32>
      %reduce_sum3A_1306 = vector.multi_reduction <add>, %exp3A_1303, %reduce_sum3A_1305 [2] : vector<4x128x512xf32> to vector<4x128xf32>
      %broadcast_in_dim3A_1307 = vector.shape_cast %reduce_sum3A_1306 : vector<4x128xf32> to vector<4x128x1xf32>
      %add3A_1308 = arith.addf %mul3A_1304, %broadcast_in_dim3A_1307 : vector<4x128x1xf32>
      %mul3A_1309 = arith.constant 512 : i32
      %mul3A_1310 = arith.muli %while3A_1252, %mul3A_1309 : i32
      %get3A_1311 = arith.constant 3 : index
      %get3A_1312 = arith.index_cast %mul3A_1310 : i32 to index
      %get3A_1313 = arith.constant 0 : index
      %get3A_1314 = vector.load %arg3[%get3A_1311, %get3A_1312, %get3A_1313] : memref<4x2048x64xf32, #tpu.memory_space<vmem>>, vector<1x512x64xf32>
      %get3A_1315 = vector.shape_cast %get3A_1314 : vector<1x512x64xf32> to vector<512x64xf32>
      %dot_general3A_1316 = arith.constant dense<0.000000e+00> : vector<4x128x64xf32>
      %dot_general3A_1317 = tpu.matmul %exp3A_1303, %get3A_1315, %dot_general3A_1316 {dimension_numbers = #tpu.dot_dimension_numbers<[2], [0], [0, 1], [1], [0, 0, 0, 1, 1, 1], [], []>, transpose_lhs_hint = false} : vector<4x128x512xf32>, vector<512x64xf32>, vector<4x128x64xf32> -> vector<4x128x64xf32>
      %get3A_1318 = arith.constant 0 : index
      %get3A_1319 = arith.constant 0 : index
      %get3A_1320 = arith.constant 0 : index
      %get3A_1321 = vector.load %arg10[%get3A_1318, %get3A_1319, %get3A_1320] : memref<4x128x64xf32, #tpu.memory_space<vmem>>, vector<4x128x64xf32>
      %mul3A_1322 = vector.broadcast %exp3A_1300 : vector<4x128x1xf32> to vector<4x128x64xf32>
      %mul3A_1323 = arith.mulf %get3A_1321, %mul3A_1322 : vector<4x128x64xf32>
      %add3A_1324 = arith.addf %mul3A_1323, %dot_general3A_1317 : vector<4x128x64xf32>
      %swap3A_1325 = arith.constant 0 : index
      %swap3A_1326 = arith.constant 0 : index
      %swap3A_1327 = arith.constant 0 : index
      %swap3A_1328 = vector.load %arg10[%swap3A_1325, %swap3A_1326, %swap3A_1327] : memref<4x128x64xf32, #tpu.memory_space<vmem>>, vector<4x128x64xf32>
      tpu.vector_store %arg10[%swap3A_1325, %swap3A_1326, %swap3A_1327], %add3A_1324 {strides = array<i32>} : memref<4x128x64xf32, #tpu.memory_space<vmem>>, vector<4x128x64xf32>,
      scf.yield %max3A_1298, %add3A_1308 : vector<4x128x1xf32>, vector<4x128x1xf32>
    }
    %while3A_1100 = arith.constant 1 : i32
    %while3A_1101:2 = scf.for %while3A_1252 = %while3A_1097 to %while3A_1093 step %while3A_1100 iter_args(%while3A_1253 = %while3A_1099#0, %while3A_1254 = %while3A_1099#1) -> (vector<4x128x1xf32>, vector<4x128x1xf32>)  : i32 {
      %mul3A_1255 = arith.constant 512 : i32
      %mul3A_1256 = arith.muli %while3A_1252, %mul3A_1255 : i32
      %get3A_1257 = arith.constant 3 : index
      %get3A_1258 = arith.index_cast %mul3A_1256 : i32 to index
      %get3A_1259 = arith.constant 0 : index
      %get3A_1260 = vector.load %arg2[%get3A_1257, %get3A_1258, %get3A_1259] : memref<4x2048x64xf32, #tpu.memory_space<vmem>>, vector<1x512x64xf32>
      %get3A_1261 = vector.shape_cast %get3A_1260 : vector<1x512x64xf32> to vector<512x64xf32>
      %dot_general3A_1262 = arith.constant dense<0.000000e+00> : vector<4x128x512xf32>
      %dot_general3A_1263 = tpu.matmul %get3A_943, %get3A_1261, %dot_general3A_1262 {dimension_numbers = #tpu.dot_dimension_numbers<[2], [1], [0, 1], [0], [0, 0, 0, 1, 1, 0], [], []>, transpose_lhs_hint = false} : vector<4x128x64xf32>, vector<512x64xf32>, vector<4x128x512xf32> -> vector<4x128x512xf32>
      %mul3A_1264 = arith.constant 1.250000e-01 : f32
      %mul3A_1265 = vector.broadcast %mul3A_1264 : f32 to vector<4x128x512xf32>
      %mul3A_1266 = arith.mulf %dot_general3A_1263, %mul3A_1265 : vector<4x128x512xf32>
      %mul3A_1267 = arith.constant 8 : i32
      %mul3A_1268 = arith.muli %mul3A_1267, %while3A_1252 : i32
      %add3A_1269 = vector.broadcast %mul3A_1268 : i32 to vector<32x512xi32>
      %add3A_1270 = arith.addi %add3A_1269, %select_n3A : vector<32x512xi32>
      %eq3A_1271 = arith.cmpi eq, %iota3A_3, %add3A_1270 : vector<32x512xi32>
      %convert_element_type3A_1272 = arith.extui %eq3A_1271 : vector<32x512xi1> to vector<32x512xi32>
      %convert_element_type3A_1273 = arith.sitofp %convert_element_type3A_1272 : vector<32x512xi32> to vector<32x512xf32>
      %dot_general3A_1274 = arith.constant dense<0.000000e+00> : vector<128x512xf32>
      %dot_general3A_1275 = tpu.matmul %convert_element_type3A_1080, %convert_element_type3A_1273, %dot_general3A_1274 {dimension_numbers = #tpu.dot_dimension_numbers<[1], [0], [0], [1], [0, 0, 1, 1], [], []>, transpose_lhs_hint = false} : vector<128x32xf32>, vector<32x512xf32>, vector<128x512xf32> -> vector<128x512xf32>
      %mul3A_1276 = arith.constant 512 : i32
      %mul3A_1277 = arith.muli %while3A_1252, %mul3A_1276 : i32
      %add3A_1278 = vector.broadcast %mul3A_1277 : i32 to vector<128x512xi32>
      %add3A_1279 = arith.addi %add3A_1278, %iota3A_2 : vector<128x512xi32>
      %mul3A_1280 = arith.constant 128 : i32
      %mul3A_1281 = arith.muli %arg0, %mul3A_1280 : i32
      %add3A_1282 = vector.broadcast %mul3A_1281 : i32 to vector<128x512xi32>
      %add3A_1283 = arith.addi %add3A_1282, %iota3A : vector<128x512xi32>
      %le3A_1284 = arith.cmpi sle, %add3A_1279, %add3A_1283 : vector<128x512xi32>
      %gt3A_1285 = arith.constant 5.000000e-01 : f32
      %gt3A_1286 = vector.broadcast %gt3A_1285 : f32 to vector<128x512xf32>
      %gt3A_1287 = arith.cmpf ogt, %dot_general3A_1275, %gt3A_1286 : vector<128x512xf32>
      %and3A_1288 = arith.andi %gt3A_1287, %le3A_1284 : vector<128x512xi1>
      %broadcast_in_dim3A_1289 = vector.shape_cast %and3A_1288 : vector<128x512xi1> to vector<1x128x512xi1>
      %jit3A_1290 = arith.constant -1.000000e+09 : f32
      %broadcast_in_dim3A_1291 = vector.shape_cast %broadcast_in_dim3A_1289 : vector<1x128x512xi1> to vector<1x128x512xi1>
      %broadcast_in_dim3A_1292 = vector.broadcast %broadcast_in_dim3A_1291 : vector<1x128x512xi1> to vector<4x128x512xi1>
      %broadcast_in_dim3A_1293 = vector.broadcast %jit3A_1290 : f32 to vector<4x128x512xf32>
      %select_n3A_1294 = arith.select %broadcast_in_dim3A_1292, %mul3A_1266, %broadcast_in_dim3A_1293 : vector<4x128x512xi1>, vector<4x128x512xf32>
      %reduce_max3A_1295 = arith.constant dense<0xFF800000> : vector<4x128xf32>
      %reduce_max3A_1296 = vector.multi_reduction <maximumf>, %select_n3A_1294, %reduce_max3A_1295 [2] : vector<4x128x512xf32> to vector<4x128xf32>
      %broadcast_in_dim3A_1297 = vector.shape_cast %reduce_max3A_1296 : vector<4x128xf32> to vector<4x128x1xf32>
      %max3A_1298 = arith.maximumf %while3A_1253, %broadcast_in_dim3A_1297 : vector<4x128x1xf32>
      %sub3A_1299 = arith.subf %while3A_1253, %max3A_1298 : vector<4x128x1xf32>
      %exp3A_1300 = math.exp %sub3A_1299 : vector<4x128x1xf32>
      %sub3A_1301 = vector.broadcast %max3A_1298 : vector<4x128x1xf32> to vector<4x128x512xf32>
      %sub3A_1302 = arith.subf %select_n3A_1294, %sub3A_1301 : vector<4x128x512xf32>
      %exp3A_1303 = math.exp %sub3A_1302 : vector<4x128x512xf32>
      %mul3A_1304 = arith.mulf %while3A_1254, %exp3A_1300 : vector<4x128x1xf32>
      %reduce_sum3A_1305 = arith.constant dense<0.000000e+00> : vector<4x128xf32>
      %reduce_sum3A_1306 = vector.multi_reduction <add>, %exp3A_1303, %reduce_sum3A_1305 [2] : vector<4x128x512xf32> to vector<4x128xf32>
      %broadcast_in_dim3A_1307 = vector.shape_cast %reduce_sum3A_1306 : vector<4x128xf32> to vector<4x128x1xf32>
      %add3A_1308 = arith.addf %mul3A_1304, %broadcast_in_dim3A_1307 : vector<4x128x1xf32>
      %mul3A_1309 = arith.constant 512 : i32
      %mul3A_1310 = arith.muli %while3A_1252, %mul3A_1309 : i32
      %get3A_1311 = arith.constant 3 : index
      %get3A_1312 = arith.index_cast %mul3A_1310 : i32 to index
      %get3A_1313 = arith.constant 0 : index
      %get3A_1314 = vector.load %arg3[%get3A_1311, %get3A_1312, %get3A_1313] : memref<4x2048x64xf32, #tpu.memory_space<vmem>>, vector<1x512x64xf32>
      %get3A_1315 = vector.shape_cast %get3A_1314 : vector<1x512x64xf32> to vector<512x64xf32>
      %dot_general3A_1316 = arith.constant dense<0.000000e+00> : vector<4x128x64xf32>
      %dot_general3A_1317 = tpu.matmul %exp3A_1303, %get3A_1315, %dot_general3A_1316 {dimension_numbers = #tpu.dot_dimension_numbers<[2], [0], [0, 1], [1], [0, 0, 0, 1, 1, 1], [], []>, transpose_lhs_hint = false} : vector<4x128x512xf32>, vector<512x64xf32>, vector<4x128x64xf32> -> vector<4x128x64xf32>
      %get3A_1318 = arith.constant 0 : index
      %get3A_1319 = arith.constant 0 : index
      %get3A_1320 = arith.constant 0 : index
      %get3A_1321 = vector.load %arg10[%get3A_1318, %get3A_1319, %get3A_1320] : memref<4x128x64xf32, #tpu.memory_space<vmem>>, vector<4x128x64xf32>
      %mul3A_1322 = vector.broadcast %exp3A_1300 : vector<4x128x1xf32> to vector<4x128x64xf32>
      %mul3A_1323 = arith.mulf %get3A_1321, %mul3A_1322 : vector<4x128x64xf32>
      %add3A_1324 = arith.addf %mul3A_1323, %dot_general3A_1317 : vector<4x128x64xf32>
      %swap3A_1325 = arith.constant 0 : index
      %swap3A_1326 = arith.constant 0 : index
      %swap3A_1327 = arith.constant 0 : index
      %swap3A_1328 = vector.load %arg10[%swap3A_1325, %swap3A_1326, %swap3A_1327] : memref<4x128x64xf32, #tpu.memory_space<vmem>>, vector<4x128x64xf32>
      tpu.vector_store %arg10[%swap3A_1325, %swap3A_1326, %swap3A_1327], %add3A_1324 {strides = array<i32>} : memref<4x128x64xf32, #tpu.memory_space<vmem>>, vector<4x128x64xf32>,
      scf.yield %max3A_1298, %add3A_1308 : vector<4x128x1xf32>, vector<4x128x1xf32>
    }
    %get3A_1102 = arith.constant 0 : index
    %get3A_1103 = arith.constant 0 : index
    %get3A_1104 = arith.constant 0 : index
    %get3A_1105 = vector.load %arg10[%get3A_1102, %get3A_1103, %get3A_1104] : memref<4x128x64xf32, #tpu.memory_space<vmem>>, vector<4x128x64xf32>
    %div3A_1106 = vector.broadcast %while3A_1101#1 : vector<4x128x1xf32> to vector<4x128x64xf32>
    %div3A_1107 = arith.divf %get3A_1105, %div3A_1106 : vector<4x128x64xf32>
    %sub3A_1108 = arith.constant 1 : i32
    %sub3A_1109 = arith.subi %arg0, %sub3A_1108 : i32
    %max3A_1110 = arith.constant 0 : i32
    %max3A_1111 = arith.maxsi %sub3A_1109, %max3A_1110 : i32
    %mul3A_1112 = arith.constant 128 : i32
    %mul3A_1113 = arith.muli %max3A_1111, %mul3A_1112 : i32
    %get3A_1114 = arith.constant 3 : index
    %get3A_1115 = arith.index_cast %mul3A_1113 : i32 to index
    %get3A_1116 = arith.constant 0 : index
    %get3A_1117 = vector.load %arg2[%get3A_1114, %get3A_1115, %get3A_1116] : memref<4x2048x64xf32, #tpu.memory_space<vmem>>, vector<1x256x64xf32>
    %get3A_1118 = vector.shape_cast %get3A_1117 : vector<1x256x64xf32> to vector<256x64xf32>
    %get3A_1119 = arith.constant 3 : index
    %get3A_1120 = arith.index_cast %mul3A_1113 : i32 to index
    %get3A_1121 = arith.constant 0 : index
    %get3A_1122 = vector.load %arg3[%get3A_1119, %get3A_1120, %get3A_1121] : memref<4x2048x64xf32, #tpu.memory_space<vmem>>, vector<1x256x64xf32>
    %get3A_1123 = vector.shape_cast %get3A_1122 : vector<1x256x64xf32> to vector<256x64xf32>
    %dot_general3A_1124 = arith.constant dense<0.000000e+00> : vector<4x128x256xf32>
    %dot_general3A_1125 = tpu.matmul %get3A_943, %get3A_1118, %dot_general3A_1124 {dimension_numbers = #tpu.dot_dimension_numbers<[2], [1], [0, 1], [0], [0, 0, 0, 1, 1, 0], [], []>, transpose_lhs_hint = false} : vector<4x128x64xf32>, vector<256x64xf32>, vector<4x128x256xf32> -> vector<4x128x256xf32>
    %mul3A_1126 = arith.constant 1.250000e-01 : f32
    %mul3A_1127 = vector.broadcast %mul3A_1126 : f32 to vector<4x128x256xf32>
    %mul3A_1128 = arith.mulf %dot_general3A_1125, %mul3A_1127 : vector<4x128x256xf32>
    %mul3A_1129 = arith.constant 128 : i32
    %mul3A_1130 = arith.muli %arg0, %mul3A_1129 : i32
    %iota3A_1131 = tpu.iota {dimensions = array<i32: 1>} : vector<4x128x256xi32>
    %add3A_1132 = vector.broadcast %mul3A_1130 : i32 to vector<4x128x256xi32>
    %add3A_1133 = arith.addi %add3A_1132, %iota3A_1131 : vector<4x128x256xi32>
    %iota3A_1134 = tpu.iota {dimensions = array<i32: 2>} : vector<4x128x256xi32>
    %add3A_1135 = vector.broadcast %mul3A_1113 : i32 to vector<4x128x256xi32>
    %add3A_1136 = arith.addi %add3A_1135, %iota3A_1134 : vector<4x128x256xi32>
    %sub3A_1137 = arith.subi %add3A_1133, %add3A_1136 : vector<4x128x256xi32>
    %ge3A_1138 = arith.constant 0 : i32
    %ge3A_1139 = vector.broadcast %ge3A_1138 : i32 to vector<4x128x256xi32>
    %ge3A_1140 = arith.cmpi sge, %sub3A_1137, %ge3A_1139 : vector<4x128x256xi32>
    %lt3A_1141 = arith.constant 16 : i32
    %lt3A_1142 = vector.broadcast %lt3A_1141 : i32 to vector<4x128x256xi32>
    %lt3A_1143 = arith.cmpi slt, %sub3A_1137, %lt3A_1142 : vector<4x128x256xi32>
    %and3A_1144 = arith.andi %ge3A_1140, %lt3A_1143 : vector<4x128x256xi1>
    %jit3A_1145 = arith.constant -1.000000e+09 : f32
    %broadcast_in_dim3A_1146 = vector.broadcast %jit3A_1145 : f32 to vector<4x128x256xf32>
    %select_n3A_1147 = arith.select %and3A_1144, %mul3A_1128, %broadcast_in_dim3A_1146 : vector<4x128x256xi1>, vector<4x128x256xf32>
    %reduce_max3A_1148 = arith.constant dense<0xFF800000> : vector<4x128xf32>
    %reduce_max3A_1149 = vector.multi_reduction <maximumf>, %select_n3A_1147, %reduce_max3A_1148 [2] : vector<4x128x256xf32> to vector<4x128xf32>
    %broadcast_in_dim3A_1150 = vector.shape_cast %reduce_max3A_1149 : vector<4x128xf32> to vector<4x128x1xf32>
    %sub3A_1151 = vector.broadcast %broadcast_in_dim3A_1150 : vector<4x128x1xf32> to vector<4x128x256xf32>
    %sub3A_1152 = arith.subf %select_n3A_1147, %sub3A_1151 : vector<4x128x256xf32>
    %exp3A_1153 = math.exp %sub3A_1152 : vector<4x128x256xf32>
    %reduce_sum3A_1154 = arith.constant dense<0.000000e+00> : vector<4x128xf32>
    %reduce_sum3A_1155 = vector.multi_reduction <add>, %exp3A_1153, %reduce_sum3A_1154 [2] : vector<4x128x256xf32> to vector<4x128xf32>
    %broadcast_in_dim3A_1156 = vector.shape_cast %reduce_sum3A_1155 : vector<4x128xf32> to vector<4x128x1xf32>
    %div3A_1157 = vector.broadcast %broadcast_in_dim3A_1156 : vector<4x128x1xf32> to vector<4x128x256xf32>
    %div3A_1158 = arith.divf %exp3A_1153, %div3A_1157 : vector<4x128x256xf32>
    %dot_general3A_1159 = arith.constant dense<0.000000e+00> : vector<4x128x64xf32>
    %dot_general3A_1160 = tpu.matmul %div3A_1158, %get3A_1123, %dot_general3A_1159 {dimension_numbers = #tpu.dot_dimension_numbers<[2], [0], [0, 1], [1], [0, 0, 0, 1, 1, 1], [], []>, transpose_lhs_hint = false} : vector<4x128x256xf32>, vector<256x64xf32>, vector<4x128x64xf32> -> vector<4x128x64xf32>
    %slice3A_1161 = vector.extract_strided_slice %get3A_1 {offsets = [0, 12], sizes = [128, 1], strides = [1, 1]} : vector<128x48xf32> to vector<128x1xf32>
    %slice3A_1162 = vector.extract_strided_slice %dot_general3A_997 {offsets = [0, 0, 0], sizes = [1, 128, 64], strides = [1, 1, 1]} : vector<4x128x64xf32> to vector<1x128x64xf32>
    %squeeze3A_1163 = vector.shape_cast %slice3A_1162 : vector<1x128x64xf32> to vector<128x64xf32>
    %mul3A_1164 = vector.broadcast %slice3A_1161 : vector<128x1xf32> to vector<128x64xf32>
    %mul3A_1165 = arith.mulf %mul3A_1164, %squeeze3A_1163 : vector<128x64xf32>
    %slice3A_1166 = vector.extract_strided_slice %get3A_1 {offsets = [0, 28], sizes = [128, 1], strides = [1, 1]} : vector<128x48xf32> to vector<128x1xf32>
    %slice3A_1167 = vector.extract_strided_slice %div3A_1107 {offsets = [0, 0, 0], sizes = [1, 128, 64], strides = [1, 1, 1]} : vector<4x128x64xf32> to vector<1x128x64xf32>
    %squeeze3A_1168 = vector.shape_cast %slice3A_1167 : vector<1x128x64xf32> to vector<128x64xf32>
    %mul3A_1169 = vector.broadcast %slice3A_1166 : vector<128x1xf32> to vector<128x64xf32>
    %mul3A_1170 = arith.mulf %mul3A_1169, %squeeze3A_1168 : vector<128x64xf32>
    %add3A_1171 = arith.addf %mul3A_1165, %mul3A_1170 : vector<128x64xf32>
    %slice3A_1172 = vector.extract_strided_slice %get3A_1 {offsets = [0, 44], sizes = [128, 1], strides = [1, 1]} : vector<128x48xf32> to vector<128x1xf32>
    %slice3A_1173 = vector.extract_strided_slice %dot_general3A_1160 {offsets = [0, 0, 0], sizes = [1, 128, 64], strides = [1, 1, 1]} : vector<4x128x64xf32> to vector<1x128x64xf32>
    %squeeze3A_1174 = vector.shape_cast %slice3A_1173 : vector<1x128x64xf32> to vector<128x64xf32>
    %mul3A_1175 = vector.broadcast %slice3A_1172 : vector<128x1xf32> to vector<128x64xf32>
    %mul3A_1176 = arith.mulf %mul3A_1175, %squeeze3A_1174 : vector<128x64xf32>
    %add3A_1177 = arith.addf %add3A_1171, %mul3A_1176 : vector<128x64xf32>
    %swap3A_1178 = arith.constant 0 : index
    %swap3A_1179 = arith.constant 768 : index
    %swap3A_1180 = vector.load %arg11[%swap3A_1178, %swap3A_1179] : memref<128x1024xf32, #tpu.memory_space<vmem>>, vector<128x64xf32>
    tpu.vector_store %arg11[%swap3A_1178, %swap3A_1179], %add3A_1177 {strides = array<i32>} : memref<128x1024xf32, #tpu.memory_space<vmem>>, vector<128x64xf32>,
    %slice3A_1181 = vector.extract_strided_slice %get3A_1 {offsets = [0, 13], sizes = [128, 1], strides = [1, 1]} : vector<128x48xf32> to vector<128x1xf32>
    %slice3A_1182 = vector.extract_strided_slice %dot_general3A_997 {offsets = [1, 0, 0], sizes = [1, 128, 64], strides = [1, 1, 1]} : vector<4x128x64xf32> to vector<1x128x64xf32>
    %squeeze3A_1183 = vector.shape_cast %slice3A_1182 : vector<1x128x64xf32> to vector<128x64xf32>
    %mul3A_1184 = vector.broadcast %slice3A_1181 : vector<128x1xf32> to vector<128x64xf32>
    %mul3A_1185 = arith.mulf %mul3A_1184, %squeeze3A_1183 : vector<128x64xf32>
    %slice3A_1186 = vector.extract_strided_slice %get3A_1 {offsets = [0, 29], sizes = [128, 1], strides = [1, 1]} : vector<128x48xf32> to vector<128x1xf32>
    %slice3A_1187 = vector.extract_strided_slice %div3A_1107 {offsets = [1, 0, 0], sizes = [1, 128, 64], strides = [1, 1, 1]} : vector<4x128x64xf32> to vector<1x128x64xf32>
    %squeeze3A_1188 = vector.shape_cast %slice3A_1187 : vector<1x128x64xf32> to vector<128x64xf32>
    %mul3A_1189 = vector.broadcast %slice3A_1186 : vector<128x1xf32> to vector<128x64xf32>
    %mul3A_1190 = arith.mulf %mul3A_1189, %squeeze3A_1188 : vector<128x64xf32>
    %add3A_1191 = arith.addf %mul3A_1185, %mul3A_1190 : vector<128x64xf32>
    %slice3A_1192 = vector.extract_strided_slice %get3A_1 {offsets = [0, 45], sizes = [128, 1], strides = [1, 1]} : vector<128x48xf32> to vector<128x1xf32>
    %slice3A_1193 = vector.extract_strided_slice %dot_general3A_1160 {offsets = [1, 0, 0], sizes = [1, 128, 64], strides = [1, 1, 1]} : vector<4x128x64xf32> to vector<1x128x64xf32>
    %squeeze3A_1194 = vector.shape_cast %slice3A_1193 : vector<1x128x64xf32> to vector<128x64xf32>
    %mul3A_1195 = vector.broadcast %slice3A_1192 : vector<128x1xf32> to vector<128x64xf32>
    %mul3A_1196 = arith.mulf %mul3A_1195, %squeeze3A_1194 : vector<128x64xf32>
    %add3A_1197 = arith.addf %add3A_1191, %mul3A_1196 : vector<128x64xf32>
    %swap3A_1198 = arith.constant 0 : index
    %swap3A_1199 = arith.constant 832 : index
    %swap3A_1200 = vector.load %arg11[%swap3A_1198, %swap3A_1199] : memref<128x1024xf32, #tpu.memory_space<vmem>>, vector<128x64xf32>
    tpu.vector_store %arg11[%swap3A_1198, %swap3A_1199], %add3A_1197 {strides = array<i32>} : memref<128x1024xf32, #tpu.memory_space<vmem>>, vector<128x64xf32>,
    %slice3A_1201 = vector.extract_strided_slice %get3A_1 {offsets = [0, 14], sizes = [128, 1], strides = [1, 1]} : vector<128x48xf32> to vector<128x1xf32>
    %slice3A_1202 = vector.extract_strided_slice %dot_general3A_997 {offsets = [2, 0, 0], sizes = [1, 128, 64], strides = [1, 1, 1]} : vector<4x128x64xf32> to vector<1x128x64xf32>
    %squeeze3A_1203 = vector.shape_cast %slice3A_1202 : vector<1x128x64xf32> to vector<128x64xf32>
    %mul3A_1204 = vector.broadcast %slice3A_1201 : vector<128x1xf32> to vector<128x64xf32>
    %mul3A_1205 = arith.mulf %mul3A_1204, %squeeze3A_1203 : vector<128x64xf32>
    %slice3A_1206 = vector.extract_strided_slice %get3A_1 {offsets = [0, 30], sizes = [128, 1], strides = [1, 1]} : vector<128x48xf32> to vector<128x1xf32>
    %slice3A_1207 = vector.extract_strided_slice %div3A_1107 {offsets = [2, 0, 0], sizes = [1, 128, 64], strides = [1, 1, 1]} : vector<4x128x64xf32> to vector<1x128x64xf32>
    %squeeze3A_1208 = vector.shape_cast %slice3A_1207 : vector<1x128x64xf32> to vector<128x64xf32>
    %mul3A_1209 = vector.broadcast %slice3A_1206 : vector<128x1xf32> to vector<128x64xf32>
    %mul3A_1210 = arith.mulf %mul3A_1209, %squeeze3A_1208 : vector<128x64xf32>
    %add3A_1211 = arith.addf %mul3A_1205, %mul3A_1210 : vector<128x64xf32>
    %slice3A_1212 = vector.extract_strided_slice %get3A_1 {offsets = [0, 46], sizes = [128, 1], strides = [1, 1]} : vector<128x48xf32> to vector<128x1xf32>
    %slice3A_1213 = vector.extract_strided_slice %dot_general3A_1160 {offsets = [2, 0, 0], sizes = [1, 128, 64], strides = [1, 1, 1]} : vector<4x128x64xf32> to vector<1x128x64xf32>
    %squeeze3A_1214 = vector.shape_cast %slice3A_1213 : vector<1x128x64xf32> to vector<128x64xf32>
    %mul3A_1215 = vector.broadcast %slice3A_1212 : vector<128x1xf32> to vector<128x64xf32>
    %mul3A_1216 = arith.mulf %mul3A_1215, %squeeze3A_1214 : vector<128x64xf32>
    %add3A_1217 = arith.addf %add3A_1211, %mul3A_1216 : vector<128x64xf32>
    %swap3A_1218 = arith.constant 0 : index
    %swap3A_1219 = arith.constant 896 : index
    %swap3A_1220 = vector.load %arg11[%swap3A_1218, %swap3A_1219] : memref<128x1024xf32, #tpu.memory_space<vmem>>, vector<128x64xf32>
    tpu.vector_store %arg11[%swap3A_1218, %swap3A_1219], %add3A_1217 {strides = array<i32>} : memref<128x1024xf32, #tpu.memory_space<vmem>>, vector<128x64xf32>,
    %slice3A_1221 = vector.extract_strided_slice %get3A_1 {offsets = [0, 15], sizes = [128, 1], strides = [1, 1]} : vector<128x48xf32> to vector<128x1xf32>
    %slice3A_1222 = vector.extract_strided_slice %dot_general3A_997 {offsets = [3, 0, 0], sizes = [1, 128, 64], strides = [1, 1, 1]} : vector<4x128x64xf32> to vector<1x128x64xf32>
    %squeeze3A_1223 = vector.shape_cast %slice3A_1222 : vector<1x128x64xf32> to vector<128x64xf32>
    %mul3A_1224 = vector.broadcast %slice3A_1221 : vector<128x1xf32> to vector<128x64xf32>
    %mul3A_1225 = arith.mulf %mul3A_1224, %squeeze3A_1223 : vector<128x64xf32>
    %slice3A_1226 = vector.extract_strided_slice %get3A_1 {offsets = [0, 31], sizes = [128, 1], strides = [1, 1]} : vector<128x48xf32> to vector<128x1xf32>
    %slice3A_1227 = vector.extract_strided_slice %div3A_1107 {offsets = [3, 0, 0], sizes = [1, 128, 64], strides = [1, 1, 1]} : vector<4x128x64xf32> to vector<1x128x64xf32>
    %squeeze3A_1228 = vector.shape_cast %slice3A_1227 : vector<1x128x64xf32> to vector<128x64xf32>
    %mul3A_1229 = vector.broadcast %slice3A_1226 : vector<128x1xf32> to vector<128x64xf32>
    %mul3A_1230 = arith.mulf %mul3A_1229, %squeeze3A_1228 : vector<128x64xf32>
    %add3A_1231 = arith.addf %mul3A_1225, %mul3A_1230 : vector<128x64xf32>
    %slice3A_1232 = vector.extract_strided_slice %get3A_1 {offsets = [0, 47], sizes = [128, 1], strides = [1, 1]} : vector<128x48xf32> to vector<128x1xf32>
    %slice3A_1233 = vector.extract_strided_slice %dot_general3A_1160 {offsets = [3, 0, 0], sizes = [1, 128, 64], strides = [1, 1, 1]} : vector<4x128x64xf32> to vector<1x128x64xf32>
    %squeeze3A_1234 = vector.shape_cast %slice3A_1233 : vector<1x128x64xf32> to vector<128x64xf32>
    %mul3A_1235 = vector.broadcast %slice3A_1232 : vector<128x1xf32> to vector<128x64xf32>
    %mul3A_1236 = arith.mulf %mul3A_1235, %squeeze3A_1234 : vector<128x64xf32>
    %add3A_1237 = arith.addf %add3A_1231, %mul3A_1236 : vector<128x64xf32>
    %swap3A_1238 = arith.constant 0 : index
    %swap3A_1239 = arith.constant 960 : index
    %swap3A_1240 = vector.load %arg11[%swap3A_1238, %swap3A_1239] : memref<128x1024xf32, #tpu.memory_space<vmem>>, vector<128x64xf32>
    tpu.vector_store %arg11[%swap3A_1238, %swap3A_1239], %add3A_1237 {strides = array<i32>} : memref<128x1024xf32, #tpu.memory_space<vmem>>, vector<128x64xf32>,
    %get3A_1241 = arith.constant 0 : index
    %get3A_1242 = arith.constant 0 : index
    %get3A_1243 = vector.load %arg11[%get3A_1241, %get3A_1242] : memref<128x1024xf32, #tpu.memory_space<vmem>>, vector<128x1024xf32>
    %get3A_1244 = arith.constant 0 : index
    %get3A_1245 = arith.constant 0 : index
    %get3A_1246 = vector.load %arg8[%get3A_1244, %get3A_1245] : memref<1024x1024xf32, #tpu.memory_space<vmem>>, vector<1024x1024xf32>
    %dot_general3A_1247 = arith.constant dense<0.000000e+00> : vector<128x1024xf32>
    %dot_general3A_1248 = tpu.matmul %get3A_1243, %get3A_1246, %dot_general3A_1247 {dimension_numbers = #tpu.dot_dimension_numbers<[1], [0], [0], [1], [0, 0, 1, 1], [], []>, transpose_lhs_hint = false} : vector<128x1024xf32>, vector<1024x1024xf32>, vector<128x1024xf32> -> vector<128x1024xf32>
    %swap3A_1249 = arith.constant 0 : index
    %swap3A_1250 = arith.constant 0 : index
    %swap3A_1251 = vector.load %arg9[%swap3A_1249, %swap3A_1250] : memref<128x1024xf32, #tpu.memory_space<vmem>>, vector<128x1024xf32>
    tpu.vector_store %arg9[%swap3A_1249, %swap3A_1250], %dot_general3A_1248 {strides = array<i32>} : memref<128x1024xf32, #tpu.memory_space<vmem>>, vector<128x1024xf32>,
    return
  }
  func.func @transform_0(%arg0: i32) -> (i32, i32, i32) {
    %c0_i32 = arith.constant 0 : i32
    %c0_i32_0 = arith.constant 0 : i32
    %c0_i32_1 = arith.constant 0 : i32
    return %c0_i32, %arg0, %c0_i32_0 : i32, i32, i32
  }
  func.func @transform_1(%arg0: i32) -> (i32, i32, i32) {
    %c0_i32 = arith.constant 0 : i32
    %c0_i32_0 = arith.constant 0 : i32
    %c0_i32_1 = arith.constant 0 : i32
    %c0_i32_2 = arith.constant 0 : i32
    return %c0_i32, %c0_i32_0, %c0_i32_1 : i32, i32, i32
  }
  func.func @transform_2(%arg0: i32) -> (i32, i32, i32) {
    %c0_i32 = arith.constant 0 : i32
    %c0_i32_0 = arith.constant 0 : i32
    %c0_i32_1 = arith.constant 0 : i32
    %c0_i32_2 = arith.constant 0 : i32
    return %c0_i32, %c0_i32_0, %c0_i32_1 : i32, i32, i32
  }
  func.func @transform_3(%arg0: i32) -> (i32, i32, i32) {
    %c0_i32 = arith.constant 0 : i32
    %c0_i32_0 = arith.constant 0 : i32
    %c0_i32_1 = arith.constant 0 : i32
    %c0_i32_2 = arith.constant 0 : i32
    return %c0_i32, %c0_i32_0, %c0_i32_1 : i32, i32, i32
  }
  func.func @transform_4(%arg0: i32) -> (i32, i32, i32) {
    %c0_i32 = arith.constant 0 : i32
    %c0_i32_0 = arith.constant 0 : i32
    %c0_i32_1 = arith.constant 0 : i32
    %c0_i32_2 = arith.constant 0 : i32
    return %c0_i32, %c0_i32_0, %c0_i32_1 : i32, i32, i32
  }
  func.func @transform_5(%arg0: i32) -> (i32, i32) {
    %c0_i32 = arith.constant 0 : i32
    %c0_i32_0 = arith.constant 0 : i32
    %c0_i32_1 = arith.constant 0 : i32
    return %c0_i32, %c0_i32_0 : i32, i32
  }
  func.func @transform_6(%arg0: i32) -> (i32, i32) {
    %c0_i32 = arith.constant 0 : i32
    %c0_i32_0 = arith.constant 0 : i32
    return %arg0, %c0_i32 : i32, i32
  }
  func.func @transform_7(%arg0: i32) -> (i32, i32) {
    %c0_i32 = arith.constant 0 : i32
    %c0_i32_0 = arith.constant 0 : i32
    %c0_i32_1 = arith.constant 0 : i32
    return %c0_i32, %c0_i32_0 : i32, i32
  }
  func.func @transform_8(%arg0: i32) -> (i32, i32) {
    %c0_i32 = arith.constant 0 : i32
    %c0_i32_0 = arith.constant 0 : i32
    return %arg0, %c0_i32 : i32, i32
  }
}

</mosaic_0001>

<sc_bundles>
// kernel: gather_offload_async_start.1
scs
__scs_entry_jumppad:
0x0: {  	(pc) =	sbr.rel $0x88, $3  }
0x1: {  	(tag) =	ssettag $0x0;
	lr =	simm.s32 $0x1  }
0x2: {  	[smem:$0x3F94] =	sst lr;
	_ =	strace $0xD0000000  }
0x3: {  	_ = 	snop  }
0x4: {  	_ = 	snop  }
0x5: {  	_ = 	snop  }
0x6: {  	_ = 	snop  }
0x7: {  	_ = 	snop  }
__scs_overlays_trampoline_lowered:
0x8: {  	[smem:$0x3FA3] =	sst s0  }
0x9: {  	[smem:$0x3FA4] =	sst s1  }
0xa: {  	[smem:$0x3FA5] =	sst s2  }
0xb: {  	[smem:$0x3FA6] =	sst s3  }
0xc: {  	[smem:$0x3FA7] =	sst s4  }
0xd: {  	[smem:$0x3FA8] =	sst s5  }
0xe: {  	[smem:$0x3FA9] =	sst s6  }
0xf: {  	[smem:$0x3FAA] =	sst s7  }
0x10: {  	[smem:$0x3FAB] =	sst s8  }
0x11: {  	[smem:$0x3FAC] =	sst s9;
	s0 =	simm.s32 @!p0 $0x0  }
0x12: {  	s1 =	sld [smem:$0x3F92];
	s0 =	simm.s32 @p0 $0x1  }
0x13: {  	[smem:$0x3FAD] =	sst s0;
	s0 =	simm.s32 @!p1 $0x0  }
0x14: {  	s2 =	sld [smem:$0x3F91];
	s0 =	simm.s32 @p1 $0x1  }
0x15: {  	[smem:$0x3FAE] =	sst s0;
	s0 =	simm.s32 @!p2 $0x0  }
0x16: {  	s3 =	sld [smem:$0x3FDB];
	s0 =	simm.s32 @p2 $0x1  }
0x17: {  	s4 =	simm.s32 $0x1BF5;
	[smem:$0x3FB0] =	sst s0  }
0x18: {  	s0 =	sld [smem:$0x3F93];
	_ =	swait.ge [sflag:s4], $0x0  }
0x19: {  	s7 =	sld [smem:$0x3F94]  }
0x1a: {  	s8 =	sadd.s32 $0xFFFFE003, lr  }
0x1b: {  	s9 =	sadd.s32 $0xFFFFFEF7, lr;
	s5 =	simm.s32 $0xFFFFFFFF;
	p2 =	slt.u32 s8, $0xFFFFF086  }
0x1c: {  	p1 =	slt.u32 s9, $0xF7A;
	s5 =	simm.s32 @!p2 $0x0  }
0x1d: {  	s5 =	simm.s32 @p1 $0x1;
	p0 =	seq.s32 s7, s2  }
0x1e: {  	s7 =	smul.u32 @!p0 $0xF7A, s2;
	p2 =	seq.s32 @!p0 s5, $0x0  }
0x1f: {  	s9 =	smul.u32 $0xF7A, s1;
	s8 =	simm.s32 @!p0 $0x1BF5;
	p2 =	por !p2, p0  }
0x20: {  	[sflag:s8] =	ssyncset.s32 @!p0 $0xFFFFF086;
	s6 =	sadd.s32 @!p0 s3, s7;
	s7 =	simm.s32 @!p0 $0x108  }
0x21: {  	s3 =	sadd.s32 s3, s9;
	s6 =	sadd.s32 @!p0 $0x88, s6;
	s7 =	simm.s32 @p2 $0x1082  }
0x22: {  	[simem:s7], [sflag:s8] =	dma.local @!p0 [hbm:s6], $0xF7A  }
0x23: {  	s9 =	sor.u32 $0xD0000000, s2;
	s6 =	simm.s32 $0x108;
	_ =	swait.ge @!p0 [sflag:s8], $0x0  }
0x24: {  	s3 =	sadd.s32 $0x88, s3;
	s6 =	simm.s32 @!p1 $0x1082;
	[sflag:s4] =	ssyncset.s32 $0xFFFFF086  }
0x25: {  	[simem:s6], [sflag:s4] =	dma.local [hbm:s3], $0xF7A  }
0x26: {  	[smem:$0x3F94] =	sst s1;
	(tag) =	ssettag s2;
	_ =	strace s9  }
0x27: {  	s1 =	sld [smem:$0x3FA4]  }
0x28: {  	s2 =	sld [smem:$0x3FA5]  }
0x29: {  	s4 =	sld [smem:$0x3FA7]  }
0x2a: {  	p0 =	seq.s32 s5, $0x0;
	s5 =	sld [smem:$0x3FA8]  }
0x2b: {  	s6 =	sld [smem:$0x3FA9]  }
0x2c: {  	s7 =	sld [smem:$0x3FAA]  }
0x2d: {  	s3 =	simm.s32 $0x108;
	s8 =	sld [smem:$0x3FAB]  }
0x2e: {  	s3 =	simm.s32 @!p0 $0x1082;
	s9 =	sld [smem:$0x3FAC]  }
0x2f: {  	lr =	sadd.s32 s0, s3;
	s0 =	sld [smem:$0x3FA3]  }
0x30: {  	s3 =	sld [smem:$0x3FA6]  }
0x31: {  	[smem:$0x3FAF] =	sst s10  }
0x32: {  	s10 =	sld [smem:$0x3FAD];
	_ =	sdelay $0x3  }
0x33: {  	p0 =	seq.s32 s10, $0x1;
	s10 =	sld [smem:$0x3FAF];
	_ =	sdelay $0x3  }
0x34: {  	[smem:$0x3FAF] =	sst s10  }
0x35: {  	s10 =	sld [smem:$0x3FAE];
	_ =	sdelay $0x3  }
0x36: {  	p1 =	seq.s32 s10, $0x1;
	s10 =	sld [smem:$0x3FAF];
	_ =	sdelay $0x3  }
0x37: {  	[smem:$0x3FAF] =	sst s10  }
0x38: {  	s10 =	sld [smem:$0x3FB0]  }
0x39: {  	_ = 	snop;
	(pc) =	sbr.ind lr, $3  }
0x3a: {  	_ = 	snop  }
0x3b: {  	_ = 	snop  }
0x3c: {  	p2 =	seq.s32 s10, $0x1;
	s10 =	sld [smem:$0x3FAF]  }
0x3d: {  	_ =	shalt  }
0x3e: {  	_ =	shalt  }
0x3f: {  	_ =	shalt  }
0x40: {  	_ =	shalt  }
0x41: {  	_ =	shalt  }
0x42: {  	_ =	shalt  }
0x43: {  	_ =	shalt  }
0x44: {  	_ =	shalt  }
0x45: {  	_ =	shalt  }
0x46: {  	_ =	shalt  }
0x47: {  	_ =	shalt  }
0x48: {  	_ =	shalt  }
0x49: {  	_ =	shalt  }
0x4a: {  	_ =	shalt  }
0x4b: {  	_ =	shalt  }
0x4c: {  	_ =	shalt  }
0x4d: {  	_ =	shalt  }
0x4e: {  	_ =	shalt  }
0x4f: {  	_ =	shalt  }
0x50: {  	_ =	shalt  }
0x51: {  	_ =	shalt  }
0x52: {  	_ =	shalt  }
0x53: {  	_ =	shalt  }
0x54: {  	_ =	shalt  }
0x55: {  	_ =	shalt  }
0x56: {  	_ =	shalt  }
0x57: {  	_ =	shalt  }
0x58: {  	_ =	shalt  }
0x59: {  	_ =	shalt  }
0x5a: {  	_ =	shalt  }
0x5b: {  	_ =	shalt  }
0x5c: {  	_ =	shalt  }
0x5d: {  	_ =	shalt  }
0x5e: {  	_ =	shalt  }
0x5f: {  	_ =	shalt  }
0x60: {  	_ =	shalt  }
0x61: {  	_ =	shalt  }
0x62: {  	_ =	shalt  }
0x63: {  	_ =	shalt  }
0x64: {  	_ =	shalt  }
0x65: {  	_ =	shalt  }
0x66: {  	_ =	shalt  }
0x67: {  	_ =	shalt  }
0x68: {  	_ =	shalt  }
0x69: {  	_ =	shalt  }
0x6a: {  	_ =	shalt  }
0x6b: {  	_ =	shalt  }
0x6c: {  	_ =	shalt  }
0x6d: {  	_ =	shalt  }
0x6e: {  	_ =	shalt  }
0x6f: {  	_ =	shalt  }
0x70: {  	_ =	shalt  }
0x71: {  	_ =	shalt  }
0x72: {  	_ =	shalt  }
0x73: {  	_ =	shalt  }
0x74: {  	_ =	shalt  }
0x75: {  	_ =	shalt  }
0x76: {  	_ =	shalt  }
0x77: {  	_ =	shalt  }
0x78: {  	_ =	shalt  }
0x79: {  	_ =	shalt  }
0x7a: {  	_ =	shalt  }
0x7b: {  	_ =	shalt  }
0x7c: {  	_ =	shalt  }
0x7d: {  	_ =	shalt  }
0x7e: {  	_ =	shalt  }
0x7f: {  	_ =	shalt  }
0x80: {  	_ =	shalt  }
0x81: {  	_ =	shalt  }
0x82: {  	_ =	shalt  }
0x83: {  	_ =	shalt  }
0x84: {  	_ =	shalt  }
0x85: {  	_ =	shalt  }
0x86: {  	_ =	shalt  }
0x87: {  	_ =	shalt  }
.Lfunc_end0:
.L_simem_size_0:
called_computation.1_lowered:
.L_overlay_start_0:
0x88: {  	s2 =	sld [smem:$0x3FD9]  }
0x89: {  	s3 =	sld [smem:$0x3FFE];
	_ =	sdelay $0x1  }
0x8a: {  	s1 =	srdreg.scid  }
0x8b: {  	s0 =	sand.u32 $0x1, s1  }
0x8c: {  	s17 =	sshll.u32 s0, $0xA;
	s2 =	sadd.s32 s3, s2  }
0x8d: {  	s2 =	sadd.s32 s2, s17  }
0x8e: {  	[smem:$0x3FBB] =	sst s2  }
0x8f: {  	_ = 	snop  }
0x90: {  	(tm) =	ssettm $0x1  }
0x91: {  	s18 =	sld [smem:$0x3FFB];
	_ =	sdelay $0x3  }
0x92: {  	_ =	strace s18  }
0x93: {  	s2 =	sld [smem:$0x3FFC];
	_ =	sdelay $0x3  }
0x94: {  	_ =	strace s2  }
0x95: {  	s2 =	sld [smem:$0x3FFD];
	_ =	sdelay $0x3  }
0x96: {  	_ =	strace s2  }
0x97: {  	_ =	strace $0x8FFFFFFF  }
0x98: {  	s19 =	sld [smem:$0x3FDB];
	_ =	sdelay $0x1  }
0x99: {  	s20 =	simm.s32 $_scs_section_size  }
0x9a: {  	s4 =	simm.s32 $_size__tile_overlayer_lowered;
	s5 =	simm.s32 $_tile_overlayer_lowered  }
0x9b: {  	s6 =	simm.s32 $0x1BFF;
	s21 =	sshll.u32 s5, $0x1;
	s3 =	sadd.s32 s20, s19  }
0x9c: {  	s22 =	simm.s32 $0x0;
	s4 =	sshll.u32 s4, $0x1;
	s5 =	sadd.s32 s21, s3  }
0x9d: {  	[timem:s22], [sflag:s6] =	dma.local [hbm:s5], s4  }
0x9e: {  	_ =	swait.ge [sflag:s6], s4  }
0x9f: {  	s4 =	ssub.s32 $0x0, s4;
	[sflag:s6] =	ssyncset.done $0x0  }
0xa0: {  	[sflag:s6] =	ssyncadd.s32 s4;
	_ =	sdelay $0x1  }
0xa1: {  	s23 =	simm.s32 $0x1B8B  }
0xa2: {  	_ =	swait.ge [sflag:s23], $0x1  }
0xa3: {  	[sflag:s23] =	ssyncset.done $0x0  }
0xa4: {  	[sflag:s23] =	ssyncadd.s32 $0xFFFFFFFF  }
0xa5: {  	s4 =	sld [smem:$0x0]  }
0xa6: {  	s5 =	sand.u32 $0xFFFFFFFE, s1  }
0xa7: {  	p0 =	sne.s32 s1, s5  }
0xa8: {  	s5 =	sshll.u32 @p0 s5, $0xE  }
0xa9: {  	s5 =	sadd.s32 @p0 $0x11B8D, s5;
	s6 =	sshll.u32 @p0 s4, $0x11  }
0xaa: {  	s5 =	sor.u32 @p0 s6, s5  }
0xab: {  	[sflag:s5] =	ssyncadd.remote.s32 @p0 $0x1;
	_ =	sdelay $0x1  }
0xac: {  	s5 =	simm.s32 @p0 $0x1B8D  }
0xad: {  	_ =	swait.eq @p0 [sflag:s5], $0x1  }
0xae: {  	[sflag:s5] =	ssyncadd.s32 @p0 $0xFFFFFFFF  }
0xaf: {  	s6 =	sshll.u32 @!p0 s1, $0xE  }
0xb0: {  	s6 =	sor.u32 @!p0 $0x4000, s6;
	s5 =	simm.s32 @!p0 $0x1B8D  }
0xb1: {  	s4 =	sshll.u32 @!p0 s4, $0x11;
	s6 =	sadd.s32 @!p0 $0x11B8D, s6;
	_ =	swait.eq @!p0 [sflag:s5], $0x1  }
0xb2: {  	s4 =	sor.u32 @!p0 s4, s6;
	[sflag:s5] =	ssyncadd.s32 @!p0 $0xFFFFFFFF  }
0xb3: {  	s25 =	simm.s32 $0x1B8E;
	s24 =	sld [smem:$0x3FFE];
	[sflag:s4] =	ssyncadd.remote.s32 @!p0 $0x1  }
0xb4: {  	s26 =	simm.s32 $execute0_lowered;
	[smem:$0x3FD2] =	sst s25  }
0xb5: {  	s5 =	sshll.u32 s26, $0x1;
	_ =	strace $0x80000049;
	[dreg:$0x1] =	wrdreg $0xFFFFFFFF  }
0xb6: {  	s28 =	simm.s32 $_size_execute0_lowered;
	s3 =	sadd.s32 s3, s5;
	[dreg:$0x0] =	wrdreg $0x0  }
0xb7: {  	s5 =	sshll.u32 s28, $0x1;
	[dreg:$0x2] =	wrdreg s3  }
0xb8: {  	[dreg:$0x3] =	wrdreg s5  }
0xb9: {  	[dreg:$0x4] =	wrdreg $0xC0  }
0xba: {  	_ =	task [dreg:s22], $0x5FFFF  }
0xbb: {  	[dreg:$0x1] =	wrdreg $0xFFFFFFFF  }
0xbc: {  	[dreg:$0x0] =	wrdreg $0x60  }
0xbd: {  	[dreg:$0x2] =	wrdreg s24  }
0xbe: {  	[dreg:$0x3] =	wrdreg $0xA  }
0xbf: {  	_ =	task.clear_ibuf [dreg:s22], $0x4FFFF;
	_ =	strace $0x90000049  }
0xc0: {  	s29 =	simm.s32 $0xA;
	_ =	strace $0x8000004B  }
0xc1: {  	_ =	swait.ge [sflag:s29], $0x1  }
0xc2: {  	[sflag:s29] =	ssyncadd.s32 $0xFFFFFFFF  }
0xc3: {  	_ =	strace $0x9000004B  }
0xc4: {  	_ =	sfence  }
0xc5: {  	s30 =	sld [smem:$0x0];
	_ =	sdelay $0x2  }
0xc6: {  	s31 =	sshll.u32 s1, $0xD;
	s1 =	sshrl.u32 s1, $0x2  }
0xc7: {  	s4 =	sand.u32 $0x4000, s31;
	s1 =	sadd.s32 s1, s30  }
0xc8: {  	s0 =	sor.u32 s4, s0;
	s1 =	sshll.u32 s1, $0x11  }
0xc9: {  	s0 =	sor.u32 s1, s0  }
0xca: {  	s0 =	sadd.s32 $0x8F2B, s0  }
0xcb: {  	[sflag:s0] =	ssyncadd.remote.s32 $0x1  }
0xcc: {  	_ =	sfence.sel $0xFFFF  }
0xcd: {  	[dreg:$0x0] =	wrdreg $0xFFFFFFFF;
	(pc) =	sbr.abs _section_cstart, $3  }
0xce: {  	[dreg:$0x1] =	wrdreg $0xFFFFFFFF  }
0xcf: {  	_ =	task.clear_ibuf [dreg:s22], $0x2FFFF;
	_ =	strace $0x9FFFFFFF  }
0xd0: {  	(tm) =	ssettm $0x7FFFFFFF  }
0xd1: {  	_ =	shalt  }
tec
execute0_lowered:
.L_overlay_start_1:
0x0: {  	(tag) =	ssettag $0x1  }
0x1: {  	s7 =	rddreg [dreg:$0x0]  }
0x2: {  	s0 =	rddreg [dreg:$0x1];
	_ =	strace $0x8000004A  }
0x3: {  	s1 =	srdreg.scid;
	s4 =	simm.s32 $0x1;
	s9 =	simm.s32 $0x3  }
0x4: {  	s12 =	simm.s32 $0x0;
	s10 =	simm.s32 $0x0;
	s5 =	sshll.u32 s1, $0x4  }
.Ltmp0:
0x5: {  	s1 =	stileid.u32;
	s5 =	sand.u32 $0x10, s5;
	(pc) =	sbr.rel .LBB2_1-.Ltmp0, $4  }
0x6: {  	s2 =	sadd.s32 $0x2E00, s7;
	s3 =	sadd.s32 $0x2C00, s7;
	s6 =	sor.u32 s1, s5  }
0x7: {  	[sflag:s4] =	ssyncpa.u1 $0x0;
	s5 =	simm.s32 $0x2;
	s6 =	sshll.u32 s6, $0x7  }
0x8: {  	s7 =	sadd.s32 $0x22E00, s7;
	[sflag:s5] =	ssyncpa.u1 $0x0;
	s8 =	sadd.s32 $0x80, s6  }
0x9: {  	vm0 =	vmmov $0xff;
	vm1 =	vcmask $0x3F20;
	[sflag:s9] =	ssyncpa.u1 $0x0;
	s9 =	simm.s32 $0x80;
	s11 =	smov.u32 s6  }
.LBB2_9:
0xa: {  	p0 =	seq.s32 s10, $0x2  }
.Ltmp1:
0xb: {  	_ = 	snop;
	(pc) =	sbr.rel @p0 .LBB2_11-.Ltmp1, $1  }
0xc: {  	_ =	sdelay $0x3  }
.LBB2_10:
0xd: {  	s12 =	sadd.s32 $0x80, s11  }
0xe: {  	s13 =	smov.u32 s6;
	p0 =	slt.s32 s12, s8  }
0xf: {  	s13 =	smov.u32 @p0 s12  }
0x10: {  	s10 =	sadd.s32 $0x1, s10;
	s12 =	smov.u32 s11;
	s11 =	smov.u32 s13  }
.LBB2_1:
0x11: {  	p0 =	sne.s32 s10, $0x0  }
.Ltmp2:
0x12: {  	_ = 	snop;
	(pc) =	sbr.rel @!p0 .LBB2_2-.Ltmp2, $1  }
0x13: {  	_ =	sdelay $0x3  }
0x14: {  	s13 =	sand.u32 $0x1, s10  }
0x15: {  	p0 =	seq.s32 s13, $0x0  }
.Ltmp3:
0x16: {  	_ = 	snop;
	(pc) =	sbr.rel @p0 .LBB2_9-.Ltmp3, $1  }
0x17: {  	_ =	sdelay $0x3  }
0x18: {  	_ =	swait.ge [sflag:s5], $0x80  }
0x19: {  	[sflag:s5] =	ssyncset.done $0x0  }
0x1a: {  	s13 =	simm.s32 $0x0;
	[sflag:s5] =	ssyncadd.s32 $0xFFFFFF80  }
0x1b: {  	v0 =	vld.msk [tilespmem:s13+$0x80 ss:$0x1], $0xffff;
	_ =	sdelay $0x4  }
0x1c: {  	vm2 =	vgt.s32 v0, $0x0  }
0x1d: {  	v0 =	vnsel vm2, $0x0, v0  }
0x1e: {  	v0 =	vmin.u32 v0, $0xFFF  }
0x1f: {  	v0 =	vshll.u32 v0, $0x4;
	_ =	sdelay $0x3  }
0x20: {  	s13 =	simm.s32 $0x4100  }
0x21: {  	[tilespmem:s13], [sflag:$0x1] =	stream.indirect_vreg.gather [hbm:s2], $0x80, v0, vm0, $0x38;
	[tilespmem:$0x8100] =	vst v63  }
0x22: {  	s14 =	simm.s32 $0x4500;
	s31 =	simm.s32 $0x10  }
0x23: {  	[tilespmem:s14], [sflag:$0x1] =	stream.indirect_vreg.gather [hbm:s2], $0x80, v0, vm1, $0x38;
	[tilespmem:$0x8100] =	vst v63  }
0x24: {  	s14 =	simm.s32 $0x80;
	v0 =	vld.msk [tilespmem:s31+$0x80 ss:$0x1], $0xffff  }
.LBB2_5:
0x25: {  	p0 =	sne.s32 s14, $0x1C0;
	_ =	sdelay $0x4  }
0x26: {  	vm2 =	vgt.s32 v0, $0x0  }
0x27: {  	v0 =	vnsel vm2, $0x0, v0  }
0x28: {  	v0 =	vmin.u32 v0, $0xFFF  }
0x29: {  	v0 =	vshll.u32 v0, $0x4;
	_ =	sdelay $0x3  }
.Ltmp4:
0x2a: {  	s13 =	sadd.s32 $0x800, s13;
	(pc) =	sbr.rel @p0 .LBB2_5-.Ltmp4, $4  }
0x2b: {  	[tilespmem:s13], [sflag:$0x1] =	stream.indirect_vreg.gather [hbm:s2], $0x80, v0, vm0, $0x38;
	[tilespmem:$0x8100] =	vst v63  }
0x2c: {  	s15 =	sshra.s32 s14, $0x2;
	s16 =	sadd.s32 $0x400, s13  }
0x2d: {  	[tilespmem:s16], [sflag:$0x1] =	stream.indirect_vreg.gather [hbm:s2], $0x80, v0, vm1, $0x38;
	[tilespmem:$0x8100] =	vst v63  }
0x2e: {  	s14 =	sadd.s32 $0x40, s14;
	v0 =	vld.msk [tilespmem:s15+$0x80 ss:$0x1], $0xffff  }
0x2f: {  	_ =	sdelay $0x3  }
0x30: {  	vm2 =	vgt.s32 v0, $0x0  }
0x31: {  	v0 =	vnsel vm2, $0x0, v0  }
0x32: {  	v0 =	vmin.u32 v0, $0xFFF  }
0x33: {  	v0 =	vshll.u32 v0, $0x4;
	_ =	sdelay $0x3  }
0x34: {  	s13 =	sadd.s32 $0x800, s13  }
0x35: {  	[tilespmem:s13], [sflag:$0x1] =	stream.indirect_vreg.gather [hbm:s2], $0x80, v0, vm0, $0x38;
	[tilespmem:$0x8100] =	vst v63  }
0x36: {  	s13 =	sadd.s32 $0x400, s13  }
0x37: {  	[tilespmem:s13], [sflag:$0x1] =	stream.indirect_vreg.gather [hbm:s2], $0x80, v0, vm1, $0x38;
	[tilespmem:$0x8100] =	vst v63  }
0x38: {  	s12 =	sshll.u32 s12, $0x4;
	s14 =	simm.s32 $0x80;
	_ =	swait.ge [sflag:s4], $0x4000  }
0x39: {  	s15 =	simm.s32 $0x4500;
	s12 =	sadd.s32 s12, s7;
	[sflag:s4] =	ssyncset.done $0x0  }
0x3a: {  	s16 =	sadd.s32 $0x0, s12;
	s13 =	simm.s32 $0x4100;
	[sflag:s4] =	ssyncadd.s32 $0xFFFFC000  }
.LBB2_7:
0x3b: {  	[hbm:s16] =	stream.linear.scatter [tilespmem:s13], [sflag:$0x3], $0x400, $0x38;
	[tilespmem:$0x8100] =	vst v63  }
0x3c: {  	s16 =	smov.u32 s14;
	s13 =	smov.u32 s15;
	p0 =	sne.s32 s14, $0x780  }
.Ltmp5:
0x3d: {  	s14 =	sadd.s32 $0x80, s14;
	(pc) =	sbr.rel @p0 .LBB2_7-.Ltmp5, $2  }
0x3e: {  	_ =	sdelay $0x2  }
0x3f: {  	s15 =	sadd.s32 $0x400, s15;
	s16 =	sadd.s32 s16, s12  }
.Ltmp6:
0x40: {  	(pc) =	sbr.rel .LBB2_9-.Ltmp6, $2  }
0x41: {  	_ =	sdelay $0x2  }
0x42: {  	[hbm:s16] =	stream.linear.scatter [tilespmem:s13], [sflag:$0x3], $0x400, $0x38;
	[tilespmem:$0x8100] =	vst v63  }
.LBB2_2:
.Ltmp7:
0x43: {  	(pc) =	sbr.rel .LBB2_10-.Ltmp7, $4  }
0x44: {  	_ = 	snop  }
0x45: {  	s12 =	sshrl.u32 s11, $0x3  }
0x46: {  	s13 =	sand.u32 $0x7, s11;
	s12 =	sadd.s32 s3, s12  }
0x47: {  	[tilespmem:s9], [sflag:$0x2] =	stream.linear.gather [hbm4b:s12+s13], $0x80, $0x38;
	[tilespmem:$0x8100] =	vst v63  }
.LBB2_11:
0x48: {  	s2 =	simm.s32 $0x3  }
0x49: {  	_ =	swait.ge [sflag:s2], $0x4000  }
0x4a: {  	[sflag:s2] =	ssyncset.done $0x0  }
0x4b: {  	[sflag:s2] =	ssyncadd.s32 $0xFFFFC000  }
0x4c: {  	_ =	sfence.sel $0x180000  }
0x4d: {  	s3 =	simm.s32 $0x2;
	[bflag:$0x0] =	sbarrier.arrive $0xFFFF  }
0x4e: {  	[sflag:s3] =	ssyncpa.u1 $0x1  }
0x4f: {  	s31 =	simm.s32 $0x1;
	[sflag:s2] =	ssyncpa.u1 $0x1  }
0x50: {  	[sflag:s31] =	ssyncpa.u1 $0x1  }
0x51: {  	p0 =	sne.s32 s1, $0x0;
	_ =	strace $0x9000004A  }
0x52: {  	s0 =	sadd.s32 @!p0 $0x100000, s0;
	[bflag:$0x2] =	sbarrier.arrive $0xFFFF  }
0x53: {  	[sflag:s0] =	ssyncadd.tile.s32 @!p0 $0x1;
	_ =	shalt  }
.Lfunc_end2:
_tile_overlayer_lowered:
.L_overlay_start_2:
0x54: {  	(tag) =	ssettag $0x2  }
0x55: {  	s0 =	rddreg [dreg:$0x0];
	s2 =	stileid.u32  }
0x56: {  	s1 =	rddreg [dreg:$0x1];
	p0 =	sne.s32 s2, $0x0  }
0x57: {  	s3 =	rddreg [dreg:$0x2];
	[bflag:$0x3] =	sbarrier.arrive $0xFFFF;
	s2 =	simm.s32 @!p0 $0x1C01  }
0x58: {  	[timem:s3], [sflag:s2] =	dma.local @!p0 [hbm:s0], s1  }
0x59: {  	s0 =	simm.s32 @!p0 $0x1  }
0x5a: {  	_ =	swait.ge @!p0 [sflag:s0], s1  }
0x5b: {  	s1 =	ssub.s32 @!p0 $0x0, s1;
	[sflag:s0] =	ssyncset.done @!p0 $0x0  }
0x5c: {  	[sflag:s0] =	ssyncadd.s32 @!p0 s1  }
0x5d: {  	[bflag:$0x3] =	sbarrier.arrive $0xFFFF  }
0x5e: {  	_ =	shalt  }

// kernel: gather_offload_async_start
scs
__scs_entry_jumppad:
0x0: {  	(pc) =	sbr.rel $0x88, $3  }
0x1: {  	(tag) =	ssettag $0x0;
	lr =	simm.s32 $0x1  }
0x2: {  	[smem:$0x3F94] =	sst lr;
	_ =	strace $0xD0000000  }
0x3: {  	_ = 	snop  }
0x4: {  	_ = 	snop  }
0x5: {  	_ = 	snop  }
0x6: {  	_ = 	snop  }
0x7: {  	_ = 	snop  }
__scs_overlays_trampoline_lowered:
0x8: {  	[smem:$0x3FA3] =	sst s0  }
0x9: {  	[smem:$0x3FA4] =	sst s1  }
0xa: {  	[smem:$0x3FA5] =	sst s2  }
0xb: {  	[smem:$0x3FA6] =	sst s3  }
0xc: {  	[smem:$0x3FA7] =	sst s4  }
0xd: {  	[smem:$0x3FA8] =	sst s5  }
0xe: {  	[smem:$0x3FA9] =	sst s6  }
0xf: {  	[smem:$0x3FAA] =	sst s7  }
0x10: {  	[smem:$0x3FAB] =	sst s8  }
0x11: {  	[smem:$0x3FAC] =	sst s9;
	s0 =	simm.s32 @!p0 $0x0  }
0x12: {  	s1 =	sld [smem:$0x3F92];
	s0 =	simm.s32 @p0 $0x1  }
0x13: {  	[smem:$0x3FAD] =	sst s0;
	s0 =	simm.s32 @!p1 $0x0  }
0x14: {  	s2 =	sld [smem:$0x3F91];
	s0 =	simm.s32 @p1 $0x1  }
0x15: {  	[smem:$0x3FAE] =	sst s0;
	s0 =	simm.s32 @!p2 $0x0  }
0x16: {  	s3 =	sld [smem:$0x3FDB];
	s0 =	simm.s32 @p2 $0x1  }
0x17: {  	s4 =	simm.s32 $0x1BF5;
	[smem:$0x3FB0] =	sst s0  }
0x18: {  	s0 =	sld [smem:$0x3F93];
	_ =	swait.ge [sflag:s4], $0x0  }
0x19: {  	s7 =	sld [smem:$0x3F94]  }
0x1a: {  	s8 =	sadd.s32 $0xFFFFE003, lr  }
0x1b: {  	s9 =	sadd.s32 $0xFFFFFEF7, lr;
	s5 =	simm.s32 $0xFFFFFFFF;
	p2 =	slt.u32 s8, $0xFFFFF086  }
0x1c: {  	p1 =	slt.u32 s9, $0xF7A;
	s5 =	simm.s32 @!p2 $0x0  }
0x1d: {  	s5 =	simm.s32 @p1 $0x1;
	p0 =	seq.s32 s7, s2  }
0x1e: {  	s7 =	smul.u32 @!p0 $0xF7A, s2;
	p2 =	seq.s32 @!p0 s5, $0x0  }
0x1f: {  	s9 =	smul.u32 $0xF7A, s1;
	s8 =	simm.s32 @!p0 $0x1BF5;
	p2 =	por !p2, p0  }
0x20: {  	[sflag:s8] =	ssyncset.s32 @!p0 $0xFFFFF086;
	s6 =	sadd.s32 @!p0 s3, s7;
	s7 =	simm.s32 @!p0 $0x108  }
0x21: {  	s3 =	sadd.s32 s3, s9;
	s6 =	sadd.s32 @!p0 $0x88, s6;
	s7 =	simm.s32 @p2 $0x1082  }
0x22: {  	[simem:s7], [sflag:s8] =	dma.local @!p0 [hbm:s6], $0xF7A  }
0x23: {  	s9 =	sor.u32 $0xD0000000, s2;
	s6 =	simm.s32 $0x108;
	_ =	swait.ge @!p0 [sflag:s8], $0x0  }
0x24: {  	s3 =	sadd.s32 $0x88, s3;
	s6 =	simm.s32 @!p1 $0x1082;
	[sflag:s4] =	ssyncset.s32 $0xFFFFF086  }
0x25: {  	[simem:s6], [sflag:s4] =	dma.local [hbm:s3], $0xF7A  }
0x26: {  	[smem:$0x3F94] =	sst s1;
	(tag) =	ssettag s2;
	_ =	strace s9  }
0x27: {  	s1 =	sld [smem:$0x3FA4]  }
0x28: {  	s2 =	sld [smem:$0x3FA5]  }
0x29: {  	s4 =	sld [smem:$0x3FA7]  }
0x2a: {  	p0 =	seq.s32 s5, $0x0;
	s5 =	sld [smem:$0x3FA8]  }
0x2b: {  	s6 =	sld [smem:$0x3FA9]  }
0x2c: {  	s7 =	sld [smem:$0x3FAA]  }
0x2d: {  	s3 =	simm.s32 $0x108;
	s8 =	sld [smem:$0x3FAB]  }
0x2e: {  	s3 =	simm.s32 @!p0 $0x1082;
	s9 =	sld [smem:$0x3FAC]  }
0x2f: {  	lr =	sadd.s32 s0, s3;
	s0 =	sld [smem:$0x3FA3]  }
0x30: {  	s3 =	sld [smem:$0x3FA6]  }
0x31: {  	[smem:$0x3FAF] =	sst s10  }
0x32: {  	s10 =	sld [smem:$0x3FAD];
	_ =	sdelay $0x3  }
0x33: {  	p0 =	seq.s32 s10, $0x1;
	s10 =	sld [smem:$0x3FAF];
	_ =	sdelay $0x3  }
0x34: {  	[smem:$0x3FAF] =	sst s10  }
0x35: {  	s10 =	sld [smem:$0x3FAE];
	_ =	sdelay $0x3  }
0x36: {  	p1 =	seq.s32 s10, $0x1;
	s10 =	sld [smem:$0x3FAF];
	_ =	sdelay $0x3  }
0x37: {  	[smem:$0x3FAF] =	sst s10  }
0x38: {  	s10 =	sld [smem:$0x3FB0]  }
0x39: {  	_ = 	snop;
	(pc) =	sbr.ind lr, $3  }
0x3a: {  	_ = 	snop  }
0x3b: {  	_ = 	snop  }
0x3c: {  	p2 =	seq.s32 s10, $0x1;
	s10 =	sld [smem:$0x3FAF]  }
0x3d: {  	_ =	shalt  }
0x3e: {  	_ =	shalt  }
0x3f: {  	_ =	shalt  }
0x40: {  	_ =	shalt  }
0x41: {  	_ =	shalt  }
0x42: {  	_ =	shalt  }
0x43: {  	_ =	shalt  }
0x44: {  	_ =	shalt  }
0x45: {  	_ =	shalt  }
0x46: {  	_ =	shalt  }
0x47: {  	_ =	shalt  }
0x48: {  	_ =	shalt  }
0x49: {  	_ =	shalt  }
0x4a: {  	_ =	shalt  }
0x4b: {  	_ =	shalt  }
0x4c: {  	_ =	shalt  }
0x4d: {  	_ =	shalt  }
0x4e: {  	_ =	shalt  }
0x4f: {  	_ =	shalt  }
0x50: {  	_ =	shalt  }
0x51: {  	_ =	shalt  }
0x52: {  	_ =	shalt  }
0x53: {  	_ =	shalt  }
0x54: {  	_ =	shalt  }
0x55: {  	_ =	shalt  }
0x56: {  	_ =	shalt  }
0x57: {  	_ =	shalt  }
0x58: {  	_ =	shalt  }
0x59: {  	_ =	shalt  }
0x5a: {  	_ =	shalt  }
0x5b: {  	_ =	shalt  }
0x5c: {  	_ =	shalt  }
0x5d: {  	_ =	shalt  }
0x5e: {  	_ =	shalt  }
0x5f: {  	_ =	shalt  }
0x60: {  	_ =	shalt  }
0x61: {  	_ =	shalt  }
0x62: {  	_ =	shalt  }
0x63: {  	_ =	shalt  }
0x64: {  	_ =	shalt  }
0x65: {  	_ =	shalt  }
0x66: {  	_ =	shalt  }
0x67: {  	_ =	shalt  }
0x68: {  	_ =	shalt  }
0x69: {  	_ =	shalt  }
0x6a: {  	_ =	shalt  }
0x6b: {  	_ =	shalt  }
0x6c: {  	_ =	shalt  }
0x6d: {  	_ =	shalt  }
0x6e: {  	_ =	shalt  }
0x6f: {  	_ =	shalt  }
0x70: {  	_ =	shalt  }
0x71: {  	_ =	shalt  }
0x72: {  	_ =	shalt  }
0x73: {  	_ =	shalt  }
0x74: {  	_ =	shalt  }
0x75: {  	_ =	shalt  }
0x76: {  	_ =	shalt  }
0x77: {  	_ =	shalt  }
0x78: {  	_ =	shalt  }
0x79: {  	_ =	shalt  }
0x7a: {  	_ =	shalt  }
0x7b: {  	_ =	shalt  }
0x7c: {  	_ =	shalt  }
0x7d: {  	_ =	shalt  }
0x7e: {  	_ =	shalt  }
0x7f: {  	_ =	shalt  }
0x80: {  	_ =	shalt  }
0x81: {  	_ =	shalt  }
0x82: {  	_ =	shalt  }
0x83: {  	_ =	shalt  }
0x84: {  	_ =	shalt  }
0x85: {  	_ =	shalt  }
0x86: {  	_ =	shalt  }
0x87: {  	_ =	shalt  }
.Lfunc_end0:
.L_simem_size_0:
called_computation_lowered:
.L_overlay_start_0:
0x88: {  	s2 =	sld [smem:$0x3FD9]  }
0x89: {  	s3 =	sld [smem:$0x3FFE];
	_ =	sdelay $0x1  }
0x8a: {  	s1 =	srdreg.scid  }
0x8b: {  	s0 =	sand.u32 $0x1, s1  }
0x8c: {  	s17 =	sshll.u32 s0, $0xA;
	s2 =	sadd.s32 s3, s2  }
0x8d: {  	s2 =	sadd.s32 s2, s17  }
0x8e: {  	[smem:$0x3FBB] =	sst s2  }
0x8f: {  	_ = 	snop  }
0x90: {  	s2 =	sld [smem:$0x3FD0];
	(tm) =	ssettm $0x1  }
0x91: {  	s18 =	sld [smem:$0x3FFB];
	_ =	sdelay $0x3  }
0x92: {  	_ =	strace s18  }
0x93: {  	s3 =	sld [smem:$0x3FFC];
	_ =	sdelay $0x3  }
0x94: {  	_ =	strace s3  }
0x95: {  	s3 =	sld [smem:$0x3FFD];
	_ =	sdelay $0x3  }
0x96: {  	_ =	strace s3  }
0x97: {  	_ =	strace $0x8FFFFFFF  }
0x98: {  	s19 =	sld [smem:$0x3FDB];
	_ =	sdelay $0x1  }
0x99: {  	s4 =	simm.s32 $_scs_section_size  }
0x9a: {  	s5 =	simm.s32 $_size__tile_overlayer_lowered;
	s6 =	simm.s32 $_tile_overlayer_lowered  }
0x9b: {  	s22 =	simm.s32 $0x1BFF;
	s21 =	sshll.u32 s6, $0x1;
	s3 =	sadd.s32 s4, s19  }
0x9c: {  	s7 =	simm.s32 $0x0;
	s20 =	sshll.u32 s5, $0x1;
	s5 =	sadd.s32 s21, s3  }
0x9d: {  	[timem:s7], [sflag:s22] =	dma.local [hbm:s5], s20  }
0x9e: {  	_ =	swait.ge [sflag:s22], s20  }
0x9f: {  	s4 =	ssub.s32 $0x0, s20;
	[sflag:s22] =	ssyncset.done $0x0  }
0xa0: {  	[sflag:s22] =	ssyncadd.s32 s4;
	_ =	sdelay $0x1  }
0xa1: {  	s23 =	simm.s32 $0x1B8B  }
0xa2: {  	_ =	swait.ge [sflag:s23], $0x1  }
0xa3: {  	[sflag:s23] =	ssyncset.done $0x0  }
0xa4: {  	s25 =	simm.s32 $0x1B8E;
	s24 =	sld [smem:$0x3FFE];
	[sflag:s23] =	ssyncadd.s32 $0xFFFFFFFF  }
0xa5: {  	s26 =	simm.s32 $execute0_lowered;
	[smem:$0x3FD2] =	sst s25  }
0xa6: {  	s5 =	sshll.u32 s26, $0x1;
	_ =	strace $0x80000046;
	[dreg:$0x1] =	wrdreg $0xFFFFFFFF  }
0xa7: {  	s28 =	simm.s32 $_size_execute0_lowered;
	s3 =	sadd.s32 s3, s5;
	[dreg:$0x0] =	wrdreg $0x0  }
0xa8: {  	s5 =	sshll.u32 s28, $0x1;
	[dreg:$0x2] =	wrdreg s3  }
0xa9: {  	[dreg:$0x3] =	wrdreg s5  }
0xaa: {  	[dreg:$0x4] =	wrdreg $0xC0  }
0xab: {  	_ =	task [dreg:s7], $0x5FFFF  }
0xac: {  	[dreg:$0x1] =	wrdreg $0xFFFFFFFF  }
0xad: {  	[dreg:$0x0] =	wrdreg $0x60  }
0xae: {  	[dreg:$0x2] =	wrdreg s2  }
0xaf: {  	[dreg:$0x3] =	wrdreg s24  }
0xb0: {  	[dreg:$0x4] =	wrdreg $0x9  }
0xb1: {  	_ =	task.clear_ibuf [dreg:s7], $0x5FFFF;
	_ =	strace $0x90000046  }
0xb2: {  	s29 =	simm.s32 $0x9;
	_ =	strace $0x80000048  }
0xb3: {  	_ =	swait.ge [sflag:s29], $0x1  }
0xb4: {  	[sflag:s29] =	ssyncadd.s32 $0xFFFFFFFF  }
0xb5: {  	_ =	strace $0x90000048  }
0xb6: {  	_ =	sfence  }
0xb7: {  	s30 =	sld [smem:$0x0];
	_ =	sdelay $0x2  }
0xb8: {  	s31 =	sshll.u32 s1, $0xD;
	s1 =	sshrl.u32 s1, $0x2  }
0xb9: {  	s3 =	sand.u32 $0x4000, s31;
	s1 =	sadd.s32 s1, s30  }
0xba: {  	s0 =	sor.u32 s3, s0;
	s1 =	sshll.u32 s1, $0x11  }
0xbb: {  	s0 =	sor.u32 s1, s0  }
0xbc: {  	s0 =	sadd.s32 $0x8F2B, s0  }
0xbd: {  	[sflag:s0] =	ssyncadd.remote.s32 $0x1  }
0xbe: {  	_ =	sfence.sel $0xFFFF  }
0xbf: {  	[dreg:$0x0] =	wrdreg $0xFFFFFFFF;
	(pc) =	sbr.abs _section_cstart, $3  }
0xc0: {  	[dreg:$0x1] =	wrdreg $0xFFFFFFFF  }
0xc1: {  	_ =	task.clear_ibuf [dreg:s7], $0x2FFFF;
	_ =	strace $0x9FFFFFFF  }
0xc2: {  	(tm) =	ssettm $0x7FFFFFFF  }
0xc3: {  	_ =	shalt  }
tec
execute0_lowered:
.L_overlay_start_1:
0x0: {  	(tag) =	ssettag $0x1  }
0x1: {  	s2 =	rddreg [dreg:$0x0]  }
0x2: {  	s7 =	rddreg [dreg:$0x1]  }
0x3: {  	s0 =	rddreg [dreg:$0x2]  }
0x4: {  	s1 =	srdreg.scid;
	_ =	strace $0x80000047;
	s4 =	simm.s32 $0x1  }
0x5: {  	s9 =	simm.s32 $0x3;
	s12 =	simm.s32 $0x0;
	s5 =	sshll.u32 s1, $0x4  }
.Ltmp0:
0x6: {  	s1 =	stileid.u32;
	s5 =	sand.u32 $0x10, s5;
	(pc) =	sbr.rel .LBB2_1-.Ltmp0, $4  }
0x7: {  	s10 =	simm.s32 $0x0;
	s3 =	sadd.s32 $0x2C00, s7;
	s6 =	sor.u32 s1, s5  }
0x8: {  	[sflag:s4] =	ssyncpa.u1 $0x0;
	s5 =	simm.s32 $0x2;
	s6 =	sshll.u32 s6, $0x7  }
0x9: {  	s7 =	sadd.s32 $0x12E00, s7;
	[sflag:s5] =	ssyncpa.u1 $0x0;
	s8 =	sadd.s32 $0x80, s6  }
0xa: {  	vm0 =	vmmov $0xff;
	vm1 =	vcmask $0x3F20;
	[sflag:s9] =	ssyncpa.u1 $0x0;
	s9 =	simm.s32 $0x80;
	s11 =	smov.u32 s6  }
.LBB2_9:
0xb: {  	p0 =	seq.s32 s10, $0x2  }
.Ltmp1:
0xc: {  	_ = 	snop;
	(pc) =	sbr.rel @p0 .LBB2_11-.Ltmp1, $1  }
0xd: {  	_ =	sdelay $0x3  }
.LBB2_10:
0xe: {  	s12 =	sadd.s32 $0x80, s11  }
0xf: {  	s13 =	smov.u32 s6;
	p0 =	slt.s32 s12, s8  }
0x10: {  	s13 =	smov.u32 @p0 s12  }
0x11: {  	s10 =	sadd.s32 $0x1, s10;
	s12 =	smov.u32 s11;
	s11 =	smov.u32 s13  }
.LBB2_1:
0x12: {  	p0 =	sne.s32 s10, $0x0  }
.Ltmp2:
0x13: {  	_ = 	snop;
	(pc) =	sbr.rel @!p0 .LBB2_2-.Ltmp2, $1  }
0x14: {  	_ =	sdelay $0x3  }
0x15: {  	s13 =	sand.u32 $0x1, s10  }
0x16: {  	p0 =	seq.s32 s13, $0x0  }
.Ltmp3:
0x17: {  	_ = 	snop;
	(pc) =	sbr.rel @p0 .LBB2_9-.Ltmp3, $1  }
0x18: {  	_ =	sdelay $0x3  }
0x19: {  	_ =	swait.ge [sflag:s5], $0x80  }
0x1a: {  	[sflag:s5] =	ssyncset.done $0x0  }
0x1b: {  	s13 =	simm.s32 $0x0;
	[sflag:s5] =	ssyncadd.s32 $0xFFFFFF80  }
0x1c: {  	v0 =	vld.msk [tilespmem:s13+$0x80 ss:$0x1], $0xffff;
	_ =	sdelay $0x4  }
0x1d: {  	vm2 =	vgt.s32 v0, $0x0  }
0x1e: {  	v0 =	vnsel vm2, $0x0, v0  }
0x1f: {  	v0 =	vmin.u32 v0, $0xFFF  }
0x20: {  	v0 =	vshll.u32 v0, $0x4;
	_ =	sdelay $0x3  }
0x21: {  	s13 =	simm.s32 $0x4100  }
0x22: {  	[tilespmem:s13], [sflag:$0x1] =	stream.indirect_vreg.gather [hbm:s2], $0x80, v0, vm0, $0x38;
	[tilespmem:$0x8100] =	vst v63  }
0x23: {  	s14 =	simm.s32 $0x4500;
	s31 =	simm.s32 $0x10  }
0x24: {  	[tilespmem:s14], [sflag:$0x1] =	stream.indirect_vreg.gather [hbm:s2], $0x80, v0, vm1, $0x38;
	[tilespmem:$0x8100] =	vst v63  }
0x25: {  	s14 =	simm.s32 $0x80;
	v0 =	vld.msk [tilespmem:s31+$0x80 ss:$0x1], $0xffff  }
.LBB2_5:
0x26: {  	p0 =	sne.s32 s14, $0x1C0;
	_ =	sdelay $0x4  }
0x27: {  	vm2 =	vgt.s32 v0, $0x0  }
0x28: {  	v0 =	vnsel vm2, $0x0, v0  }
0x29: {  	v0 =	vmin.u32 v0, $0xFFF  }
0x2a: {  	v0 =	vshll.u32 v0, $0x4;
	_ =	sdelay $0x3  }
.Ltmp4:
0x2b: {  	s13 =	sadd.s32 $0x800, s13;
	(pc) =	sbr.rel @p0 .LBB2_5-.Ltmp4, $4  }
0x2c: {  	[tilespmem:s13], [sflag:$0x1] =	stream.indirect_vreg.gather [hbm:s2], $0x80, v0, vm0, $0x38;
	[tilespmem:$0x8100] =	vst v63  }
0x2d: {  	s15 =	sshra.s32 s14, $0x2;
	s16 =	sadd.s32 $0x400, s13  }
0x2e: {  	[tilespmem:s16], [sflag:$0x1] =	stream.indirect_vreg.gather [hbm:s2], $0x80, v0, vm1, $0x38;
	[tilespmem:$0x8100] =	vst v63  }
0x2f: {  	s14 =	sadd.s32 $0x40, s14;
	v0 =	vld.msk [tilespmem:s15+$0x80 ss:$0x1], $0xffff  }
0x30: {  	_ =	sdelay $0x3  }
0x31: {  	vm2 =	vgt.s32 v0, $0x0  }
0x32: {  	v0 =	vnsel vm2, $0x0, v0  }
0x33: {  	v0 =	vmin.u32 v0, $0xFFF  }
0x34: {  	v0 =	vshll.u32 v0, $0x4;
	_ =	sdelay $0x3  }
0x35: {  	s13 =	sadd.s32 $0x800, s13  }
0x36: {  	[tilespmem:s13], [sflag:$0x1] =	stream.indirect_vreg.gather [hbm:s2], $0x80, v0, vm0, $0x38;
	[tilespmem:$0x8100] =	vst v63  }
0x37: {  	s13 =	sadd.s32 $0x400, s13  }
0x38: {  	[tilespmem:s13], [sflag:$0x1] =	stream.indirect_vreg.gather [hbm:s2], $0x80, v0, vm1, $0x38;
	[tilespmem:$0x8100] =	vst v63  }
0x39: {  	s12 =	sshll.u32 s12, $0x4;
	s14 =	simm.s32 $0x80;
	_ =	swait.ge [sflag:s4], $0x4000  }
0x3a: {  	s15 =	simm.s32 $0x4500;
	s12 =	sadd.s32 s12, s7;
	[sflag:s4] =	ssyncset.done $0x0  }
0x3b: {  	s16 =	sadd.s32 $0x0, s12;
	s13 =	simm.s32 $0x4100;
	[sflag:s4] =	ssyncadd.s32 $0xFFFFC000  }
.LBB2_7:
0x3c: {  	[hbm:s16] =	stream.linear.scatter [tilespmem:s13], [sflag:$0x3], $0x400, $0x38;
	[tilespmem:$0x8100] =	vst v63  }
0x3d: {  	s16 =	smov.u32 s14;
	s13 =	smov.u32 s15;
	p0 =	sne.s32 s14, $0x780  }
.Ltmp5:
0x3e: {  	s14 =	sadd.s32 $0x80, s14;
	(pc) =	sbr.rel @p0 .LBB2_7-.Ltmp5, $2  }
0x3f: {  	_ =	sdelay $0x2  }
0x40: {  	s15 =	sadd.s32 $0x400, s15;
	s16 =	sadd.s32 s16, s12  }
.Ltmp6:
0x41: {  	(pc) =	sbr.rel .LBB2_9-.Ltmp6, $2  }
0x42: {  	_ =	sdelay $0x2  }
0x43: {  	[hbm:s16] =	stream.linear.scatter [tilespmem:s13], [sflag:$0x3], $0x400, $0x38;
	[tilespmem:$0x8100] =	vst v63  }
.LBB2_2:
.Ltmp7:
0x44: {  	(pc) =	sbr.rel .LBB2_10-.Ltmp7, $4  }
0x45: {  	_ = 	snop  }
0x46: {  	s12 =	sshrl.u32 s11, $0x3  }
0x47: {  	s13 =	sand.u32 $0x7, s11;
	s12 =	sadd.s32 s3, s12  }
0x48: {  	[tilespmem:s9], [sflag:$0x2] =	stream.linear.gather [hbm4b:s12+s13], $0x80, $0x38;
	[tilespmem:$0x8100] =	vst v63  }
.LBB2_11:
0x49: {  	s2 =	simm.s32 $0x3  }
0x4a: {  	_ =	swait.ge [sflag:s2], $0x4000  }
0x4b: {  	[sflag:s2] =	ssyncset.done $0x0  }
0x4c: {  	[sflag:s2] =	ssyncadd.s32 $0xFFFFC000  }
0x4d: {  	_ =	sfence.sel $0x180000  }
0x4e: {  	s3 =	simm.s32 $0x2;
	[bflag:$0x0] =	sbarrier.arrive $0xFFFF  }
0x4f: {  	[sflag:s3] =	ssyncpa.u1 $0x1  }
0x50: {  	s31 =	simm.s32 $0x1;
	[sflag:s2] =	ssyncpa.u1 $0x1  }
0x51: {  	[sflag:s31] =	ssyncpa.u1 $0x1  }
0x52: {  	p0 =	sne.s32 s1, $0x0;
	_ =	strace $0x90000047  }
0x53: {  	s0 =	sadd.s32 @!p0 $0x100000, s0;
	[bflag:$0x2] =	sbarrier.arrive $0xFFFF  }
0x54: {  	[sflag:s0] =	ssyncadd.tile.s32 @!p0 $0x1;
	_ =	shalt  }
.Lfunc_end2:
_tile_overlayer_lowered:
.L_overlay_start_2:
0x55: {  	(tag) =	ssettag $0x2  }
0x56: {  	s0 =	rddreg [dreg:$0x0];
	s2 =	stileid.u32  }
0x57: {  	s1 =	rddreg [dreg:$0x1];
	p0 =	sne.s32 s2, $0x0  }
0x58: {  	s3 =	rddreg [dreg:$0x2];
	[bflag:$0x3] =	sbarrier.arrive $0xFFFF;
	s2 =	simm.s32 @!p0 $0x1C01  }
0x59: {  	[timem:s3], [sflag:s2] =	dma.local @!p0 [hbm:s0], s1  }
0x5a: {  	s0 =	simm.s32 @!p0 $0x1  }
0x5b: {  	_ =	swait.ge @!p0 [sflag:s0], s1  }
0x5c: {  	s1 =	ssub.s32 @!p0 $0x0, s1;
	[sflag:s0] =	ssyncset.done @!p0 $0x0  }
0x5d: {  	[sflag:s0] =	ssyncadd.s32 @!p0 s1  }
0x5e: {  	[bflag:$0x3] =	sbarrier.arrive $0xFFFF  }
0x5f: {  	_ =	shalt  }

</sc_bundles>
